<compile_context>
chip_gen: v7x
topology: tpu7x:2x2x1
jax: 0.10.2.dev20260603
libtpu: 0.0.44.dev20260713+nightly
codegen_flags: <defaults>
</compile_context>

<pallas_src>
import jax
import jax.numpy as jnp
from jax import lax
from jax.experimental import pallas as pl
from jax.experimental.pallas import tpu as pltpu
from jax.experimental.pallas import tpu_sc as plsc

N_NODES = 10000
N_EDGES = 320000
IN_CH = 128
H1 = 64
H2 = 32
MLP1 = 16
NUM_GRAPHS = 64

NC = 2
NS = 16
NW = NC * NS
C = 128
NCHUNK = N_EDGES // C
KM = NCHUNK // NW
NX = NCHUNK - KM * NW
R = 10112
STRIPE = R // NS
NB = 6

_mesh = plsc.VectorSubcoreMesh(core_axis_name="c", subcore_axis_name="s")
_sc_params = pltpu.CompilerParams(use_tc_tiling_on_sc=False)


def _worker_id():
    return lax.axis_index("c") * NS + lax.axis_index("s")


def _deg_body(ei3, ones_hbm, zeros_hbm, out, idx_c, idx_ce, ones_v, acc,
              sem):
    cid = lax.axis_index("c")
    sid = lax.axis_index("s")
    wid = _worker_id()
    extra = wid >= NW - NX
    pltpu.sync_copy(ei3.at[1, pl.ds(wid * KM, KM)], idx_c)

    @pl.when(extra)
    def _():
        pltpu.sync_copy(ei3.at[1, pl.ds(KM * NW + wid - (NW - NX), 1)],
                        idx_ce)

    pltpu.sync_copy(ones_hbm, ones_v)
    pltpu.sync_copy(zeros_hbm.at[pl.ds(sid * STRIPE, STRIPE)],
                    acc.at[pl.ds(sid * STRIPE, STRIPE)])
    plsc.subcore_barrier()

    def body(j, carry):
        pltpu.async_copy(ones_v, acc.at[idx_c.at[j]], sem, add=True)
        return carry

    lax.fori_loop(0, KM, body, 0)

    @pl.when(extra)
    def _():
        pltpu.async_copy(ones_v, acc.at[idx_ce.at[0]], sem, add=True)

    def drain(j, carry):
        pltpu.make_async_copy(ones_v, acc.at[idx_c.at[0]], sem).wait()
        return carry

    lax.fori_loop(0, KM, drain, 0)

    @pl.when(extra)
    def _():
        pltpu.make_async_copy(ones_v, acc.at[idx_c.at[0]], sem).wait()

    plsc.subcore_barrier()
    pltpu.sync_copy(acc.at[pl.ds(sid * STRIPE, STRIPE)],
                    out.at[pl.ds(sid * STRIPE, STRIPE), pl.ds(cid * 16, 16)])


_deg_kernel = pl.kernel(
    _deg_body,
    out_type=jax.ShapeDtypeStruct((R, 128), jnp.float32),
    mesh=_mesh,
    scratch_types=[
        pltpu.VMEM((KM, C), jnp.int32),
        pltpu.VMEM((1, C), jnp.int32),
        pltpu.VMEM((C, 16), jnp.float32),
        pltpu.VMEM_SHARED((R, 16), jnp.float32),
        pltpu.SemaphoreType.DMA,
    ],
    compiler_params=_sc_params,
)


def _agg_body(ei3, xs, zeros_hbm, out, idx_r, idx_c, idx_re, idx_ce,
              bufs, acc, sem_g, sem_s, *, d):
    cid = lax.axis_index("c")
    sid = lax.axis_index("s")
    wid = _worker_id()
    extra = wid >= NW - NX
    pltpu.sync_copy(ei3.at[0, pl.ds(wid * KM, KM)], idx_r)
    pltpu.sync_copy(ei3.at[1, pl.ds(wid * KM, KM)], idx_c)

    @pl.when(extra)
    def _():
        xo = KM * NW + wid - (NW - NX)
        pltpu.sync_copy(ei3.at[0, pl.ds(xo, 1)], idx_re)
        pltpu.sync_copy(ei3.at[1, pl.ds(xo, 1)], idx_ce)

    G = KM // NB

    def wait_gather(b):
        pltpu.make_async_copy(xs.at[idx_r.at[0]], bufs.at[b],
                              sem_g.at[b]).wait()

    def wait_scatter(b):
        pltpu.make_async_copy(bufs.at[b], acc.at[idx_c.at[0]],
                              sem_s.at[b]).wait()

    for b in range(NB):
        pltpu.async_copy(xs.at[idx_r.at[b]], bufs.at[b], sem_g.at[b])
    pltpu.sync_copy(zeros_hbm.at[pl.ds(sid * STRIPE, STRIPE)],
                    acc.at[pl.ds(sid * STRIPE, STRIPE)])
    plsc.subcore_barrier()

    def body(i, carry):
        for b in range(NB):
            wait_gather(b)
            pltpu.async_copy(bufs.at[b], acc.at[idx_c.at[i * NB + b]],
                             sem_s.at[b], add=True)

        @pl.when(i + 1 < G)
        def _():
            for b in range(NB):
                wait_scatter(b)
                pltpu.async_copy(xs.at[idx_r.at[(i + 1) * NB + b]],
                                 bufs.at[b], sem_g.at[b])

        return carry

    lax.fori_loop(0, G, body, 0)
    for b in range(NB):
        wait_scatter(b)

    @pl.when(extra)
    def _():
        pltpu.async_copy(xs.at[idx_re.at[0]], bufs.at[0], sem_g.at[0]).wait()
        pltpu.sync_copy(bufs.at[0], acc.at[idx_ce.at[0]], add=True)

    plsc.subcore_barrier()
    pltpu.sync_copy(acc.at[pl.ds(sid * STRIPE, STRIPE)],
                    out.at[pl.ds(sid * STRIPE, STRIPE), pl.ds(cid * d, d)])


def _make_agg(d):
    import functools
    return pl.kernel(
        functools.partial(_agg_body, d=d),
        out_type=jax.ShapeDtypeStruct((R, 128), jnp.float32),
        mesh=_mesh,
        scratch_types=[
            pltpu.VMEM((KM, C), jnp.int32),
            pltpu.VMEM((KM, C), jnp.int32),
            pltpu.VMEM((1, C), jnp.int32),
            pltpu.VMEM((1, C), jnp.int32),
            pltpu.VMEM((NB, C, d), jnp.float32),
            pltpu.VMEM_SHARED((R, d), jnp.float32),
            pltpu.SemaphoreType.DMA((NB,)),
            pltpu.SemaphoreType.DMA((NB,)),
        ],
        compiler_params=_sc_params,
    )


_agg64 = _make_agg(H1)
_agg32 = _make_agg(H2)


def _leaky(v):
    return jnp.where(v >= 0, v, 0.01 * v)


def _bn(h, g, be):
    mu = jnp.mean(h, axis=0, keepdims=True)
    var = jnp.mean((h - mu) * (h - mu), axis=0, keepdims=True)
    return (h - mu) * lax.rsqrt(var + 1e-5) * g + be


def _tc_a_body(degp_ref, x_ref, w1_ref, dinv_ref, xs1_ref):
    deg = degp_ref[:N_NODES, 0:1] + degp_ref[:N_NODES, 16:17] + 1.0
    dinv = lax.rsqrt(deg)
    dinv_ref[...] = dinv
    xs1_ref[...] = jnp.dot(x_ref[...] * dinv, w1_ref[...],
                           preferred_element_type=jnp.float32,
                           precision=lax.Precision.HIGHEST)


_tc_a_call = pl.pallas_call(
    _tc_a_body,
    out_shape=[jax.ShapeDtypeStruct((N_NODES, 1), jnp.float32),
               jax.ShapeDtypeStruct((N_NODES, H1), jnp.float32)],
)


def _tc_b_body(sp_ref, xs1_ref, dinv_ref, b1_ref, g1_ref, be1_ref, w2_ref,
               xs2_ref):
    s = sp_ref[:N_NODES, 0:H1] + sp_ref[:N_NODES, H1:2 * H1]
    dv = dinv_ref[...]
    h = dv * (s + xs1_ref[...]) + b1_ref[...]
    h = _bn(_leaky(h), g1_ref[...], be1_ref[...])
    xs2_ref[...] = jnp.dot(h * dv, w2_ref[...],
                           preferred_element_type=jnp.float32,
                           precision=lax.Precision.HIGHEST)


def _tc_c_body(sp_ref, xs2_ref, dinv_ref, b2_ref, g2_ref, be2_ref, batch_ref,
               w3_ref, b3_ref, w4_ref, b4_ref, out_ref):
    s = sp_ref[:N_NODES, 0:H2] + sp_ref[:N_NODES, H2:2 * H2]
    dv = dinv_ref[...]
    h = dv * (s + xs2_ref[...]) + b2_ref[...]
    h = _bn(_leaky(h), g2_ref[...], be2_ref[...])
    seg = lax.broadcasted_iota(jnp.int32, (N_NODES, NUM_GRAPHS), 1)
    onehot = (seg == batch_ref[...]).astype(jnp.float32)
    pooled = lax.dot_general(onehot, h, (((0,), (0,)), ((), ())),
                             preferred_element_type=jnp.float32,
                             precision=lax.Precision.HIGHEST)
    z = _leaky(jnp.dot(pooled, w3_ref[...],
                       preferred_element_type=jnp.float32,
                           precision=lax.Precision.HIGHEST) + b3_ref[...])
    out_ref[...] = jnp.dot(z, w4_ref[...],
                           preferred_element_type=jnp.float32,
                           precision=lax.Precision.HIGHEST) + b4_ref[...]


def _tc_call(body, out_shapes):
    return pl.pallas_call(body, out_shape=out_shapes)


def kernel(x, edge_index, batch, W1, b1, g1, be1, W2, b2, g2, be2, W3, b3,
           W4, b4):
    ei3 = edge_index.reshape(2, NCHUNK, C)
    ones16 = jnp.ones((C, 16), jnp.float32)
    zeros16 = jnp.zeros((R, 16), jnp.float32)
    zeros64 = jnp.zeros((R, H1), jnp.float32)
    zeros32 = jnp.zeros((R, H2), jnp.float32)

    degp = _deg_kernel(ei3, ones16, zeros16)

    dinv, xs1 = _tc_a_call(degp, x, W1)

    sp1 = _agg64(ei3, xs1, zeros64)

    xs2 = _tc_call(
        _tc_b_body,
        jax.ShapeDtypeStruct((N_NODES, H2), jnp.float32),
    )(sp1, xs1, dinv, b1.reshape(1, H1), g1.reshape(1, H1),
      be1.reshape(1, H1), W2)

    sp2 = _agg32(ei3, xs2, zeros32)

    out = _tc_call(
        _tc_c_body,
        jax.ShapeDtypeStruct((NUM_GRAPHS, 1), jnp.float32),
    )(sp2, xs2, dinv, b2.reshape(1, H2), g2.reshape(1, H2),
      be2.reshape(1, H2), batch.reshape(N_NODES, 1), W3,
      b3.reshape(1, MLP1), W4, b4.reshape(1, 1))

    return out

# --- scband reference (transcript-rebuilt; emitter-appended) ---
"""Pipeline reference for scband-eeggraph-conv-net-mini-28080496181547 (READ-ONLY COPY).

The authoritative reference and input builder live on the scoring server;
editing this copy changes nothing except your own understanding.
"""

import jax, jax.numpy as jnp
import numpy as np

N_NODES = 10000
N_EDGES = 320000
IN_CH = 128
H1 = 64
H2 = 32
MLP1 = 16
MLP2 = 1
NUM_GRAPHS = 64


def gcn_conv(x, edge_index, W, b):
    # PyG GCNConv: add self-loops, symmetric normalization, linear transform, scatter-add aggregate
    N = x.shape[0]
    row = edge_index[0]
    col = edge_index[1]
    loop = jnp.arange(N, dtype=row.dtype)
    row = jnp.concatenate([row, loop])
    col = jnp.concatenate([col, loop])
    deg = jnp.zeros((N,), dtype=x.dtype).at[col].add(1.0)
    dinv = jnp.where(deg > 0, deg ** -0.5, 0.0)
    norm = dinv[row] * dinv[col]
    xw = x @ W
    msg = jnp.take(xw, row, axis=0) * norm[:, None]
    out = jnp.zeros((N, W.shape[1]), dtype=x.dtype).at[col].add(msg)
    return out + b


def batch_norm(x, gamma, beta, eps=1e-5):
    # training-mode batch norm over the node dimension
    mu = jnp.mean(x, axis=0)
    var = jnp.var(x, axis=0)
    return (x - mu) / jnp.sqrt(var + eps) * gamma + beta


def setup_inputs(seed: int = 0) -> dict:
    key = jax.random.key(seed)
    ks = jax.random.split(key, 12)
    x = jax.random.normal(ks[0], (N_NODES, IN_CH), dtype=jnp.float32)
    edge_index = jax.random.randint(ks[1], (2, N_EDGES), 0, N_NODES, dtype=jnp.int32)
    batch = jnp.sort(jax.random.randint(ks[2], (N_NODES,), 0, NUM_GRAPHS, dtype=jnp.int32))
    W1 = jax.random.normal(ks[3], (IN_CH, H1), dtype=jnp.float32) * (1.0 / np.sqrt(IN_CH))
    b1 = jnp.zeros((H1,), dtype=jnp.float32)
    g1 = jnp.ones((H1,), dtype=jnp.float32)
    be1 = jnp.zeros((H1,), dtype=jnp.float32)
    W2 = jax.random.normal(ks[4], (H1, H2), dtype=jnp.float32) * (1.0 / np.sqrt(H1))
    b2 = jnp.zeros((H2,), dtype=jnp.float32)
    g2 = jnp.ones((H2,), dtype=jnp.float32)
    be2 = jnp.zeros((H2,), dtype=jnp.float32)
    W3 = jax.random.normal(ks[5], (H2, MLP1), dtype=jnp.float32) * (1.0 / np.sqrt(H2))
    b3 = jnp.zeros((MLP1,), dtype=jnp.float32)
    W4 = jax.random.normal(ks[6], (MLP1, MLP2), dtype=jnp.float32) * (1.0 / np.sqrt(MLP1))
    b4 = jnp.zeros((MLP2,), dtype=jnp.float32)
    return {"x": x, "edge_index": edge_index, "batch": batch,
            "W1": W1, "b1": b1, "g1": g1, "be1": be1,
            "W2": W2, "b2": b2, "g2": g2, "be2": be2,
            "W3": W3, "b3": b3, "W4": W4, "b4": b4}


def reference(x, edge_index, batch, W1, b1, g1, be1, W2, b2, g2, be2, W3, b3, W4, b4):
    h = gcn_conv(x, edge_index, W1, b1)
    h = jax.nn.leaky_relu(h, negative_slope=0.01)
    h = batch_norm(h, g1, be1)
    h = gcn_conv(h, edge_index, W2, b2)
    h = jax.nn.leaky_relu(h, negative_slope=0.01)
    h = batch_norm(h, g2, be2)
    pooled = jax.ops.segment_sum(h, batch, num_segments=NUM_GRAPHS)
    z = pooled @ W3 + b3
    z = jax.nn.leaky_relu(z, negative_slope=0.01)
    # dropout is identity in eval mode
    out = z @ W4 + b4
    return out

if __name__ == "__main__":
    import jax
    _d = setup_inputs()
    print(jax.jit(kernel)(*tuple(_d.values())))

</pallas_src>

<mosaic_0001>
#map = affine_map<(d0, d1) -> (0, 0, 0)>
#map1 = affine_map<(d0, d1) -> (0, 0)>
module attributes {stable_mosaic.version = 14 : i64} {
  func.func @_deg_body(%arg0: i32, %arg1: i32, %arg2: memref<2x2500x128xi32, #tpu.memory_space<hbm>>, %arg3: memref<128x16xf32, #tpu.memory_space<hbm>>, %arg4: memref<10112x16xf32, #tpu.memory_space<hbm>>, %arg5: memref<10112x128xf32, #tpu.memory_space<hbm>>, %arg6: memref<78x128xi32, #tpu.memory_space<vmem>>, %arg7: memref<1x128xi32, #tpu.memory_space<vmem>>, %arg8: memref<128x16xf32, #tpu.memory_space<vmem>>, %arg9: memref<10112x16xf32, #tpu.memory_space<vmem_shared>>, %arg10: memref<!tpu.dma_semaphore, #tpu.memory_space<semaphore_mem>>) attributes {dimension_semantics = [#tpu.dimension_semantics<core_parallel>, #tpu.dimension_semantics<subcore_parallel>], iteration_bounds = array<i64: 2, 16>, scalar_prefetch = 0 : i64, scratch_operands = 5 : i64, tpu.core_type = #tpu.core_type<sc_vector_subcore>, window_params = [{transform_indices = #map}, {transform_indices = #map1}, {transform_indices = #map1}, {transform_indices = #map1}]} {
    %mul3A = arith.constant 16 : i32
    %mul3A_0 = arith.muli %arg0, %mul3A : i32
    %add3A = arith.addi %mul3A_0, %arg1 : i32
    %ge3A = arith.constant 28 : i32
    %ge3A_1 = arith.cmpi sge, %add3A, %ge3A : i32
    %mul3A_2 = arith.constant 78 : i32
    %mul3A_3 = arith.muli %add3A, %mul3A_2 : i32
    %run_scoped3A = arith.constant 1 : i32
    "tpu.region"() ({
      %run_scoped3A_33 = tpu.sem_alloc : memref<!tpu.dma_semaphore, #tpu.memory_space<semaphore_mem>>
      %dma_start3A = arith.constant 0 : i32
      %dma_start3A_34 = tpu.memref_slice %arg2[%run_scoped3A, %mul3A_3, %dma_start3A] : memref<2x2500x128xi32, #tpu.memory_space<hbm>> -> memref<1x78x128xi32, #tpu.memory_space<hbm>>
      %dma_start3A_35 = tpu.memref_squeeze %dma_start3A_34 : memref<1x78x128xi32, #tpu.memory_space<hbm>> -> memref<78x128xi32, #tpu.memory_space<hbm>>
      %dma_start3A_36 = arith.constant 0 : i32
      %dma_start3A_37 = tpu.memref_slice %arg2[%run_scoped3A, %mul3A_3, %dma_start3A_36] : memref<2x2500x128xi32, #tpu.memory_space<hbm>> -> memref<1x78x128xi32, #tpu.memory_space<hbm>>
      %dma_start3A_38 = tpu.memref_squeeze %dma_start3A_37 : memref<1x78x128xi32, #tpu.memory_space<hbm>> -> memref<78x128xi32, #tpu.memory_space<hbm>>
      tpu.enqueue_dma source(%dma_start3A_38 : memref<78x128xi32, #tpu.memory_space<hbm>>) target(%arg6 : memref<78x128xi32, #tpu.memory_space<vmem>>) target_semaphore(%run_scoped3A_33 : memref<!tpu.dma_semaphore, #tpu.memory_space<semaphore_mem>>)
      %dma_wait3A = arith.constant 0 : i32
      %dma_wait3A_39 = tpu.memref_slice %arg2[%run_scoped3A, %mul3A_3, %dma_wait3A] : memref<2x2500x128xi32, #tpu.memory_space<hbm>> -> memref<1x78x128xi32, #tpu.memory_space<hbm>>
      %dma_wait3A_40 = tpu.memref_squeeze %dma_wait3A_39 : memref<1x78x128xi32, #tpu.memory_space<hbm>> -> memref<78x128xi32, #tpu.memory_space<hbm>>
      %dma_wait3A_41 = arith.constant 0 : i32
      %dma_wait3A_42 = tpu.memref_slice %arg2[%run_scoped3A, %mul3A_3, %dma_wait3A_41] : memref<2x2500x128xi32, #tpu.memory_space<hbm>> -> memref<1x78x128xi32, #tpu.memory_space<hbm>>
      %dma_wait3A_43 = tpu.memref_squeeze %dma_wait3A_42 : memref<1x78x128xi32, #tpu.memory_space<hbm>> -> memref<78x128xi32, #tpu.memory_space<hbm>>
      tpu.wait_dma2 semaphore(%run_scoped3A_33 : memref<!tpu.dma_semaphore, #tpu.memory_space<semaphore_mem>>) src(%dma_wait3A_43 : memref<78x128xi32, #tpu.memory_space<hbm>>) dst(%arg6 : memref<78x128xi32, #tpu.memory_space<vmem>>)
      tpu.yield
    }) : () -> ()
    %convert_element_type3A = arith.extui %ge3A_1 : i1 to i32
    %cond3A = arith.constant 0 : i32
    %cond3A_4 = arith.cmpi ne, %convert_element_type3A, %cond3A : i32
    scf.if %cond3A_4 {
      %add3A_33 = arith.constant 2496 : i32
      %add3A_34 = arith.addi %add3A_33, %add3A : i32
      %sub3A = arith.constant 28 : i32
      %sub3A_35 = arith.subi %add3A_34, %sub3A : i32
      %run_scoped3A_36 = arith.constant 1 : i32
      "tpu.region"() ({
        %run_scoped3A_37 = tpu.sem_alloc : memref<!tpu.dma_semaphore, #tpu.memory_space<semaphore_mem>>
        %dma_start3A = arith.constant 0 : i32
        %dma_start3A_38 = tpu.memref_slice %arg2[%run_scoped3A_36, %sub3A_35, %dma_start3A] : memref<2x2500x128xi32, #tpu.memory_space<hbm>> -> memref<1x1x128xi32, #tpu.memory_space<hbm>>
        %dma_start3A_39 = tpu.memref_squeeze %dma_start3A_38 : memref<1x1x128xi32, #tpu.memory_space<hbm>> -> memref<1x128xi32, #tpu.memory_space<hbm>>
        %dma_start3A_40 = arith.constant 0 : i32
        %dma_start3A_41 = tpu.memref_slice %arg2[%run_scoped3A_36, %sub3A_35, %dma_start3A_40] : memref<2x2500x128xi32, #tpu.memory_space<hbm>> -> memref<1x1x128xi32, #tpu.memory_space<hbm>>
        %dma_start3A_42 = tpu.memref_squeeze %dma_start3A_41 : memref<1x1x128xi32, #tpu.memory_space<hbm>> -> memref<1x128xi32, #tpu.memory_space<hbm>>
        tpu.enqueue_dma source(%dma_start3A_42 : memref<1x128xi32, #tpu.memory_space<hbm>>) target(%arg7 : memref<1x128xi32, #tpu.memory_space<vmem>>) target_semaphore(%run_scoped3A_37 : memref<!tpu.dma_semaphore, #tpu.memory_space<semaphore_mem>>)
        %dma_wait3A = arith.constant 0 : i32
        %dma_wait3A_43 = tpu.memref_slice %arg2[%run_scoped3A_36, %sub3A_35, %dma_wait3A] : memref<2x2500x128xi32, #tpu.memory_space<hbm>> -> memref<1x1x128xi32, #tpu.memory_space<hbm>>
        %dma_wait3A_44 = tpu.memref_squeeze %dma_wait3A_43 : memref<1x1x128xi32, #tpu.memory_space<hbm>> -> memref<1x128xi32, #tpu.memory_space<hbm>>
        %dma_wait3A_45 = arith.constant 0 : i32
        %dma_wait3A_46 = tpu.memref_slice %arg2[%run_scoped3A_36, %sub3A_35, %dma_wait3A_45] : memref<2x2500x128xi32, #tpu.memory_space<hbm>> -> memref<1x1x128xi32, #tpu.memory_space<hbm>>
        %dma_wait3A_47 = tpu.memref_squeeze %dma_wait3A_46 : memref<1x1x128xi32, #tpu.memory_space<hbm>> -> memref<1x128xi32, #tpu.memory_space<hbm>>
        tpu.wait_dma2 semaphore(%run_scoped3A_37 : memref<!tpu.dma_semaphore, #tpu.memory_space<semaphore_mem>>) src(%dma_wait3A_47 : memref<1x128xi32, #tpu.memory_space<hbm>>) dst(%arg7 : memref<1x128xi32, #tpu.memory_space<vmem>>)
        tpu.yield
      }) : () -> ()
    } else {
    }
    "tpu.region"() ({
      %run_scoped3A_33 = tpu.sem_alloc : memref<!tpu.dma_semaphore, #tpu.memory_space<semaphore_mem>>
      tpu.enqueue_dma source(%arg3 : memref<128x16xf32, #tpu.memory_space<hbm>>) target(%arg8 : memref<128x16xf32, #tpu.memory_space<vmem>>) target_semaphore(%run_scoped3A_33 : memref<!tpu.dma_semaphore, #tpu.memory_space<semaphore_mem>>)
      tpu.wait_dma2 semaphore(%run_scoped3A_33 : memref<!tpu.dma_semaphore, #tpu.memory_space<semaphore_mem>>) src(%arg3 : memref<128x16xf32, #tpu.memory_space<hbm>>) dst(%arg8 : memref<128x16xf32, #tpu.memory_space<vmem>>)
      tpu.yield
    }) : () -> ()
    %mul3A_5 = arith.constant 632 : i32
    %mul3A_6 = arith.muli %arg1, %mul3A_5 : i32
    %mul3A_7 = arith.constant 632 : i32
    %mul3A_8 = arith.muli %arg1, %mul3A_7 : i32
    "tpu.region"() ({
      %run_scoped3A_33 = tpu.sem_alloc : memref<!tpu.dma_semaphore, #tpu.memory_space<semaphore_mem>>
      %dma_start3A = arith.constant 0 : i32
      %dma_start3A_34 = tpu.memref_slice %arg9[%mul3A_8, %dma_start3A] : memref<10112x16xf32, #tpu.memory_space<vmem_shared>> -> memref<632x16xf32, #tpu.memory_space<vmem_shared>>
      %dma_start3A_35 = arith.constant 0 : i32
      %dma_start3A_36 = tpu.memref_slice %arg4[%mul3A_6, %dma_start3A_35] : memref<10112x16xf32, #tpu.memory_space<hbm>> -> memref<632x16xf32, #tpu.memory_space<hbm>>
      tpu.enqueue_dma source(%dma_start3A_36 : memref<632x16xf32, #tpu.memory_space<hbm>>) target(%dma_start3A_34 : memref<632x16xf32, #tpu.memory_space<vmem_shared>>) target_semaphore(%run_scoped3A_33 : memref<!tpu.dma_semaphore, #tpu.memory_space<semaphore_mem>>)
      %dma_wait3A = arith.constant 0 : i32
      %dma_wait3A_37 = tpu.memref_slice %arg9[%mul3A_8, %dma_wait3A] : memref<10112x16xf32, #tpu.memory_space<vmem_shared>> -> memref<632x16xf32, #tpu.memory_space<vmem_shared>>
      %dma_wait3A_38 = arith.constant 0 : i32
      %dma_wait3A_39 = tpu.memref_slice %arg4[%mul3A_6, %dma_wait3A_38] : memref<10112x16xf32, #tpu.memory_space<hbm>> -> memref<632x16xf32, #tpu.memory_space<hbm>>
      tpu.wait_dma2 semaphore(%run_scoped3A_33 : memref<!tpu.dma_semaphore, #tpu.memory_space<semaphore_mem>>) src(%dma_wait3A_39 : memref<632x16xf32, #tpu.memory_space<hbm>>) dst(%dma_wait3A_37 : memref<632x16xf32, #tpu.memory_space<vmem_shared>>)
      tpu.yield
    }) : () -> ()
    %barrier3A = arith.constant 0 : index
    tpu.barrier barrier_id(%barrier3A)
    %scan3A = arith.constant 0 : i32
    %scan3A_9 = arith.constant 0 : i32
    %scan3A_10 = arith.constant 78 : i32
    %scan3A_11 = arith.addi %scan3A_9, %scan3A_10 : i32
    %scan3A_12 = arith.constant 1 : i32
    scf.for %scan3A_33 = %scan3A_9 to %scan3A_11 step %scan3A_12  : i32 {
      %dma_start3A = arith.constant 0 : i32
      %dma_start3A_34 = tpu.memref_slice %arg6[%scan3A_33, %dma_start3A] : memref<78x128xi32, #tpu.memory_space<vmem>> -> memref<1x128xi32, #tpu.memory_space<vmem>>
      %dma_start3A_35 = tpu.memref_squeeze %dma_start3A_34 : memref<1x128xi32, #tpu.memory_space<vmem>> -> memref<128xi32, #tpu.memory_space<vmem>>
      %dma_start3A_36 = arith.constant 0 : i32
      %dma_start3A_37 = arith.constant 0 : i32
      %dma_start3A_38 = tpu.memref_slice %arg9[%dma_start3A_36, %dma_start3A_37] : memref<10112x16xf32, #tpu.memory_space<vmem_shared>> -> memref<10112x16xf32, #tpu.memory_space<vmem_shared>>
      tpu.enqueue_indirect_dma source(%arg8 : memref<128x16xf32, #tpu.memory_space<vmem>>) target(%dma_start3A_38 : memref<10112x16xf32, #tpu.memory_space<vmem_shared>>) offsets(%dma_start3A_35 : memref<128xi32, #tpu.memory_space<vmem>>) semaphore(%arg10 : memref<!tpu.dma_semaphore, #tpu.memory_space<semaphore_mem>>) {add = true}
    }
    %scan3A_13 = arith.constant 78 : i32
    %convert_element_type3A_14 = arith.extui %ge3A_1 : i1 to i32
    %cond3A_15 = arith.constant 0 : i32
    %cond3A_16 = arith.cmpi ne, %convert_element_type3A_14, %cond3A_15 : i32
    scf.if %cond3A_16 {
      %dma_start3A = arith.constant 0 : i32
      %dma_start3A_33 = arith.constant 0 : i32
      %dma_start3A_34 = tpu.memref_slice %arg7[%dma_start3A, %dma_start3A_33] : memref<1x128xi32, #tpu.memory_space<vmem>> -> memref<1x128xi32, #tpu.memory_space<vmem>>
      %dma_start3A_35 = tpu.memref_squeeze %dma_start3A_34 : memref<1x128xi32, #tpu.memory_space<vmem>> -> memref<128xi32, #tpu.memory_space<vmem>>
      %dma_start3A_36 = arith.constant 0 : i32
      %dma_start3A_37 = arith.constant 0 : i32
      %dma_start3A_38 = tpu.memref_slice %arg9[%dma_start3A_36, %dma_start3A_37] : memref<10112x16xf32, #tpu.memory_space<vmem_shared>> -> memref<10112x16xf32, #tpu.memory_space<vmem_shared>>
      tpu.enqueue_indirect_dma source(%arg8 : memref<128x16xf32, #tpu.memory_space<vmem>>) target(%dma_start3A_38 : memref<10112x16xf32, #tpu.memory_space<vmem_shared>>) offsets(%dma_start3A_35 : memref<128xi32, #tpu.memory_space<vmem>>) semaphore(%arg10 : memref<!tpu.dma_semaphore, #tpu.memory_space<semaphore_mem>>) {add = true}
    } else {
    }
    %scan3A_17 = arith.constant 0 : i32
    %scan3A_18 = arith.constant 0 : i32
    %scan3A_19 = arith.constant 78 : i32
    %scan3A_20 = arith.addi %scan3A_18, %scan3A_19 : i32
    %scan3A_21 = arith.constant 1 : i32
    scf.for %scan3A_33 = %scan3A_18 to %scan3A_20 step %scan3A_21  : i32 {
      %dma_wait3A = arith.constant 0 : i32
      %dma_wait3A_34 = arith.constant 0 : i32
      %dma_wait3A_35 = tpu.memref_slice %arg6[%dma_wait3A, %dma_wait3A_34] : memref<78x128xi32, #tpu.memory_space<vmem>> -> memref<1x128xi32, #tpu.memory_space<vmem>>
      %dma_wait3A_36 = tpu.memref_squeeze %dma_wait3A_35 : memref<1x128xi32, #tpu.memory_space<vmem>> -> memref<128xi32, #tpu.memory_space<vmem>>
      %dma_wait3A_37 = arith.constant 0 : i32
      %dma_wait3A_38 = arith.constant 0 : i32
      %dma_wait3A_39 = tpu.memref_slice %arg9[%dma_wait3A_37, %dma_wait3A_38] : memref<10112x16xf32, #tpu.memory_space<vmem_shared>> -> memref<10112x16xf32, #tpu.memory_space<vmem_shared>>
      tpu.wait_indirect_dma semaphore(%arg10 : memref<!tpu.dma_semaphore, #tpu.memory_space<semaphore_mem>>) src(%arg8 : memref<128x16xf32, #tpu.memory_space<vmem>>) dst(%dma_wait3A_39 : memref<10112x16xf32, #tpu.memory_space<vmem_shared>>)
    }
    %scan3A_22 = arith.constant 78 : i32
    %convert_element_type3A_23 = arith.extui %ge3A_1 : i1 to i32
    %cond3A_24 = arith.constant 0 : i32
    %cond3A_25 = arith.cmpi ne, %convert_element_type3A_23, %cond3A_24 : i32
    scf.if %cond3A_25 {
      %dma_wait3A = arith.constant 0 : i32
      %dma_wait3A_33 = arith.constant 0 : i32
      %dma_wait3A_34 = tpu.memref_slice %arg6[%dma_wait3A, %dma_wait3A_33] : memref<78x128xi32, #tpu.memory_space<vmem>> -> memref<1x128xi32, #tpu.memory_space<vmem>>
      %dma_wait3A_35 = tpu.memref_squeeze %dma_wait3A_34 : memref<1x128xi32, #tpu.memory_space<vmem>> -> memref<128xi32, #tpu.memory_space<vmem>>
      %dma_wait3A_36 = arith.constant 0 : i32
      %dma_wait3A_37 = arith.constant 0 : i32
      %dma_wait3A_38 = tpu.memref_slice %arg9[%dma_wait3A_36, %dma_wait3A_37] : memref<10112x16xf32, #tpu.memory_space<vmem_shared>> -> memref<10112x16xf32, #tpu.memory_space<vmem_shared>>
      tpu.wait_indirect_dma semaphore(%arg10 : memref<!tpu.dma_semaphore, #tpu.memory_space<semaphore_mem>>) src(%arg8 : memref<128x16xf32, #tpu.memory_space<vmem>>) dst(%dma_wait3A_38 : memref<10112x16xf32, #tpu.memory_space<vmem_shared>>)
    } else {
    }
    %barrier3A_26 = arith.constant 0 : index
    tpu.barrier barrier_id(%barrier3A_26)
    %mul3A_27 = arith.constant 632 : i32
    %mul3A_28 = arith.muli %arg1, %mul3A_27 : i32
    %mul3A_29 = arith.constant 632 : i32
    %mul3A_30 = arith.muli %arg1, %mul3A_29 : i32
    %mul3A_31 = arith.constant 16 : i32
    %mul3A_32 = arith.muli %arg0, %mul3A_31 : i32
    "tpu.region"() ({
      %run_scoped3A_33 = tpu.sem_alloc : memref<!tpu.dma_semaphore, #tpu.memory_space<semaphore_mem>>
      %dma_start3A = tpu.memref_slice %arg5[%mul3A_30, %mul3A_32] : memref<10112x128xf32, #tpu.memory_space<hbm>> -> memref<632x16xf32, #tpu.memory_space<hbm>>
      %dma_start3A_34 = arith.constant 0 : i32
      %dma_start3A_35 = tpu.memref_slice %arg9[%mul3A_28, %dma_start3A_34] : memref<10112x16xf32, #tpu.memory_space<vmem_shared>> -> memref<632x16xf32, #tpu.memory_space<vmem_shared>>
      tpu.enqueue_dma source(%dma_start3A_35 : memref<632x16xf32, #tpu.memory_space<vmem_shared>>) target(%dma_start3A : memref<632x16xf32, #tpu.memory_space<hbm>>) target_semaphore(%run_scoped3A_33 : memref<!tpu.dma_semaphore, #tpu.memory_space<semaphore_mem>>)
      %dma_wait3A = tpu.memref_slice %arg5[%mul3A_30, %mul3A_32] : memref<10112x128xf32, #tpu.memory_space<hbm>> -> memref<632x16xf32, #tpu.memory_space<hbm>>
      %dma_wait3A_36 = arith.constant 0 : i32
      %dma_wait3A_37 = tpu.memref_slice %arg9[%mul3A_28, %dma_wait3A_36] : memref<10112x16xf32, #tpu.memory_space<vmem_shared>> -> memref<632x16xf32, #tpu.memory_space<vmem_shared>>
      tpu.wait_dma2 semaphore(%run_scoped3A_33 : memref<!tpu.dma_semaphore, #tpu.memory_space<semaphore_mem>>) src(%dma_wait3A_37 : memref<632x16xf32, #tpu.memory_space<vmem_shared>>) dst(%dma_wait3A : memref<632x16xf32, #tpu.memory_space<hbm>>)
      tpu.yield
    }) : () -> ()
    return
  }
}

#map = affine_map<(d0, d1) -> (0, 0, 0)>
#map1 = affine_map<(d0, d1) -> (0, 0)>
module attributes {stable_mosaic.version = 14 : i64} {
  func.func @_agg_body(%arg0: i32, %arg1: i32, %arg2: memref<2x2500x128xi32, #tpu.memory_space<hbm>>, %arg3: memref<10000x64xf32, #tpu.memory_space<hbm>>, %arg4: memref<10112x64xf32, #tpu.memory_space<hbm>>, %arg5: memref<10112x128xf32, #tpu.memory_space<hbm>>, %arg6: memref<78x128xi32, #tpu.memory_space<vmem>>, %arg7: memref<78x128xi32, #tpu.memory_space<vmem>>, %arg8: memref<1x128xi32, #tpu.memory_space<vmem>>, %arg9: memref<1x128xi32, #tpu.memory_space<vmem>>, %arg10: memref<6x128x64xf32, #tpu.memory_space<vmem>>, %arg11: memref<10112x64xf32, #tpu.memory_space<vmem_shared>>, %arg12: memref<6x!tpu.dma_semaphore, #tpu.memory_space<semaphore_mem>>, %arg13: memref<6x!tpu.dma_semaphore, #tpu.memory_space<semaphore_mem>>) attributes {dimension_semantics = [#tpu.dimension_semantics<core_parallel>, #tpu.dimension_semantics<subcore_parallel>], iteration_bounds = array<i64: 2, 16>, scalar_prefetch = 0 : i64, scratch_operands = 8 : i64, tpu.core_type = #tpu.core_type<sc_vector_subcore>, window_params = [{transform_indices = #map}, {transform_indices = #map1}, {transform_indices = #map1}, {transform_indices = #map1}]} {
    %mul3A = arith.constant 16 : i32
    %mul3A_0 = arith.muli %arg0, %mul3A : i32
    %add3A = arith.addi %mul3A_0, %arg1 : i32
    %ge3A = arith.constant 28 : i32
    %ge3A_1 = arith.cmpi sge, %add3A, %ge3A : i32
    %mul3A_2 = arith.constant 78 : i32
    %mul3A_3 = arith.muli %add3A, %mul3A_2 : i32
    %run_scoped3A = arith.constant 0 : i32
    "tpu.region"() ({
      %run_scoped3A_205 = tpu.sem_alloc : memref<!tpu.dma_semaphore, #tpu.memory_space<semaphore_mem>>
      %dma_start3A_206 = arith.constant 0 : i32
      %dma_start3A_207 = tpu.memref_slice %arg2[%run_scoped3A, %mul3A_3, %dma_start3A_206] : memref<2x2500x128xi32, #tpu.memory_space<hbm>> -> memref<1x78x128xi32, #tpu.memory_space<hbm>>
      %dma_start3A_208 = tpu.memref_squeeze %dma_start3A_207 : memref<1x78x128xi32, #tpu.memory_space<hbm>> -> memref<78x128xi32, #tpu.memory_space<hbm>>
      %dma_start3A_209 = arith.constant 0 : i32
      %dma_start3A_210 = tpu.memref_slice %arg2[%run_scoped3A, %mul3A_3, %dma_start3A_209] : memref<2x2500x128xi32, #tpu.memory_space<hbm>> -> memref<1x78x128xi32, #tpu.memory_space<hbm>>
      %dma_start3A_211 = tpu.memref_squeeze %dma_start3A_210 : memref<1x78x128xi32, #tpu.memory_space<hbm>> -> memref<78x128xi32, #tpu.memory_space<hbm>>
      tpu.enqueue_dma source(%dma_start3A_211 : memref<78x128xi32, #tpu.memory_space<hbm>>) target(%arg6 : memref<78x128xi32, #tpu.memory_space<vmem>>) target_semaphore(%run_scoped3A_205 : memref<!tpu.dma_semaphore, #tpu.memory_space<semaphore_mem>>)
      %dma_wait3A_212 = arith.constant 0 : i32
      %dma_wait3A_213 = tpu.memref_slice %arg2[%run_scoped3A, %mul3A_3, %dma_wait3A_212] : memref<2x2500x128xi32, #tpu.memory_space<hbm>> -> memref<1x78x128xi32, #tpu.memory_space<hbm>>
      %dma_wait3A_214 = tpu.memref_squeeze %dma_wait3A_213 : memref<1x78x128xi32, #tpu.memory_space<hbm>> -> memref<78x128xi32, #tpu.memory_space<hbm>>
      %dma_wait3A_215 = arith.constant 0 : i32
      %dma_wait3A_216 = tpu.memref_slice %arg2[%run_scoped3A, %mul3A_3, %dma_wait3A_215] : memref<2x2500x128xi32, #tpu.memory_space<hbm>> -> memref<1x78x128xi32, #tpu.memory_space<hbm>>
      %dma_wait3A_217 = tpu.memref_squeeze %dma_wait3A_216 : memref<1x78x128xi32, #tpu.memory_space<hbm>> -> memref<78x128xi32, #tpu.memory_space<hbm>>
      tpu.wait_dma2 semaphore(%run_scoped3A_205 : memref<!tpu.dma_semaphore, #tpu.memory_space<semaphore_mem>>) src(%dma_wait3A_217 : memref<78x128xi32, #tpu.memory_space<hbm>>) dst(%arg6 : memref<78x128xi32, #tpu.memory_space<vmem>>)
      tpu.yield
    }) : () -> ()
    %mul3A_4 = arith.constant 78 : i32
    %mul3A_5 = arith.muli %add3A, %mul3A_4 : i32
    %run_scoped3A_6 = arith.constant 1 : i32
    "tpu.region"() ({
      %run_scoped3A_205 = tpu.sem_alloc : memref<!tpu.dma_semaphore, #tpu.memory_space<semaphore_mem>>
      %dma_start3A_206 = arith.constant 0 : i32
      %dma_start3A_207 = tpu.memref_slice %arg2[%run_scoped3A_6, %mul3A_5, %dma_start3A_206] : memref<2x2500x128xi32, #tpu.memory_space<hbm>> -> memref<1x78x128xi32, #tpu.memory_space<hbm>>
      %dma_start3A_208 = tpu.memref_squeeze %dma_start3A_207 : memref<1x78x128xi32, #tpu.memory_space<hbm>> -> memref<78x128xi32, #tpu.memory_space<hbm>>
      %dma_start3A_209 = arith.constant 0 : i32
      %dma_start3A_210 = tpu.memref_slice %arg2[%run_scoped3A_6, %mul3A_5, %dma_start3A_209] : memref<2x2500x128xi32, #tpu.memory_space<hbm>> -> memref<1x78x128xi32, #tpu.memory_space<hbm>>
      %dma_start3A_211 = tpu.memref_squeeze %dma_start3A_210 : memref<1x78x128xi32, #tpu.memory_space<hbm>> -> memref<78x128xi32, #tpu.memory_space<hbm>>
      tpu.enqueue_dma source(%dma_start3A_211 : memref<78x128xi32, #tpu.memory_space<hbm>>) target(%arg7 : memref<78x128xi32, #tpu.memory_space<vmem>>) target_semaphore(%run_scoped3A_205 : memref<!tpu.dma_semaphore, #tpu.memory_space<semaphore_mem>>)
      %dma_wait3A_212 = arith.constant 0 : i32
      %dma_wait3A_213 = tpu.memref_slice %arg2[%run_scoped3A_6, %mul3A_5, %dma_wait3A_212] : memref<2x2500x128xi32, #tpu.memory_space<hbm>> -> memref<1x78x128xi32, #tpu.memory_space<hbm>>
      %dma_wait3A_214 = tpu.memref_squeeze %dma_wait3A_213 : memref<1x78x128xi32, #tpu.memory_space<hbm>> -> memref<78x128xi32, #tpu.memory_space<hbm>>
      %dma_wait3A_215 = arith.constant 0 : i32
      %dma_wait3A_216 = tpu.memref_slice %arg2[%run_scoped3A_6, %mul3A_5, %dma_wait3A_215] : memref<2x2500x128xi32, #tpu.memory_space<hbm>> -> memref<1x78x128xi32, #tpu.memory_space<hbm>>
      %dma_wait3A_217 = tpu.memref_squeeze %dma_wait3A_216 : memref<1x78x128xi32, #tpu.memory_space<hbm>> -> memref<78x128xi32, #tpu.memory_space<hbm>>
      tpu.wait_dma2 semaphore(%run_scoped3A_205 : memref<!tpu.dma_semaphore, #tpu.memory_space<semaphore_mem>>) src(%dma_wait3A_217 : memref<78x128xi32, #tpu.memory_space<hbm>>) dst(%arg7 : memref<78x128xi32, #tpu.memory_space<vmem>>)
      tpu.yield
    }) : () -> ()
    %convert_element_type3A = arith.extui %ge3A_1 : i1 to i32
    %cond3A = arith.constant 0 : i32
    %cond3A_7 = arith.cmpi ne, %convert_element_type3A, %cond3A : i32
    scf.if %cond3A_7 {
      %add3A_205 = arith.constant 2496 : i32
      %add3A_206 = arith.addi %add3A_205, %add3A : i32
      %sub3A = arith.constant 28 : i32
      %sub3A_207 = arith.subi %add3A_206, %sub3A : i32
      %run_scoped3A_208 = arith.constant 0 : i32
      "tpu.region"() ({
        %run_scoped3A_210 = tpu.sem_alloc : memref<!tpu.dma_semaphore, #tpu.memory_space<semaphore_mem>>
        %dma_start3A_211 = arith.constant 0 : i32
        %dma_start3A_212 = tpu.memref_slice %arg2[%run_scoped3A_208, %sub3A_207, %dma_start3A_211] : memref<2x2500x128xi32, #tpu.memory_space<hbm>> -> memref<1x1x128xi32, #tpu.memory_space<hbm>>
        %dma_start3A_213 = tpu.memref_squeeze %dma_start3A_212 : memref<1x1x128xi32, #tpu.memory_space<hbm>> -> memref<1x128xi32, #tpu.memory_space<hbm>>
        %dma_start3A_214 = arith.constant 0 : i32
        %dma_start3A_215 = tpu.memref_slice %arg2[%run_scoped3A_208, %sub3A_207, %dma_start3A_214] : memref<2x2500x128xi32, #tpu.memory_space<hbm>> -> memref<1x1x128xi32, #tpu.memory_space<hbm>>
        %dma_start3A_216 = tpu.memref_squeeze %dma_start3A_215 : memref<1x1x128xi32, #tpu.memory_space<hbm>> -> memref<1x128xi32, #tpu.memory_space<hbm>>
        tpu.enqueue_dma source(%dma_start3A_216 : memref<1x128xi32, #tpu.memory_space<hbm>>) target(%arg8 : memref<1x128xi32, #tpu.memory_space<vmem>>) target_semaphore(%run_scoped3A_210 : memref<!tpu.dma_semaphore, #tpu.memory_space<semaphore_mem>>)
        %dma_wait3A_217 = arith.constant 0 : i32
        %dma_wait3A_218 = tpu.memref_slice %arg2[%run_scoped3A_208, %sub3A_207, %dma_wait3A_217] : memref<2x2500x128xi32, #tpu.memory_space<hbm>> -> memref<1x1x128xi32, #tpu.memory_space<hbm>>
        %dma_wait3A_219 = tpu.memref_squeeze %dma_wait3A_218 : memref<1x1x128xi32, #tpu.memory_space<hbm>> -> memref<1x128xi32, #tpu.memory_space<hbm>>
        %dma_wait3A_220 = arith.constant 0 : i32
        %dma_wait3A_221 = tpu.memref_slice %arg2[%run_scoped3A_208, %sub3A_207, %dma_wait3A_220] : memref<2x2500x128xi32, #tpu.memory_space<hbm>> -> memref<1x1x128xi32, #tpu.memory_space<hbm>>
        %dma_wait3A_222 = tpu.memref_squeeze %dma_wait3A_221 : memref<1x1x128xi32, #tpu.memory_space<hbm>> -> memref<1x128xi32, #tpu.memory_space<hbm>>
        tpu.wait_dma2 semaphore(%run_scoped3A_210 : memref<!tpu.dma_semaphore, #tpu.memory_space<semaphore_mem>>) src(%dma_wait3A_222 : memref<1x128xi32, #tpu.memory_space<hbm>>) dst(%arg8 : memref<1x128xi32, #tpu.memory_space<vmem>>)
        tpu.yield
      }) : () -> ()
      %run_scoped3A_209 = arith.constant 1 : i32
      "tpu.region"() ({
        %run_scoped3A_210 = tpu.sem_alloc : memref<!tpu.dma_semaphore, #tpu.memory_space<semaphore_mem>>
        %dma_start3A_211 = arith.constant 0 : i32
        %dma_start3A_212 = tpu.memref_slice %arg2[%run_scoped3A_209, %sub3A_207, %dma_start3A_211] : memref<2x2500x128xi32, #tpu.memory_space<hbm>> -> memref<1x1x128xi32, #tpu.memory_space<hbm>>
        %dma_start3A_213 = tpu.memref_squeeze %dma_start3A_212 : memref<1x1x128xi32, #tpu.memory_space<hbm>> -> memref<1x128xi32, #tpu.memory_space<hbm>>
        %dma_start3A_214 = arith.constant 0 : i32
        %dma_start3A_215 = tpu.memref_slice %arg2[%run_scoped3A_209, %sub3A_207, %dma_start3A_214] : memref<2x2500x128xi32, #tpu.memory_space<hbm>> -> memref<1x1x128xi32, #tpu.memory_space<hbm>>
        %dma_start3A_216 = tpu.memref_squeeze %dma_start3A_215 : memref<1x1x128xi32, #tpu.memory_space<hbm>> -> memref<1x128xi32, #tpu.memory_space<hbm>>
        tpu.enqueue_dma source(%dma_start3A_216 : memref<1x128xi32, #tpu.memory_space<hbm>>) target(%arg9 : memref<1x128xi32, #tpu.memory_space<vmem>>) target_semaphore(%run_scoped3A_210 : memref<!tpu.dma_semaphore, #tpu.memory_space<semaphore_mem>>)
        %dma_wait3A_217 = arith.constant 0 : i32
        %dma_wait3A_218 = tpu.memref_slice %arg2[%run_scoped3A_209, %sub3A_207, %dma_wait3A_217] : memref<2x2500x128xi32, #tpu.memory_space<hbm>> -> memref<1x1x128xi32, #tpu.memory_space<hbm>>
        %dma_wait3A_219 = tpu.memref_squeeze %dma_wait3A_218 : memref<1x1x128xi32, #tpu.memory_space<hbm>> -> memref<1x128xi32, #tpu.memory_space<hbm>>
        %dma_wait3A_220 = arith.constant 0 : i32
        %dma_wait3A_221 = tpu.memref_slice %arg2[%run_scoped3A_209, %sub3A_207, %dma_wait3A_220] : memref<2x2500x128xi32, #tpu.memory_space<hbm>> -> memref<1x1x128xi32, #tpu.memory_space<hbm>>
        %dma_wait3A_222 = tpu.memref_squeeze %dma_wait3A_221 : memref<1x1x128xi32, #tpu.memory_space<hbm>> -> memref<1x128xi32, #tpu.memory_space<hbm>>
        tpu.wait_dma2 semaphore(%run_scoped3A_210 : memref<!tpu.dma_semaphore, #tpu.memory_space<semaphore_mem>>) src(%dma_wait3A_222 : memref<1x128xi32, #tpu.memory_space<hbm>>) dst(%arg9 : memref<1x128xi32, #tpu.memory_space<vmem>>)
        tpu.yield
      }) : () -> ()
    } else {
    }
    %dma_start3A = arith.constant 0 : i32
    %dma_start3A_8 = arith.constant 0 : i32
    %dma_start3A_9 = arith.constant 0 : i32
    %dma_start3A_10 = arith.constant 0 : i32
    %dma_start3A_11 = arith.constant 0 : i32
    %dma_start3A_12 = tpu.memref_slice %arg10[%dma_start3A_8, %dma_start3A_10, %dma_start3A_11] : memref<6x128x64xf32, #tpu.memory_space<vmem>> -> memref<1x128x64xf32, #tpu.memory_space<vmem>>
    %dma_start3A_13 = tpu.memref_squeeze %dma_start3A_12 : memref<1x128x64xf32, #tpu.memory_space<vmem>> -> memref<128x64xf32, #tpu.memory_space<vmem>>
    %dma_start3A_14 = arith.constant 0 : i32
    %dma_start3A_15 = tpu.memref_slice %arg6[%dma_start3A, %dma_start3A_14] : memref<78x128xi32, #tpu.memory_space<vmem>> -> memref<1x128xi32, #tpu.memory_space<vmem>>
    %dma_start3A_16 = tpu.memref_squeeze %dma_start3A_15 : memref<1x128xi32, #tpu.memory_space<vmem>> -> memref<128xi32, #tpu.memory_space<vmem>>
    %dma_start3A_17 = arith.constant 0 : i32
    %dma_start3A_18 = arith.constant 0 : i32
    %dma_start3A_19 = tpu.memref_slice %arg3[%dma_start3A_17, %dma_start3A_18] : memref<10000x64xf32, #tpu.memory_space<hbm>> -> memref<10000x64xf32, #tpu.memory_space<hbm>>
    %dma_start3A_20 = tpu.memref_slice %arg12[%dma_start3A_9] : memref<6x!tpu.dma_semaphore, #tpu.memory_space<semaphore_mem>> -> memref<1x!tpu.dma_semaphore, #tpu.memory_space<semaphore_mem>>
    %dma_start3A_21 = tpu.memref_squeeze %dma_start3A_20 : memref<1x!tpu.dma_semaphore, #tpu.memory_space<semaphore_mem>> -> memref<!tpu.dma_semaphore, #tpu.memory_space<semaphore_mem>>
    tpu.enqueue_indirect_dma source(%dma_start3A_19 : memref<10000x64xf32, #tpu.memory_space<hbm>>) target(%dma_start3A_13 : memref<128x64xf32, #tpu.memory_space<vmem>>) offsets(%dma_start3A_16 : memref<128xi32, #tpu.memory_space<vmem>>) semaphore(%dma_start3A_21 : memref<!tpu.dma_semaphore, #tpu.memory_space<semaphore_mem>>)
    %dma_start3A_22 = arith.constant 1 : i32
    %dma_start3A_23 = arith.constant 1 : i32
    %dma_start3A_24 = arith.constant 1 : i32
    %dma_start3A_25 = arith.constant 0 : i32
    %dma_start3A_26 = arith.constant 0 : i32
    %dma_start3A_27 = tpu.memref_slice %arg10[%dma_start3A_23, %dma_start3A_25, %dma_start3A_26] : memref<6x128x64xf32, #tpu.memory_space<vmem>> -> memref<1x128x64xf32, #tpu.memory_space<vmem>>
    %dma_start3A_28 = tpu.memref_squeeze %dma_start3A_27 : memref<1x128x64xf32, #tpu.memory_space<vmem>> -> memref<128x64xf32, #tpu.memory_space<vmem>>
    %dma_start3A_29 = arith.constant 0 : i32
    %dma_start3A_30 = tpu.memref_slice %arg6[%dma_start3A_22, %dma_start3A_29] : memref<78x128xi32, #tpu.memory_space<vmem>> -> memref<1x128xi32, #tpu.memory_space<vmem>>
    %dma_start3A_31 = tpu.memref_squeeze %dma_start3A_30 : memref<1x128xi32, #tpu.memory_space<vmem>> -> memref<128xi32, #tpu.memory_space<vmem>>
    %dma_start3A_32 = arith.constant 0 : i32
    %dma_start3A_33 = arith.constant 0 : i32
    %dma_start3A_34 = tpu.memref_slice %arg3[%dma_start3A_32, %dma_start3A_33] : memref<10000x64xf32, #tpu.memory_space<hbm>> -> memref<10000x64xf32, #tpu.memory_space<hbm>>
    %dma_start3A_35 = tpu.memref_slice %arg12[%dma_start3A_24] : memref<6x!tpu.dma_semaphore, #tpu.memory_space<semaphore_mem>> -> memref<1x!tpu.dma_semaphore, #tpu.memory_space<semaphore_mem>>
    %dma_start3A_36 = tpu.memref_squeeze %dma_start3A_35 : memref<1x!tpu.dma_semaphore, #tpu.memory_space<semaphore_mem>> -> memref<!tpu.dma_semaphore, #tpu.memory_space<semaphore_mem>>
    tpu.enqueue_indirect_dma source(%dma_start3A_34 : memref<10000x64xf32, #tpu.memory_space<hbm>>) target(%dma_start3A_28 : memref<128x64xf32, #tpu.memory_space<vmem>>) offsets(%dma_start3A_31 : memref<128xi32, #tpu.memory_space<vmem>>) semaphore(%dma_start3A_36 : memref<!tpu.dma_semaphore, #tpu.memory_space<semaphore_mem>>)
    %dma_start3A_37 = arith.constant 2 : i32
    %dma_start3A_38 = arith.constant 2 : i32
    %dma_start3A_39 = arith.constant 2 : i32
    %dma_start3A_40 = arith.constant 0 : i32
    %dma_start3A_41 = arith.constant 0 : i32
    %dma_start3A_42 = tpu.memref_slice %arg10[%dma_start3A_38, %dma_start3A_40, %dma_start3A_41] : memref<6x128x64xf32, #tpu.memory_space<vmem>> -> memref<1x128x64xf32, #tpu.memory_space<vmem>>
    %dma_start3A_43 = tpu.memref_squeeze %dma_start3A_42 : memref<1x128x64xf32, #tpu.memory_space<vmem>> -> memref<128x64xf32, #tpu.memory_space<vmem>>
    %dma_start3A_44 = arith.constant 0 : i32
    %dma_start3A_45 = tpu.memref_slice %arg6[%dma_start3A_37, %dma_start3A_44] : memref<78x128xi32, #tpu.memory_space<vmem>> -> memref<1x128xi32, #tpu.memory_space<vmem>>
    %dma_start3A_46 = tpu.memref_squeeze %dma_start3A_45 : memref<1x128xi32, #tpu.memory_space<vmem>> -> memref<128xi32, #tpu.memory_space<vmem>>
    %dma_start3A_47 = arith.constant 0 : i32
    %dma_start3A_48 = arith.constant 0 : i32
    %dma_start3A_49 = tpu.memref_slice %arg3[%dma_start3A_47, %dma_start3A_48] : memref<10000x64xf32, #tpu.memory_space<hbm>> -> memref<10000x64xf32, #tpu.memory_space<hbm>>
    %dma_start3A_50 = tpu.memref_slice %arg12[%dma_start3A_39] : memref<6x!tpu.dma_semaphore, #tpu.memory_space<semaphore_mem>> -> memref<1x!tpu.dma_semaphore, #tpu.memory_space<semaphore_mem>>
    %dma_start3A_51 = tpu.memref_squeeze %dma_start3A_50 : memref<1x!tpu.dma_semaphore, #tpu.memory_space<semaphore_mem>> -> memref<!tpu.dma_semaphore, #tpu.memory_space<semaphore_mem>>
    tpu.enqueue_indirect_dma source(%dma_start3A_49 : memref<10000x64xf32, #tpu.memory_space<hbm>>) target(%dma_start3A_43 : memref<128x64xf32, #tpu.memory_space<vmem>>) offsets(%dma_start3A_46 : memref<128xi32, #tpu.memory_space<vmem>>) semaphore(%dma_start3A_51 : memref<!tpu.dma_semaphore, #tpu.memory_space<semaphore_mem>>)
    %dma_start3A_52 = arith.constant 3 : i32
    %dma_start3A_53 = arith.constant 3 : i32
    %dma_start3A_54 = arith.constant 3 : i32
    %dma_start3A_55 = arith.constant 0 : i32
    %dma_start3A_56 = arith.constant 0 : i32
    %dma_start3A_57 = tpu.memref_slice %arg10[%dma_start3A_53, %dma_start3A_55, %dma_start3A_56] : memref<6x128x64xf32, #tpu.memory_space<vmem>> -> memref<1x128x64xf32, #tpu.memory_space<vmem>>
    %dma_start3A_58 = tpu.memref_squeeze %dma_start3A_57 : memref<1x128x64xf32, #tpu.memory_space<vmem>> -> memref<128x64xf32, #tpu.memory_space<vmem>>
    %dma_start3A_59 = arith.constant 0 : i32
    %dma_start3A_60 = tpu.memref_slice %arg6[%dma_start3A_52, %dma_start3A_59] : memref<78x128xi32, #tpu.memory_space<vmem>> -> memref<1x128xi32, #tpu.memory_space<vmem>>
    %dma_start3A_61 = tpu.memref_squeeze %dma_start3A_60 : memref<1x128xi32, #tpu.memory_space<vmem>> -> memref<128xi32, #tpu.memory_space<vmem>>
    %dma_start3A_62 = arith.constant 0 : i32
    %dma_start3A_63 = arith.constant 0 : i32
    %dma_start3A_64 = tpu.memref_slice %arg3[%dma_start3A_62, %dma_start3A_63] : memref<10000x64xf32, #tpu.memory_space<hbm>> -> memref<10000x64xf32, #tpu.memory_space<hbm>>
    %dma_start3A_65 = tpu.memref_slice %arg12[%dma_start3A_54] : memref<6x!tpu.dma_semaphore, #tpu.memory_space<semaphore_mem>> -> memref<1x!tpu.dma_semaphore, #tpu.memory_space<semaphore_mem>>
    %dma_start3A_66 = tpu.memref_squeeze %dma_start3A_65 : memref<1x!tpu.dma_semaphore, #tpu.memory_space<semaphore_mem>> -> memref<!tpu.dma_semaphore, #tpu.memory_space<semaphore_mem>>
    tpu.enqueue_indirect_dma source(%dma_start3A_64 : memref<10000x64xf32, #tpu.memory_space<hbm>>) target(%dma_start3A_58 : memref<128x64xf32, #tpu.memory_space<vmem>>) offsets(%dma_start3A_61 : memref<128xi32, #tpu.memory_space<vmem>>) semaphore(%dma_start3A_66 : memref<!tpu.dma_semaphore, #tpu.memory_space<semaphore_mem>>)
    %dma_start3A_67 = arith.constant 4 : i32
    %dma_start3A_68 = arith.constant 4 : i32
    %dma_start3A_69 = arith.constant 4 : i32
    %dma_start3A_70 = arith.constant 0 : i32
    %dma_start3A_71 = arith.constant 0 : i32
    %dma_start3A_72 = tpu.memref_slice %arg10[%dma_start3A_68, %dma_start3A_70, %dma_start3A_71] : memref<6x128x64xf32, #tpu.memory_space<vmem>> -> memref<1x128x64xf32, #tpu.memory_space<vmem>>
    %dma_start3A_73 = tpu.memref_squeeze %dma_start3A_72 : memref<1x128x64xf32, #tpu.memory_space<vmem>> -> memref<128x64xf32, #tpu.memory_space<vmem>>
    %dma_start3A_74 = arith.constant 0 : i32
    %dma_start3A_75 = tpu.memref_slice %arg6[%dma_start3A_67, %dma_start3A_74] : memref<78x128xi32, #tpu.memory_space<vmem>> -> memref<1x128xi32, #tpu.memory_space<vmem>>
    %dma_start3A_76 = tpu.memref_squeeze %dma_start3A_75 : memref<1x128xi32, #tpu.memory_space<vmem>> -> memref<128xi32, #tpu.memory_space<vmem>>
    %dma_start3A_77 = arith.constant 0 : i32
    %dma_start3A_78 = arith.constant 0 : i32
    %dma_start3A_79 = tpu.memref_slice %arg3[%dma_start3A_77, %dma_start3A_78] : memref<10000x64xf32, #tpu.memory_space<hbm>> -> memref<10000x64xf32, #tpu.memory_space<hbm>>
    %dma_start3A_80 = tpu.memref_slice %arg12[%dma_start3A_69] : memref<6x!tpu.dma_semaphore, #tpu.memory_space<semaphore_mem>> -> memref<1x!tpu.dma_semaphore, #tpu.memory_space<semaphore_mem>>
    %dma_start3A_81 = tpu.memref_squeeze %dma_start3A_80 : memref<1x!tpu.dma_semaphore, #tpu.memory_space<semaphore_mem>> -> memref<!tpu.dma_semaphore, #tpu.memory_space<semaphore_mem>>
    tpu.enqueue_indirect_dma source(%dma_start3A_79 : memref<10000x64xf32, #tpu.memory_space<hbm>>) target(%dma_start3A_73 : memref<128x64xf32, #tpu.memory_space<vmem>>) offsets(%dma_start3A_76 : memref<128xi32, #tpu.memory_space<vmem>>) semaphore(%dma_start3A_81 : memref<!tpu.dma_semaphore, #tpu.memory_space<semaphore_mem>>)
    %dma_start3A_82 = arith.constant 5 : i32
    %dma_start3A_83 = arith.constant 5 : i32
    %dma_start3A_84 = arith.constant 5 : i32
    %dma_start3A_85 = arith.constant 0 : i32
    %dma_start3A_86 = arith.constant 0 : i32
    %dma_start3A_87 = tpu.memref_slice %arg10[%dma_start3A_83, %dma_start3A_85, %dma_start3A_86] : memref<6x128x64xf32, #tpu.memory_space<vmem>> -> memref<1x128x64xf32, #tpu.memory_space<vmem>>
    %dma_start3A_88 = tpu.memref_squeeze %dma_start3A_87 : memref<1x128x64xf32, #tpu.memory_space<vmem>> -> memref<128x64xf32, #tpu.memory_space<vmem>>
    %dma_start3A_89 = arith.constant 0 : i32
    %dma_start3A_90 = tpu.memref_slice %arg6[%dma_start3A_82, %dma_start3A_89] : memref<78x128xi32, #tpu.memory_space<vmem>> -> memref<1x128xi32, #tpu.memory_space<vmem>>
    %dma_start3A_91 = tpu.memref_squeeze %dma_start3A_90 : memref<1x128xi32, #tpu.memory_space<vmem>> -> memref<128xi32, #tpu.memory_space<vmem>>
    %dma_start3A_92 = arith.constant 0 : i32
    %dma_start3A_93 = arith.constant 0 : i32
    %dma_start3A_94 = tpu.memref_slice %arg3[%dma_start3A_92, %dma_start3A_93] : memref<10000x64xf32, #tpu.memory_space<hbm>> -> memref<10000x64xf32, #tpu.memory_space<hbm>>
    %dma_start3A_95 = tpu.memref_slice %arg12[%dma_start3A_84] : memref<6x!tpu.dma_semaphore, #tpu.memory_space<semaphore_mem>> -> memref<1x!tpu.dma_semaphore, #tpu.memory_space<semaphore_mem>>
    %dma_start3A_96 = tpu.memref_squeeze %dma_start3A_95 : memref<1x!tpu.dma_semaphore, #tpu.memory_space<semaphore_mem>> -> memref<!tpu.dma_semaphore, #tpu.memory_space<semaphore_mem>>
    tpu.enqueue_indirect_dma source(%dma_start3A_94 : memref<10000x64xf32, #tpu.memory_space<hbm>>) target(%dma_start3A_88 : memref<128x64xf32, #tpu.memory_space<vmem>>) offsets(%dma_start3A_91 : memref<128xi32, #tpu.memory_space<vmem>>) semaphore(%dma_start3A_96 : memref<!tpu.dma_semaphore, #tpu.memory_space<semaphore_mem>>)
    %mul3A_97 = arith.constant 632 : i32
    %mul3A_98 = arith.muli %arg1, %mul3A_97 : i32
    %mul3A_99 = arith.constant 632 : i32
    %mul3A_100 = arith.muli %arg1, %mul3A_99 : i32
    "tpu.region"() ({
      %run_scoped3A_205 = tpu.sem_alloc : memref<!tpu.dma_semaphore, #tpu.memory_space<semaphore_mem>>
      %dma_start3A_206 = arith.constant 0 : i32
      %dma_start3A_207 = tpu.memref_slice %arg11[%mul3A_100, %dma_start3A_206] : memref<10112x64xf32, #tpu.memory_space<vmem_shared>> -> memref<632x64xf32, #tpu.memory_space<vmem_shared>>
      %dma_start3A_208 = arith.constant 0 : i32
      %dma_start3A_209 = tpu.memref_slice %arg4[%mul3A_98, %dma_start3A_208] : memref<10112x64xf32, #tpu.memory_space<hbm>> -> memref<632x64xf32, #tpu.memory_space<hbm>>
      tpu.enqueue_dma source(%dma_start3A_209 : memref<632x64xf32, #tpu.memory_space<hbm>>) target(%dma_start3A_207 : memref<632x64xf32, #tpu.memory_space<vmem_shared>>) target_semaphore(%run_scoped3A_205 : memref<!tpu.dma_semaphore, #tpu.memory_space<semaphore_mem>>)
      %dma_wait3A_210 = arith.constant 0 : i32
      %dma_wait3A_211 = tpu.memref_slice %arg11[%mul3A_100, %dma_wait3A_210] : memref<10112x64xf32, #tpu.memory_space<vmem_shared>> -> memref<632x64xf32, #tpu.memory_space<vmem_shared>>
      %dma_wait3A_212 = arith.constant 0 : i32
      %dma_wait3A_213 = tpu.memref_slice %arg4[%mul3A_98, %dma_wait3A_212] : memref<10112x64xf32, #tpu.memory_space<hbm>> -> memref<632x64xf32, #tpu.memory_space<hbm>>
      tpu.wait_dma2 semaphore(%run_scoped3A_205 : memref<!tpu.dma_semaphore, #tpu.memory_space<semaphore_mem>>) src(%dma_wait3A_213 : memref<632x64xf32, #tpu.memory_space<hbm>>) dst(%dma_wait3A_211 : memref<632x64xf32, #tpu.memory_space<vmem_shared>>)
      tpu.yield
    }) : () -> ()
    %barrier3A = arith.constant 0 : index
    tpu.barrier barrier_id(%barrier3A)
    %scan3A = arith.constant 0 : i32
    %scan3A_101 = arith.constant 0 : i32
    %scan3A_102 = arith.constant 13 : i32
    %scan3A_103 = arith.addi %scan3A_101, %scan3A_102 : i32
    %scan3A_104 = arith.constant 1 : i32
    scf.for %scan3A_205 = %scan3A_101 to %scan3A_103 step %scan3A_104  : i32 {
      %dma_wait3A_206 = arith.constant 0 : i32
      %dma_wait3A_207 = arith.constant 0 : i32
      %dma_wait3A_208 = arith.constant 0 : i32
      %dma_wait3A_209 = arith.constant 0 : i32
      %dma_wait3A_210 = arith.constant 0 : i32
      %dma_wait3A_211 = tpu.memref_slice %arg10[%dma_wait3A_207, %dma_wait3A_209, %dma_wait3A_210] : memref<6x128x64xf32, #tpu.memory_space<vmem>> -> memref<1x128x64xf32, #tpu.memory_space<vmem>>
      %dma_wait3A_212 = tpu.memref_squeeze %dma_wait3A_211 : memref<1x128x64xf32, #tpu.memory_space<vmem>> -> memref<128x64xf32, #tpu.memory_space<vmem>>
      %dma_wait3A_213 = arith.constant 0 : i32
      %dma_wait3A_214 = tpu.memref_slice %arg6[%dma_wait3A_206, %dma_wait3A_213] : memref<78x128xi32, #tpu.memory_space<vmem>> -> memref<1x128xi32, #tpu.memory_space<vmem>>
      %dma_wait3A_215 = tpu.memref_squeeze %dma_wait3A_214 : memref<1x128xi32, #tpu.memory_space<vmem>> -> memref<128xi32, #tpu.memory_space<vmem>>
      %dma_wait3A_216 = arith.constant 0 : i32
      %dma_wait3A_217 = arith.constant 0 : i32
      %dma_wait3A_218 = tpu.memref_slice %arg3[%dma_wait3A_216, %dma_wait3A_217] : memref<10000x64xf32, #tpu.memory_space<hbm>> -> memref<10000x64xf32, #tpu.memory_space<hbm>>
      %dma_wait3A_219 = tpu.memref_slice %arg12[%dma_wait3A_208] : memref<6x!tpu.dma_semaphore, #tpu.memory_space<semaphore_mem>> -> memref<1x!tpu.dma_semaphore, #tpu.memory_space<semaphore_mem>>
      %dma_wait3A_220 = tpu.memref_squeeze %dma_wait3A_219 : memref<1x!tpu.dma_semaphore, #tpu.memory_space<semaphore_mem>> -> memref<!tpu.dma_semaphore, #tpu.memory_space<semaphore_mem>>
      tpu.wait_indirect_dma semaphore(%dma_wait3A_220 : memref<!tpu.dma_semaphore, #tpu.memory_space<semaphore_mem>>) src(%dma_wait3A_218 : memref<10000x64xf32, #tpu.memory_space<hbm>>) dst(%dma_wait3A_212 : memref<128x64xf32, #tpu.memory_space<vmem>>)
      %mul3A_221 = arith.constant 6 : i32
      %mul3A_222 = arith.muli %scan3A_205, %mul3A_221 : i32
      %add3A_223 = arith.constant 0 : i32
      %add3A_224 = arith.addi %mul3A_222, %add3A_223 : i32
      %dma_start3A_225 = arith.constant 0 : i32
      %dma_start3A_226 = arith.constant 0 : i32
      %dma_start3A_227 = arith.constant 0 : i32
      %dma_start3A_228 = arith.constant 0 : i32
      %dma_start3A_229 = tpu.memref_slice %arg10[%dma_start3A_225, %dma_start3A_227, %dma_start3A_228] : memref<6x128x64xf32, #tpu.memory_space<vmem>> -> memref<1x128x64xf32, #tpu.memory_space<vmem>>
      %dma_start3A_230 = tpu.memref_squeeze %dma_start3A_229 : memref<1x128x64xf32, #tpu.memory_space<vmem>> -> memref<128x64xf32, #tpu.memory_space<vmem>>
      %dma_start3A_231 = arith.constant 0 : i32
      %dma_start3A_232 = tpu.memref_slice %arg7[%add3A_224, %dma_start3A_231] : memref<78x128xi32, #tpu.memory_space<vmem>> -> memref<1x128xi32, #tpu.memory_space<vmem>>
      %dma_start3A_233 = tpu.memref_squeeze %dma_start3A_232 : memref<1x128xi32, #tpu.memory_space<vmem>> -> memref<128xi32, #tpu.memory_space<vmem>>
      %dma_start3A_234 = arith.constant 0 : i32
      %dma_start3A_235 = arith.constant 0 : i32
      %dma_start3A_236 = tpu.memref_slice %arg11[%dma_start3A_234, %dma_start3A_235] : memref<10112x64xf32, #tpu.memory_space<vmem_shared>> -> memref<10112x64xf32, #tpu.memory_space<vmem_shared>>
      %dma_start3A_237 = tpu.memref_slice %arg13[%dma_start3A_226] : memref<6x!tpu.dma_semaphore, #tpu.memory_space<semaphore_mem>> -> memref<1x!tpu.dma_semaphore, #tpu.memory_space<semaphore_mem>>
      %dma_start3A_238 = tpu.memref_squeeze %dma_start3A_237 : memref<1x!tpu.dma_semaphore, #tpu.memory_space<semaphore_mem>> -> memref<!tpu.dma_semaphore, #tpu.memory_space<semaphore_mem>>
      tpu.enqueue_indirect_dma source(%dma_start3A_230 : memref<128x64xf32, #tpu.memory_space<vmem>>) target(%dma_start3A_236 : memref<10112x64xf32, #tpu.memory_space<vmem_shared>>) offsets(%dma_start3A_233 : memref<128xi32, #tpu.memory_space<vmem>>) semaphore(%dma_start3A_238 : memref<!tpu.dma_semaphore, #tpu.memory_space<semaphore_mem>>) {add = true}
      %dma_wait3A_239 = arith.constant 0 : i32
      %dma_wait3A_240 = arith.constant 1 : i32
      %dma_wait3A_241 = arith.constant 1 : i32
      %dma_wait3A_242 = arith.constant 0 : i32
      %dma_wait3A_243 = arith.constant 0 : i32
      %dma_wait3A_244 = tpu.memref_slice %arg10[%dma_wait3A_240, %dma_wait3A_242, %dma_wait3A_243] : memref<6x128x64xf32, #tpu.memory_space<vmem>> -> memref<1x128x64xf32, #tpu.memory_space<vmem>>
      %dma_wait3A_245 = tpu.memref_squeeze %dma_wait3A_244 : memref<1x128x64xf32, #tpu.memory_space<vmem>> -> memref<128x64xf32, #tpu.memory_space<vmem>>
      %dma_wait3A_246 = arith.constant 0 : i32
      %dma_wait3A_247 = tpu.memref_slice %arg6[%dma_wait3A_239, %dma_wait3A_246] : memref<78x128xi32, #tpu.memory_space<vmem>> -> memref<1x128xi32, #tpu.memory_space<vmem>>
      %dma_wait3A_248 = tpu.memref_squeeze %dma_wait3A_247 : memref<1x128xi32, #tpu.memory_space<vmem>> -> memref<128xi32, #tpu.memory_space<vmem>>
      %dma_wait3A_249 = arith.constant 0 : i32
      %dma_wait3A_250 = arith.constant 0 : i32
      %dma_wait3A_251 = tpu.memref_slice %arg3[%dma_wait3A_249, %dma_wait3A_250] : memref<10000x64xf32, #tpu.memory_space<hbm>> -> memref<10000x64xf32, #tpu.memory_space<hbm>>
      %dma_wait3A_252 = tpu.memref_slice %arg12[%dma_wait3A_241] : memref<6x!tpu.dma_semaphore, #tpu.memory_space<semaphore_mem>> -> memref<1x!tpu.dma_semaphore, #tpu.memory_space<semaphore_mem>>
      %dma_wait3A_253 = tpu.memref_squeeze %dma_wait3A_252 : memref<1x!tpu.dma_semaphore, #tpu.memory_space<semaphore_mem>> -> memref<!tpu.dma_semaphore, #tpu.memory_space<semaphore_mem>>
      tpu.wait_indirect_dma semaphore(%dma_wait3A_253 : memref<!tpu.dma_semaphore, #tpu.memory_space<semaphore_mem>>) src(%dma_wait3A_251 : memref<10000x64xf32, #tpu.memory_space<hbm>>) dst(%dma_wait3A_245 : memref<128x64xf32, #tpu.memory_space<vmem>>)
      %mul3A_254 = arith.constant 6 : i32
      %mul3A_255 = arith.muli %scan3A_205, %mul3A_254 : i32
      %add3A_256 = arith.constant 1 : i32
      %add3A_257 = arith.addi %mul3A_255, %add3A_256 : i32
      %dma_start3A_258 = arith.constant 1 : i32
      %dma_start3A_259 = arith.constant 1 : i32
      %dma_start3A_260 = arith.constant 0 : i32
      %dma_start3A_261 = arith.constant 0 : i32
      %dma_start3A_262 = tpu.memref_slice %arg10[%dma_start3A_258, %dma_start3A_260, %dma_start3A_261] : memref<6x128x64xf32, #tpu.memory_space<vmem>> -> memref<1x128x64xf32, #tpu.memory_space<vmem>>
      %dma_start3A_263 = tpu.memref_squeeze %dma_start3A_262 : memref<1x128x64xf32, #tpu.memory_space<vmem>> -> memref<128x64xf32, #tpu.memory_space<vmem>>
      %dma_start3A_264 = arith.constant 0 : i32
      %dma_start3A_265 = tpu.memref_slice %arg7[%add3A_257, %dma_start3A_264] : memref<78x128xi32, #tpu.memory_space<vmem>> -> memref<1x128xi32, #tpu.memory_space<vmem>>
      %dma_start3A_266 = tpu.memref_squeeze %dma_start3A_265 : memref<1x128xi32, #tpu.memory_space<vmem>> -> memref<128xi32, #tpu.memory_space<vmem>>
      %dma_start3A_267 = arith.constant 0 : i32
      %dma_start3A_268 = arith.constant 0 : i32
      %dma_start3A_269 = tpu.memref_slice %arg11[%dma_start3A_267, %dma_start3A_268] : memref<10112x64xf32, #tpu.memory_space<vmem_shared>> -> memref<10112x64xf32, #tpu.memory_space<vmem_shared>>
      %dma_start3A_270 = tpu.memref_slice %arg13[%dma_start3A_259] : memref<6x!tpu.dma_semaphore, #tpu.memory_space<semaphore_mem>> -> memref<1x!tpu.dma_semaphore, #tpu.memory_space<semaphore_mem>>
      %dma_start3A_271 = tpu.memref_squeeze %dma_start3A_270 : memref<1x!tpu.dma_semaphore, #tpu.memory_space<semaphore_mem>> -> memref<!tpu.dma_semaphore, #tpu.memory_space<semaphore_mem>>
      tpu.enqueue_indirect_dma source(%dma_start3A_263 : memref<128x64xf32, #tpu.memory_space<vmem>>) target(%dma_start3A_269 : memref<10112x64xf32, #tpu.memory_space<vmem_shared>>) offsets(%dma_start3A_266 : memref<128xi32, #tpu.memory_space<vmem>>) semaphore(%dma_start3A_271 : memref<!tpu.dma_semaphore, #tpu.memory_space<semaphore_mem>>) {add = true}
      %dma_wait3A_272 = arith.constant 0 : i32
      %dma_wait3A_273 = arith.constant 2 : i32
      %dma_wait3A_274 = arith.constant 2 : i32
      %dma_wait3A_275 = arith.constant 0 : i32
      %dma_wait3A_276 = arith.constant 0 : i32
      %dma_wait3A_277 = tpu.memref_slice %arg10[%dma_wait3A_273, %dma_wait3A_275, %dma_wait3A_276] : memref<6x128x64xf32, #tpu.memory_space<vmem>> -> memref<1x128x64xf32, #tpu.memory_space<vmem>>
      %dma_wait3A_278 = tpu.memref_squeeze %dma_wait3A_277 : memref<1x128x64xf32, #tpu.memory_space<vmem>> -> memref<128x64xf32, #tpu.memory_space<vmem>>
      %dma_wait3A_279 = arith.constant 0 : i32
      %dma_wait3A_280 = tpu.memref_slice %arg6[%dma_wait3A_272, %dma_wait3A_279] : memref<78x128xi32, #tpu.memory_space<vmem>> -> memref<1x128xi32, #tpu.memory_space<vmem>>
      %dma_wait3A_281 = tpu.memref_squeeze %dma_wait3A_280 : memref<1x128xi32, #tpu.memory_space<vmem>> -> memref<128xi32, #tpu.memory_space<vmem>>
      %dma_wait3A_282 = arith.constant 0 : i32
      %dma_wait3A_283 = arith.constant 0 : i32
      %dma_wait3A_284 = tpu.memref_slice %arg3[%dma_wait3A_282, %dma_wait3A_283] : memref<10000x64xf32, #tpu.memory_space<hbm>> -> memref<10000x64xf32, #tpu.memory_space<hbm>>
      %dma_wait3A_285 = tpu.memref_slice %arg12[%dma_wait3A_274] : memref<6x!tpu.dma_semaphore, #tpu.memory_space<semaphore_mem>> -> memref<1x!tpu.dma_semaphore, #tpu.memory_space<semaphore_mem>>
      %dma_wait3A_286 = tpu.memref_squeeze %dma_wait3A_285 : memref<1x!tpu.dma_semaphore, #tpu.memory_space<semaphore_mem>> -> memref<!tpu.dma_semaphore, #tpu.memory_space<semaphore_mem>>
      tpu.wait_indirect_dma semaphore(%dma_wait3A_286 : memref<!tpu.dma_semaphore, #tpu.memory_space<semaphore_mem>>) src(%dma_wait3A_284 : memref<10000x64xf32, #tpu.memory_space<hbm>>) dst(%dma_wait3A_278 : memref<128x64xf32, #tpu.memory_space<vmem>>)
      %mul3A_287 = arith.constant 6 : i32
      %mul3A_288 = arith.muli %scan3A_205, %mul3A_287 : i32
      %add3A_289 = arith.constant 2 : i32
      %add3A_290 = arith.addi %mul3A_288, %add3A_289 : i32
      %dma_start3A_291 = arith.constant 2 : i32
      %dma_start3A_292 = arith.constant 2 : i32
      %dma_start3A_293 = arith.constant 0 : i32
      %dma_start3A_294 = arith.constant 0 : i32
      %dma_start3A_295 = tpu.memref_slice %arg10[%dma_start3A_291, %dma_start3A_293, %dma_start3A_294] : memref<6x128x64xf32, #tpu.memory_space<vmem>> -> memref<1x128x64xf32, #tpu.memory_space<vmem>>
      %dma_start3A_296 = tpu.memref_squeeze %dma_start3A_295 : memref<1x128x64xf32, #tpu.memory_space<vmem>> -> memref<128x64xf32, #tpu.memory_space<vmem>>
      %dma_start3A_297 = arith.constant 0 : i32
      %dma_start3A_298 = tpu.memref_slice %arg7[%add3A_290, %dma_start3A_297] : memref<78x128xi32, #tpu.memory_space<vmem>> -> memref<1x128xi32, #tpu.memory_space<vmem>>
      %dma_start3A_299 = tpu.memref_squeeze %dma_start3A_298 : memref<1x128xi32, #tpu.memory_space<vmem>> -> memref<128xi32, #tpu.memory_space<vmem>>
      %dma_start3A_300 = arith.constant 0 : i32
      %dma_start3A_301 = arith.constant 0 : i32
      %dma_start3A_302 = tpu.memref_slice %arg11[%dma_start3A_300, %dma_start3A_301] : memref<10112x64xf32, #tpu.memory_space<vmem_shared>> -> memref<10112x64xf32, #tpu.memory_space<vmem_shared>>
      %dma_start3A_303 = tpu.memref_slice %arg13[%dma_start3A_292] : memref<6x!tpu.dma_semaphore, #tpu.memory_space<semaphore_mem>> -> memref<1x!tpu.dma_semaphore, #tpu.memory_space<semaphore_mem>>
      %dma_start3A_304 = tpu.memref_squeeze %dma_start3A_303 : memref<1x!tpu.dma_semaphore, #tpu.memory_space<semaphore_mem>> -> memref<!tpu.dma_semaphore, #tpu.memory_space<semaphore_mem>>
      tpu.enqueue_indirect_dma source(%dma_start3A_296 : memref<128x64xf32, #tpu.memory_space<vmem>>) target(%dma_start3A_302 : memref<10112x64xf32, #tpu.memory_space<vmem_shared>>) offsets(%dma_start3A_299 : memref<128xi32, #tpu.memory_space<vmem>>) semaphore(%dma_start3A_304 : memref<!tpu.dma_semaphore, #tpu.memory_space<semaphore_mem>>) {add = true}
      %dma_wait3A_305 = arith.constant 0 : i32
      %dma_wait3A_306 = arith.constant 3 : i32
      %dma_wait3A_307 = arith.constant 3 : i32
      %dma_wait3A_308 = arith.constant 0 : i32
      %dma_wait3A_309 = arith.constant 0 : i32
      %dma_wait3A_310 = tpu.memref_slice %arg10[%dma_wait3A_306, %dma_wait3A_308, %dma_wait3A_309] : memref<6x128x64xf32, #tpu.memory_space<vmem>> -> memref<1x128x64xf32, #tpu.memory_space<vmem>>
      %dma_wait3A_311 = tpu.memref_squeeze %dma_wait3A_310 : memref<1x128x64xf32, #tpu.memory_space<vmem>> -> memref<128x64xf32, #tpu.memory_space<vmem>>
      %dma_wait3A_312 = arith.constant 0 : i32
      %dma_wait3A_313 = tpu.memref_slice %arg6[%dma_wait3A_305, %dma_wait3A_312] : memref<78x128xi32, #tpu.memory_space<vmem>> -> memref<1x128xi32, #tpu.memory_space<vmem>>
      %dma_wait3A_314 = tpu.memref_squeeze %dma_wait3A_313 : memref<1x128xi32, #tpu.memory_space<vmem>> -> memref<128xi32, #tpu.memory_space<vmem>>
      %dma_wait3A_315 = arith.constant 0 : i32
      %dma_wait3A_316 = arith.constant 0 : i32
      %dma_wait3A_317 = tpu.memref_slice %arg3[%dma_wait3A_315, %dma_wait3A_316] : memref<10000x64xf32, #tpu.memory_space<hbm>> -> memref<10000x64xf32, #tpu.memory_space<hbm>>
      %dma_wait3A_318 = tpu.memref_slice %arg12[%dma_wait3A_307] : memref<6x!tpu.dma_semaphore, #tpu.memory_space<semaphore_mem>> -> memref<1x!tpu.dma_semaphore, #tpu.memory_space<semaphore_mem>>
      %dma_wait3A_319 = tpu.memref_squeeze %dma_wait3A_318 : memref<1x!tpu.dma_semaphore, #tpu.memory_space<semaphore_mem>> -> memref<!tpu.dma_semaphore, #tpu.memory_space<semaphore_mem>>
      tpu.wait_indirect_dma semaphore(%dma_wait3A_319 : memref<!tpu.dma_semaphore, #tpu.memory_space<semaphore_mem>>) src(%dma_wait3A_317 : memref<10000x64xf32, #tpu.memory_space<hbm>>) dst(%dma_wait3A_311 : memref<128x64xf32, #tpu.memory_space<vmem>>)
      %mul3A_320 = arith.constant 6 : i32
      %mul3A_321 = arith.muli %scan3A_205, %mul3A_320 : i32
      %add3A_322 = arith.constant 3 : i32
      %add3A_323 = arith.addi %mul3A_321, %add3A_322 : i32
      %dma_start3A_324 = arith.constant 3 : i32
      %dma_start3A_325 = arith.constant 3 : i32
      %dma_start3A_326 = arith.constant 0 : i32
      %dma_start3A_327 = arith.constant 0 : i32
      %dma_start3A_328 = tpu.memref_slice %arg10[%dma_start3A_324, %dma_start3A_326, %dma_start3A_327] : memref<6x128x64xf32, #tpu.memory_space<vmem>> -> memref<1x128x64xf32, #tpu.memory_space<vmem>>
      %dma_start3A_329 = tpu.memref_squeeze %dma_start3A_328 : memref<1x128x64xf32, #tpu.memory_space<vmem>> -> memref<128x64xf32, #tpu.memory_space<vmem>>
      %dma_start3A_330 = arith.constant 0 : i32
      %dma_start3A_331 = tpu.memref_slice %arg7[%add3A_323, %dma_start3A_330] : memref<78x128xi32, #tpu.memory_space<vmem>> -> memref<1x128xi32, #tpu.memory_space<vmem>>
      %dma_start3A_332 = tpu.memref_squeeze %dma_start3A_331 : memref<1x128xi32, #tpu.memory_space<vmem>> -> memref<128xi32, #tpu.memory_space<vmem>>
      %dma_start3A_333 = arith.constant 0 : i32
      %dma_start3A_334 = arith.constant 0 : i32
      %dma_start3A_335 = tpu.memref_slice %arg11[%dma_start3A_333, %dma_start3A_334] : memref<10112x64xf32, #tpu.memory_space<vmem_shared>> -> memref<10112x64xf32, #tpu.memory_space<vmem_shared>>
      %dma_start3A_336 = tpu.memref_slice %arg13[%dma_start3A_325] : memref<6x!tpu.dma_semaphore, #tpu.memory_space<semaphore_mem>> -> memref<1x!tpu.dma_semaphore, #tpu.memory_space<semaphore_mem>>
      %dma_start3A_337 = tpu.memref_squeeze %dma_start3A_336 : memref<1x!tpu.dma_semaphore, #tpu.memory_space<semaphore_mem>> -> memref<!tpu.dma_semaphore, #tpu.memory_space<semaphore_mem>>
      tpu.enqueue_indirect_dma source(%dma_start3A_329 : memref<128x64xf32, #tpu.memory_space<vmem>>) target(%dma_start3A_335 : memref<10112x64xf32, #tpu.memory_space<vmem_shared>>) offsets(%dma_start3A_332 : memref<128xi32, #tpu.memory_space<vmem>>) semaphore(%dma_start3A_337 : memref<!tpu.dma_semaphore, #tpu.memory_space<semaphore_mem>>) {add = true}
      %dma_wait3A_338 = arith.constant 0 : i32
      %dma_wait3A_339 = arith.constant 4 : i32
      %dma_wait3A_340 = arith.constant 4 : i32
      %dma_wait3A_341 = arith.constant 0 : i32
      %dma_wait3A_342 = arith.constant 0 : i32
      %dma_wait3A_343 = tpu.memref_slice %arg10[%dma_wait3A_339, %dma_wait3A_341, %dma_wait3A_342] : memref<6x128x64xf32, #tpu.memory_space<vmem>> -> memref<1x128x64xf32, #tpu.memory_space<vmem>>
      %dma_wait3A_344 = tpu.memref_squeeze %dma_wait3A_343 : memref<1x128x64xf32, #tpu.memory_space<vmem>> -> memref<128x64xf32, #tpu.memory_space<vmem>>
      %dma_wait3A_345 = arith.constant 0 : i32
      %dma_wait3A_346 = tpu.memref_slice %arg6[%dma_wait3A_338, %dma_wait3A_345] : memref<78x128xi32, #tpu.memory_space<vmem>> -> memref<1x128xi32, #tpu.memory_space<vmem>>
      %dma_wait3A_347 = tpu.memref_squeeze %dma_wait3A_346 : memref<1x128xi32, #tpu.memory_space<vmem>> -> memref<128xi32, #tpu.memory_space<vmem>>
      %dma_wait3A_348 = arith.constant 0 : i32
      %dma_wait3A_349 = arith.constant 0 : i32
      %dma_wait3A_350 = tpu.memref_slice %arg3[%dma_wait3A_348, %dma_wait3A_349] : memref<10000x64xf32, #tpu.memory_space<hbm>> -> memref<10000x64xf32, #tpu.memory_space<hbm>>
      %dma_wait3A_351 = tpu.memref_slice %arg12[%dma_wait3A_340] : memref<6x!tpu.dma_semaphore, #tpu.memory_space<semaphore_mem>> -> memref<1x!tpu.dma_semaphore, #tpu.memory_space<semaphore_mem>>
      %dma_wait3A_352 = tpu.memref_squeeze %dma_wait3A_351 : memref<1x!tpu.dma_semaphore, #tpu.memory_space<semaphore_mem>> -> memref<!tpu.dma_semaphore, #tpu.memory_space<semaphore_mem>>
      tpu.wait_indirect_dma semaphore(%dma_wait3A_352 : memref<!tpu.dma_semaphore, #tpu.memory_space<semaphore_mem>>) src(%dma_wait3A_350 : memref<10000x64xf32, #tpu.memory_space<hbm>>) dst(%dma_wait3A_344 : memref<128x64xf32, #tpu.memory_space<vmem>>)
      %mul3A_353 = arith.constant 6 : i32
      %mul3A_354 = arith.muli %scan3A_205, %mul3A_353 : i32
      %add3A_355 = arith.constant 4 : i32
      %add3A_356 = arith.addi %mul3A_354, %add3A_355 : i32
      %dma_start3A_357 = arith.constant 4 : i32
      %dma_start3A_358 = arith.constant 4 : i32
      %dma_start3A_359 = arith.constant 0 : i32
      %dma_start3A_360 = arith.constant 0 : i32
      %dma_start3A_361 = tpu.memref_slice %arg10[%dma_start3A_357, %dma_start3A_359, %dma_start3A_360] : memref<6x128x64xf32, #tpu.memory_space<vmem>> -> memref<1x128x64xf32, #tpu.memory_space<vmem>>
      %dma_start3A_362 = tpu.memref_squeeze %dma_start3A_361 : memref<1x128x64xf32, #tpu.memory_space<vmem>> -> memref<128x64xf32, #tpu.memory_space<vmem>>
      %dma_start3A_363 = arith.constant 0 : i32
      %dma_start3A_364 = tpu.memref_slice %arg7[%add3A_356, %dma_start3A_363] : memref<78x128xi32, #tpu.memory_space<vmem>> -> memref<1x128xi32, #tpu.memory_space<vmem>>
      %dma_start3A_365 = tpu.memref_squeeze %dma_start3A_364 : memref<1x128xi32, #tpu.memory_space<vmem>> -> memref<128xi32, #tpu.memory_space<vmem>>
      %dma_start3A_366 = arith.constant 0 : i32
      %dma_start3A_367 = arith.constant 0 : i32
      %dma_start3A_368 = tpu.memref_slice %arg11[%dma_start3A_366, %dma_start3A_367] : memref<10112x64xf32, #tpu.memory_space<vmem_shared>> -> memref<10112x64xf32, #tpu.memory_space<vmem_shared>>
      %dma_start3A_369 = tpu.memref_slice %arg13[%dma_start3A_358] : memref<6x!tpu.dma_semaphore, #tpu.memory_space<semaphore_mem>> -> memref<1x!tpu.dma_semaphore, #tpu.memory_space<semaphore_mem>>
      %dma_start3A_370 = tpu.memref_squeeze %dma_start3A_369 : memref<1x!tpu.dma_semaphore, #tpu.memory_space<semaphore_mem>> -> memref<!tpu.dma_semaphore, #tpu.memory_space<semaphore_mem>>
      tpu.enqueue_indirect_dma source(%dma_start3A_362 : memref<128x64xf32, #tpu.memory_space<vmem>>) target(%dma_start3A_368 : memref<10112x64xf32, #tpu.memory_space<vmem_shared>>) offsets(%dma_start3A_365 : memref<128xi32, #tpu.memory_space<vmem>>) semaphore(%dma_start3A_370 : memref<!tpu.dma_semaphore, #tpu.memory_space<semaphore_mem>>) {add = true}
      %dma_wait3A_371 = arith.constant 0 : i32
      %dma_wait3A_372 = arith.constant 5 : i32
      %dma_wait3A_373 = arith.constant 5 : i32
      %dma_wait3A_374 = arith.constant 0 : i32
      %dma_wait3A_375 = arith.constant 0 : i32
      %dma_wait3A_376 = tpu.memref_slice %arg10[%dma_wait3A_372, %dma_wait3A_374, %dma_wait3A_375] : memref<6x128x64xf32, #tpu.memory_space<vmem>> -> memref<1x128x64xf32, #tpu.memory_space<vmem>>
      %dma_wait3A_377 = tpu.memref_squeeze %dma_wait3A_376 : memref<1x128x64xf32, #tpu.memory_space<vmem>> -> memref<128x64xf32, #tpu.memory_space<vmem>>
      %dma_wait3A_378 = arith.constant 0 : i32
      %dma_wait3A_379 = tpu.memref_slice %arg6[%dma_wait3A_371, %dma_wait3A_378] : memref<78x128xi32, #tpu.memory_space<vmem>> -> memref<1x128xi32, #tpu.memory_space<vmem>>
      %dma_wait3A_380 = tpu.memref_squeeze %dma_wait3A_379 : memref<1x128xi32, #tpu.memory_space<vmem>> -> memref<128xi32, #tpu.memory_space<vmem>>
      %dma_wait3A_381 = arith.constant 0 : i32
      %dma_wait3A_382 = arith.constant 0 : i32
      %dma_wait3A_383 = tpu.memref_slice %arg3[%dma_wait3A_381, %dma_wait3A_382] : memref<10000x64xf32, #tpu.memory_space<hbm>> -> memref<10000x64xf32, #tpu.memory_space<hbm>>
      %dma_wait3A_384 = tpu.memref_slice %arg12[%dma_wait3A_373] : memref<6x!tpu.dma_semaphore, #tpu.memory_space<semaphore_mem>> -> memref<1x!tpu.dma_semaphore, #tpu.memory_space<semaphore_mem>>
      %dma_wait3A_385 = tpu.memref_squeeze %dma_wait3A_384 : memref<1x!tpu.dma_semaphore, #tpu.memory_space<semaphore_mem>> -> memref<!tpu.dma_semaphore, #tpu.memory_space<semaphore_mem>>
      tpu.wait_indirect_dma semaphore(%dma_wait3A_385 : memref<!tpu.dma_semaphore, #tpu.memory_space<semaphore_mem>>) src(%dma_wait3A_383 : memref<10000x64xf32, #tpu.memory_space<hbm>>) dst(%dma_wait3A_377 : memref<128x64xf32, #tpu.memory_space<vmem>>)
      %mul3A_386 = arith.constant 6 : i32
      %mul3A_387 = arith.muli %scan3A_205, %mul3A_386 : i32
      %add3A_388 = arith.constant 5 : i32
      %add3A_389 = arith.addi %mul3A_387, %add3A_388 : i32
      %dma_start3A_390 = arith.constant 5 : i32
      %dma_start3A_391 = arith.constant 5 : i32
      %dma_start3A_392 = arith.constant 0 : i32
      %dma_start3A_393 = arith.constant 0 : i32
      %dma_start3A_394 = tpu.memref_slice %arg10[%dma_start3A_390, %dma_start3A_392, %dma_start3A_393] : memref<6x128x64xf32, #tpu.memory_space<vmem>> -> memref<1x128x64xf32, #tpu.memory_space<vmem>>
      %dma_start3A_395 = tpu.memref_squeeze %dma_start3A_394 : memref<1x128x64xf32, #tpu.memory_space<vmem>> -> memref<128x64xf32, #tpu.memory_space<vmem>>
      %dma_start3A_396 = arith.constant 0 : i32
      %dma_start3A_397 = tpu.memref_slice %arg7[%add3A_389, %dma_start3A_396] : memref<78x128xi32, #tpu.memory_space<vmem>> -> memref<1x128xi32, #tpu.memory_space<vmem>>
      %dma_start3A_398 = tpu.memref_squeeze %dma_start3A_397 : memref<1x128xi32, #tpu.memory_space<vmem>> -> memref<128xi32, #tpu.memory_space<vmem>>
      %dma_start3A_399 = arith.constant 0 : i32
      %dma_start3A_400 = arith.constant 0 : i32
      %dma_start3A_401 = tpu.memref_slice %arg11[%dma_start3A_399, %dma_start3A_400] : memref<10112x64xf32, #tpu.memory_space<vmem_shared>> -> memref<10112x64xf32, #tpu.memory_space<vmem_shared>>
      %dma_start3A_402 = tpu.memref_slice %arg13[%dma_start3A_391] : memref<6x!tpu.dma_semaphore, #tpu.memory_space<semaphore_mem>> -> memref<1x!tpu.dma_semaphore, #tpu.memory_space<semaphore_mem>>
      %dma_start3A_403 = tpu.memref_squeeze %dma_start3A_402 : memref<1x!tpu.dma_semaphore, #tpu.memory_space<semaphore_mem>> -> memref<!tpu.dma_semaphore, #tpu.memory_space<semaphore_mem>>
      tpu.enqueue_indirect_dma source(%dma_start3A_395 : memref<128x64xf32, #tpu.memory_space<vmem>>) target(%dma_start3A_401 : memref<10112x64xf32, #tpu.memory_space<vmem_shared>>) offsets(%dma_start3A_398 : memref<128xi32, #tpu.memory_space<vmem>>) semaphore(%dma_start3A_403 : memref<!tpu.dma_semaphore, #tpu.memory_space<semaphore_mem>>) {add = true}
      %add3A_404 = arith.constant 1 : i32
      %add3A_405 = arith.addi %scan3A_205, %add3A_404 : i32
      %lt3A = arith.constant 13 : i32
      %lt3A_406 = arith.cmpi slt, %add3A_405, %lt3A : i32
      %convert_element_type3A_407 = arith.extui %lt3A_406 : i1 to i32
      %cond3A_408 = arith.constant 0 : i32
      %cond3A_409 = arith.cmpi ne, %convert_element_type3A_407, %cond3A_408 : i32
      scf.if %cond3A_409 {
        %dma_wait3A_410 = arith.constant 0 : i32
        %dma_wait3A_411 = arith.constant 0 : i32
        %dma_wait3A_412 = arith.constant 0 : i32
        %dma_wait3A_413 = arith.constant 0 : i32
        %dma_wait3A_414 = arith.constant 0 : i32
        %dma_wait3A_415 = tpu.memref_slice %arg10[%dma_wait3A_410, %dma_wait3A_413, %dma_wait3A_414] : memref<6x128x64xf32, #tpu.memory_space<vmem>> -> memref<1x128x64xf32, #tpu.memory_space<vmem>>
        %dma_wait3A_416 = tpu.memref_squeeze %dma_wait3A_415 : memref<1x128x64xf32, #tpu.memory_space<vmem>> -> memref<128x64xf32, #tpu.memory_space<vmem>>
        %dma_wait3A_417 = arith.constant 0 : i32
        %dma_wait3A_418 = tpu.memref_slice %arg7[%dma_wait3A_411, %dma_wait3A_417] : memref<78x128xi32, #tpu.memory_space<vmem>> -> memref<1x128xi32, #tpu.memory_space<vmem>>
        %dma_wait3A_419 = tpu.memref_squeeze %dma_wait3A_418 : memref<1x128xi32, #tpu.memory_space<vmem>> -> memref<128xi32, #tpu.memory_space<vmem>>
        %dma_wait3A_420 = arith.constant 0 : i32
        %dma_wait3A_421 = arith.constant 0 : i32
        %dma_wait3A_422 = tpu.memref_slice %arg11[%dma_wait3A_420, %dma_wait3A_421] : memref<10112x64xf32, #tpu.memory_space<vmem_shared>> -> memref<10112x64xf32, #tpu.memory_space<vmem_shared>>
        %dma_wait3A_423 = tpu.memref_slice %arg13[%dma_wait3A_412] : memref<6x!tpu.dma_semaphore, #tpu.memory_space<semaphore_mem>> -> memref<1x!tpu.dma_semaphore, #tpu.memory_space<semaphore_mem>>
        %dma_wait3A_424 = tpu.memref_squeeze %dma_wait3A_423 : memref<1x!tpu.dma_semaphore, #tpu.memory_space<semaphore_mem>> -> memref<!tpu.dma_semaphore, #tpu.memory_space<semaphore_mem>>
        tpu.wait_indirect_dma semaphore(%dma_wait3A_424 : memref<!tpu.dma_semaphore, #tpu.memory_space<semaphore_mem>>) src(%dma_wait3A_416 : memref<128x64xf32, #tpu.memory_space<vmem>>) dst(%dma_wait3A_422 : memref<10112x64xf32, #tpu.memory_space<vmem_shared>>)
        %add3A_425 = arith.constant 1 : i32
        %add3A_426 = arith.addi %scan3A_205, %add3A_425 : i32
        %mul3A_427 = arith.constant 6 : i32
        %mul3A_428 = arith.muli %add3A_426, %mul3A_427 : i32
        %add3A_429 = arith.constant 0 : i32
        %add3A_430 = arith.addi %mul3A_428, %add3A_429 : i32
        %dma_start3A_431 = arith.constant 0 : i32
        %dma_start3A_432 = arith.constant 0 : i32
        %dma_start3A_433 = arith.constant 0 : i32
        %dma_start3A_434 = arith.constant 0 : i32
        %dma_start3A_435 = tpu.memref_slice %arg10[%dma_start3A_431, %dma_start3A_433, %dma_start3A_434] : memref<6x128x64xf32, #tpu.memory_space<vmem>> -> memref<1x128x64xf32, #tpu.memory_space<vmem>>
        %dma_start3A_436 = tpu.memref_squeeze %dma_start3A_435 : memref<1x128x64xf32, #tpu.memory_space<vmem>> -> memref<128x64xf32, #tpu.memory_space<vmem>>
        %dma_start3A_437 = arith.constant 0 : i32
        %dma_start3A_438 = tpu.memref_slice %arg6[%add3A_430, %dma_start3A_437] : memref<78x128xi32, #tpu.memory_space<vmem>> -> memref<1x128xi32, #tpu.memory_space<vmem>>
        %dma_start3A_439 = tpu.memref_squeeze %dma_start3A_438 : memref<1x128xi32, #tpu.memory_space<vmem>> -> memref<128xi32, #tpu.memory_space<vmem>>
        %dma_start3A_440 = arith.constant 0 : i32
        %dma_start3A_441 = arith.constant 0 : i32
        %dma_start3A_442 = tpu.memref_slice %arg3[%dma_start3A_440, %dma_start3A_441] : memref<10000x64xf32, #tpu.memory_space<hbm>> -> memref<10000x64xf32, #tpu.memory_space<hbm>>
        %dma_start3A_443 = tpu.memref_slice %arg12[%dma_start3A_432] : memref<6x!tpu.dma_semaphore, #tpu.memory_space<semaphore_mem>> -> memref<1x!tpu.dma_semaphore, #tpu.memory_space<semaphore_mem>>
        %dma_start3A_444 = tpu.memref_squeeze %dma_start3A_443 : memref<1x!tpu.dma_semaphore, #tpu.memory_space<semaphore_mem>> -> memref<!tpu.dma_semaphore, #tpu.memory_space<semaphore_mem>>
        tpu.enqueue_indirect_dma source(%dma_start3A_442 : memref<10000x64xf32, #tpu.memory_space<hbm>>) target(%dma_start3A_436 : memref<128x64xf32, #tpu.memory_space<vmem>>) offsets(%dma_start3A_439 : memref<128xi32, #tpu.memory_space<vmem>>) semaphore(%dma_start3A_444 : memref<!tpu.dma_semaphore, #tpu.memory_space<semaphore_mem>>)
        %dma_wait3A_445 = arith.constant 1 : i32
        %dma_wait3A_446 = arith.constant 0 : i32
        %dma_wait3A_447 = arith.constant 1 : i32
        %dma_wait3A_448 = arith.constant 0 : i32
        %dma_wait3A_449 = arith.constant 0 : i32
        %dma_wait3A_450 = tpu.memref_slice %arg10[%dma_wait3A_445, %dma_wait3A_448, %dma_wait3A_449] : memref<6x128x64xf32, #tpu.memory_space<vmem>> -> memref<1x128x64xf32, #tpu.memory_space<vmem>>
        %dma_wait3A_451 = tpu.memref_squeeze %dma_wait3A_450 : memref<1x128x64xf32, #tpu.memory_space<vmem>> -> memref<128x64xf32, #tpu.memory_space<vmem>>
        %dma_wait3A_452 = arith.constant 0 : i32
        %dma_wait3A_453 = tpu.memref_slice %arg7[%dma_wait3A_446, %dma_wait3A_452] : memref<78x128xi32, #tpu.memory_space<vmem>> -> memref<1x128xi32, #tpu.memory_space<vmem>>
        %dma_wait3A_454 = tpu.memref_squeeze %dma_wait3A_453 : memref<1x128xi32, #tpu.memory_space<vmem>> -> memref<128xi32, #tpu.memory_space<vmem>>
        %dma_wait3A_455 = arith.constant 0 : i32
        %dma_wait3A_456 = arith.constant 0 : i32
        %dma_wait3A_457 = tpu.memref_slice %arg11[%dma_wait3A_455, %dma_wait3A_456] : memref<10112x64xf32, #tpu.memory_space<vmem_shared>> -> memref<10112x64xf32, #tpu.memory_space<vmem_shared>>
        %dma_wait3A_458 = tpu.memref_slice %arg13[%dma_wait3A_447] : memref<6x!tpu.dma_semaphore, #tpu.memory_space<semaphore_mem>> -> memref<1x!tpu.dma_semaphore, #tpu.memory_space<semaphore_mem>>
        %dma_wait3A_459 = tpu.memref_squeeze %dma_wait3A_458 : memref<1x!tpu.dma_semaphore, #tpu.memory_space<semaphore_mem>> -> memref<!tpu.dma_semaphore, #tpu.memory_space<semaphore_mem>>
        tpu.wait_indirect_dma semaphore(%dma_wait3A_459 : memref<!tpu.dma_semaphore, #tpu.memory_space<semaphore_mem>>) src(%dma_wait3A_451 : memref<128x64xf32, #tpu.memory_space<vmem>>) dst(%dma_wait3A_457 : memref<10112x64xf32, #tpu.memory_space<vmem_shared>>)
        %add3A_460 = arith.constant 1 : i32
        %add3A_461 = arith.addi %scan3A_205, %add3A_460 : i32
        %mul3A_462 = arith.constant 6 : i32
        %mul3A_463 = arith.muli %add3A_461, %mul3A_462 : i32
        %add3A_464 = arith.constant 1 : i32
        %add3A_465 = arith.addi %mul3A_463, %add3A_464 : i32
        %dma_start3A_466 = arith.constant 1 : i32
        %dma_start3A_467 = arith.constant 1 : i32
        %dma_start3A_468 = arith.constant 0 : i32
        %dma_start3A_469 = arith.constant 0 : i32
        %dma_start3A_470 = tpu.memref_slice %arg10[%dma_start3A_466, %dma_start3A_468, %dma_start3A_469] : memref<6x128x64xf32, #tpu.memory_space<vmem>> -> memref<1x128x64xf32, #tpu.memory_space<vmem>>
        %dma_start3A_471 = tpu.memref_squeeze %dma_start3A_470 : memref<1x128x64xf32, #tpu.memory_space<vmem>> -> memref<128x64xf32, #tpu.memory_space<vmem>>
        %dma_start3A_472 = arith.constant 0 : i32
        %dma_start3A_473 = tpu.memref_slice %arg6[%add3A_465, %dma_start3A_472] : memref<78x128xi32, #tpu.memory_space<vmem>> -> memref<1x128xi32, #tpu.memory_space<vmem>>
        %dma_start3A_474 = tpu.memref_squeeze %dma_start3A_473 : memref<1x128xi32, #tpu.memory_space<vmem>> -> memref<128xi32, #tpu.memory_space<vmem>>
        %dma_start3A_475 = arith.constant 0 : i32
        %dma_start3A_476 = arith.constant 0 : i32
        %dma_start3A_477 = tpu.memref_slice %arg3[%dma_start3A_475, %dma_start3A_476] : memref<10000x64xf32, #tpu.memory_space<hbm>> -> memref<10000x64xf32, #tpu.memory_space<hbm>>
        %dma_start3A_478 = tpu.memref_slice %arg12[%dma_start3A_467] : memref<6x!tpu.dma_semaphore, #tpu.memory_space<semaphore_mem>> -> memref<1x!tpu.dma_semaphore, #tpu.memory_space<semaphore_mem>>
        %dma_start3A_479 = tpu.memref_squeeze %dma_start3A_478 : memref<1x!tpu.dma_semaphore, #tpu.memory_space<semaphore_mem>> -> memref<!tpu.dma_semaphore, #tpu.memory_space<semaphore_mem>>
        tpu.enqueue_indirect_dma source(%dma_start3A_477 : memref<10000x64xf32, #tpu.memory_space<hbm>>) target(%dma_start3A_471 : memref<128x64xf32, #tpu.memory_space<vmem>>) offsets(%dma_start3A_474 : memref<128xi32, #tpu.memory_space<vmem>>) semaphore(%dma_start3A_479 : memref<!tpu.dma_semaphore, #tpu.memory_space<semaphore_mem>>)
        %dma_wait3A_480 = arith.constant 2 : i32
        %dma_wait3A_481 = arith.constant 0 : i32
        %dma_wait3A_482 = arith.constant 2 : i32
        %dma_wait3A_483 = arith.constant 0 : i32
        %dma_wait3A_484 = arith.constant 0 : i32
        %dma_wait3A_485 = tpu.memref_slice %arg10[%dma_wait3A_480, %dma_wait3A_483, %dma_wait3A_484] : memref<6x128x64xf32, #tpu.memory_space<vmem>> -> memref<1x128x64xf32, #tpu.memory_space<vmem>>
        %dma_wait3A_486 = tpu.memref_squeeze %dma_wait3A_485 : memref<1x128x64xf32, #tpu.memory_space<vmem>> -> memref<128x64xf32, #tpu.memory_space<vmem>>
        %dma_wait3A_487 = arith.constant 0 : i32
        %dma_wait3A_488 = tpu.memref_slice %arg7[%dma_wait3A_481, %dma_wait3A_487] : memref<78x128xi32, #tpu.memory_space<vmem>> -> memref<1x128xi32, #tpu.memory_space<vmem>>
        %dma_wait3A_489 = tpu.memref_squeeze %dma_wait3A_488 : memref<1x128xi32, #tpu.memory_space<vmem>> -> memref<128xi32, #tpu.memory_space<vmem>>
        %dma_wait3A_490 = arith.constant 0 : i32
        %dma_wait3A_491 = arith.constant 0 : i32
        %dma_wait3A_492 = tpu.memref_slice %arg11[%dma_wait3A_490, %dma_wait3A_491] : memref<10112x64xf32, #tpu.memory_space<vmem_shared>> -> memref<10112x64xf32, #tpu.memory_space<vmem_shared>>
        %dma_wait3A_493 = tpu.memref_slice %arg13[%dma_wait3A_482] : memref<6x!tpu.dma_semaphore, #tpu.memory_space<semaphore_mem>> -> memref<1x!tpu.dma_semaphore, #tpu.memory_space<semaphore_mem>>
        %dma_wait3A_494 = tpu.memref_squeeze %dma_wait3A_493 : memref<1x!tpu.dma_semaphore, #tpu.memory_space<semaphore_mem>> -> memref<!tpu.dma_semaphore, #tpu.memory_space<semaphore_mem>>
        tpu.wait_indirect_dma semaphore(%dma_wait3A_494 : memref<!tpu.dma_semaphore, #tpu.memory_space<semaphore_mem>>) src(%dma_wait3A_486 : memref<128x64xf32, #tpu.memory_space<vmem>>) dst(%dma_wait3A_492 : memref<10112x64xf32, #tpu.memory_space<vmem_shared>>)
        %add3A_495 = arith.constant 1 : i32
        %add3A_496 = arith.addi %scan3A_205, %add3A_495 : i32
        %mul3A_497 = arith.constant 6 : i32
        %mul3A_498 = arith.muli %add3A_496, %mul3A_497 : i32
        %add3A_499 = arith.constant 2 : i32
        %add3A_500 = arith.addi %mul3A_498, %add3A_499 : i32
        %dma_start3A_501 = arith.constant 2 : i32
        %dma_start3A_502 = arith.constant 2 : i32
        %dma_start3A_503 = arith.constant 0 : i32
        %dma_start3A_504 = arith.constant 0 : i32
        %dma_start3A_505 = tpu.memref_slice %arg10[%dma_start3A_501, %dma_start3A_503, %dma_start3A_504] : memref<6x128x64xf32, #tpu.memory_space<vmem>> -> memref<1x128x64xf32, #tpu.memory_space<vmem>>
        %dma_start3A_506 = tpu.memref_squeeze %dma_start3A_505 : memref<1x128x64xf32, #tpu.memory_space<vmem>> -> memref<128x64xf32, #tpu.memory_space<vmem>>
        %dma_start3A_507 = arith.constant 0 : i32
        %dma_start3A_508 = tpu.memref_slice %arg6[%add3A_500, %dma_start3A_507] : memref<78x128xi32, #tpu.memory_space<vmem>> -> memref<1x128xi32, #tpu.memory_space<vmem>>
        %dma_start3A_509 = tpu.memref_squeeze %dma_start3A_508 : memref<1x128xi32, #tpu.memory_space<vmem>> -> memref<128xi32, #tpu.memory_space<vmem>>
        %dma_start3A_510 = arith.constant 0 : i32
        %dma_start3A_511 = arith.constant 0 : i32
        %dma_start3A_512 = tpu.memref_slice %arg3[%dma_start3A_510, %dma_start3A_511] : memref<10000x64xf32, #tpu.memory_space<hbm>> -> memref<10000x64xf32, #tpu.memory_space<hbm>>
        %dma_start3A_513 = tpu.memref_slice %arg12[%dma_start3A_502] : memref<6x!tpu.dma_semaphore, #tpu.memory_space<semaphore_mem>> -> memref<1x!tpu.dma_semaphore, #tpu.memory_space<semaphore_mem>>
        %dma_start3A_514 = tpu.memref_squeeze %dma_start3A_513 : memref<1x!tpu.dma_semaphore, #tpu.memory_space<semaphore_mem>> -> memref<!tpu.dma_semaphore, #tpu.memory_space<semaphore_mem>>
        tpu.enqueue_indirect_dma source(%dma_start3A_512 : memref<10000x64xf32, #tpu.memory_space<hbm>>) target(%dma_start3A_506 : memref<128x64xf32, #tpu.memory_space<vmem>>) offsets(%dma_start3A_509 : memref<128xi32, #tpu.memory_space<vmem>>) semaphore(%dma_start3A_514 : memref<!tpu.dma_semaphore, #tpu.memory_space<semaphore_mem>>)
        %dma_wait3A_515 = arith.constant 3 : i32
        %dma_wait3A_516 = arith.constant 0 : i32
        %dma_wait3A_517 = arith.constant 3 : i32
        %dma_wait3A_518 = arith.constant 0 : i32
        %dma_wait3A_519 = arith.constant 0 : i32
        %dma_wait3A_520 = tpu.memref_slice %arg10[%dma_wait3A_515, %dma_wait3A_518, %dma_wait3A_519] : memref<6x128x64xf32, #tpu.memory_space<vmem>> -> memref<1x128x64xf32, #tpu.memory_space<vmem>>
        %dma_wait3A_521 = tpu.memref_squeeze %dma_wait3A_520 : memref<1x128x64xf32, #tpu.memory_space<vmem>> -> memref<128x64xf32, #tpu.memory_space<vmem>>
        %dma_wait3A_522 = arith.constant 0 : i32
        %dma_wait3A_523 = tpu.memref_slice %arg7[%dma_wait3A_516, %dma_wait3A_522] : memref<78x128xi32, #tpu.memory_space<vmem>> -> memref<1x128xi32, #tpu.memory_space<vmem>>
        %dma_wait3A_524 = tpu.memref_squeeze %dma_wait3A_523 : memref<1x128xi32, #tpu.memory_space<vmem>> -> memref<128xi32, #tpu.memory_space<vmem>>
        %dma_wait3A_525 = arith.constant 0 : i32
        %dma_wait3A_526 = arith.constant 0 : i32
        %dma_wait3A_527 = tpu.memref_slice %arg11[%dma_wait3A_525, %dma_wait3A_526] : memref<10112x64xf32, #tpu.memory_space<vmem_shared>> -> memref<10112x64xf32, #tpu.memory_space<vmem_shared>>
        %dma_wait3A_528 = tpu.memref_slice %arg13[%dma_wait3A_517] : memref<6x!tpu.dma_semaphore, #tpu.memory_space<semaphore_mem>> -> memref<1x!tpu.dma_semaphore, #tpu.memory_space<semaphore_mem>>
        %dma_wait3A_529 = tpu.memref_squeeze %dma_wait3A_528 : memref<1x!tpu.dma_semaphore, #tpu.memory_space<semaphore_mem>> -> memref<!tpu.dma_semaphore, #tpu.memory_space<semaphore_mem>>
        tpu.wait_indirect_dma semaphore(%dma_wait3A_529 : memref<!tpu.dma_semaphore, #tpu.memory_space<semaphore_mem>>) src(%dma_wait3A_521 : memref<128x64xf32, #tpu.memory_space<vmem>>) dst(%dma_wait3A_527 : memref<10112x64xf32, #tpu.memory_space<vmem_shared>>)
        %add3A_530 = arith.constant 1 : i32
        %add3A_531 = arith.addi %scan3A_205, %add3A_530 : i32
        %mul3A_532 = arith.constant 6 : i32
        %mul3A_533 = arith.muli %add3A_531, %mul3A_532 : i32
        %add3A_534 = arith.constant 3 : i32
        %add3A_535 = arith.addi %mul3A_533, %add3A_534 : i32
        %dma_start3A_536 = arith.constant 3 : i32
        %dma_start3A_537 = arith.constant 3 : i32
        %dma_start3A_538 = arith.constant 0 : i32
        %dma_start3A_539 = arith.constant 0 : i32
        %dma_start3A_540 = tpu.memref_slice %arg10[%dma_start3A_536, %dma_start3A_538, %dma_start3A_539] : memref<6x128x64xf32, #tpu.memory_space<vmem>> -> memref<1x128x64xf32, #tpu.memory_space<vmem>>
        %dma_start3A_541 = tpu.memref_squeeze %dma_start3A_540 : memref<1x128x64xf32, #tpu.memory_space<vmem>> -> memref<128x64xf32, #tpu.memory_space<vmem>>
        %dma_start3A_542 = arith.constant 0 : i32
        %dma_start3A_543 = tpu.memref_slice %arg6[%add3A_535, %dma_start3A_542] : memref<78x128xi32, #tpu.memory_space<vmem>> -> memref<1x128xi32, #tpu.memory_space<vmem>>
        %dma_start3A_544 = tpu.memref_squeeze %dma_start3A_543 : memref<1x128xi32, #tpu.memory_space<vmem>> -> memref<128xi32, #tpu.memory_space<vmem>>
        %dma_start3A_545 = arith.constant 0 : i32
        %dma_start3A_546 = arith.constant 0 : i32
        %dma_start3A_547 = tpu.memref_slice %arg3[%dma_start3A_545, %dma_start3A_546] : memref<10000x64xf32, #tpu.memory_space<hbm>> -> memref<10000x64xf32, #tpu.memory_space<hbm>>
        %dma_start3A_548 = tpu.memref_slice %arg12[%dma_start3A_537] : memref<6x!tpu.dma_semaphore, #tpu.memory_space<semaphore_mem>> -> memref<1x!tpu.dma_semaphore, #tpu.memory_space<semaphore_mem>>
        %dma_start3A_549 = tpu.memref_squeeze %dma_start3A_548 : memref<1x!tpu.dma_semaphore, #tpu.memory_space<semaphore_mem>> -> memref<!tpu.dma_semaphore, #tpu.memory_space<semaphore_mem>>
        tpu.enqueue_indirect_dma source(%dma_start3A_547 : memref<10000x64xf32, #tpu.memory_space<hbm>>) target(%dma_start3A_541 : memref<128x64xf32, #tpu.memory_space<vmem>>) offsets(%dma_start3A_544 : memref<128xi32, #tpu.memory_space<vmem>>) semaphore(%dma_start3A_549 : memref<!tpu.dma_semaphore, #tpu.memory_space<semaphore_mem>>)
        %dma_wait3A_550 = arith.constant 4 : i32
        %dma_wait3A_551 = arith.constant 0 : i32
        %dma_wait3A_552 = arith.constant 4 : i32
        %dma_wait3A_553 = arith.constant 0 : i32
        %dma_wait3A_554 = arith.constant 0 : i32
        %dma_wait3A_555 = tpu.memref_slice %arg10[%dma_wait3A_550, %dma_wait3A_553, %dma_wait3A_554] : memref<6x128x64xf32, #tpu.memory_space<vmem>> -> memref<1x128x64xf32, #tpu.memory_space<vmem>>
        %dma_wait3A_556 = tpu.memref_squeeze %dma_wait3A_555 : memref<1x128x64xf32, #tpu.memory_space<vmem>> -> memref<128x64xf32, #tpu.memory_space<vmem>>
        %dma_wait3A_557 = arith.constant 0 : i32
        %dma_wait3A_558 = tpu.memref_slice %arg7[%dma_wait3A_551, %dma_wait3A_557] : memref<78x128xi32, #tpu.memory_space<vmem>> -> memref<1x128xi32, #tpu.memory_space<vmem>>
        %dma_wait3A_559 = tpu.memref_squeeze %dma_wait3A_558 : memref<1x128xi32, #tpu.memory_space<vmem>> -> memref<128xi32, #tpu.memory_space<vmem>>
        %dma_wait3A_560 = arith.constant 0 : i32
        %dma_wait3A_561 = arith.constant 0 : i32
        %dma_wait3A_562 = tpu.memref_slice %arg11[%dma_wait3A_560, %dma_wait3A_561] : memref<10112x64xf32, #tpu.memory_space<vmem_shared>> -> memref<10112x64xf32, #tpu.memory_space<vmem_shared>>
        %dma_wait3A_563 = tpu.memref_slice %arg13[%dma_wait3A_552] : memref<6x!tpu.dma_semaphore, #tpu.memory_space<semaphore_mem>> -> memref<1x!tpu.dma_semaphore, #tpu.memory_space<semaphore_mem>>
        %dma_wait3A_564 = tpu.memref_squeeze %dma_wait3A_563 : memref<1x!tpu.dma_semaphore, #tpu.memory_space<semaphore_mem>> -> memref<!tpu.dma_semaphore, #tpu.memory_space<semaphore_mem>>
        tpu.wait_indirect_dma semaphore(%dma_wait3A_564 : memref<!tpu.dma_semaphore, #tpu.memory_space<semaphore_mem>>) src(%dma_wait3A_556 : memref<128x64xf32, #tpu.memory_space<vmem>>) dst(%dma_wait3A_562 : memref<10112x64xf32, #tpu.memory_space<vmem_shared>>)
        %add3A_565 = arith.constant 1 : i32
        %add3A_566 = arith.addi %scan3A_205, %add3A_565 : i32
        %mul3A_567 = arith.constant 6 : i32
        %mul3A_568 = arith.muli %add3A_566, %mul3A_567 : i32
        %add3A_569 = arith.constant 4 : i32
        %add3A_570 = arith.addi %mul3A_568, %add3A_569 : i32
        %dma_start3A_571 = arith.constant 4 : i32
        %dma_start3A_572 = arith.constant 4 : i32
        %dma_start3A_573 = arith.constant 0 : i32
        %dma_start3A_574 = arith.constant 0 : i32
        %dma_start3A_575 = tpu.memref_slice %arg10[%dma_start3A_571, %dma_start3A_573, %dma_start3A_574] : memref<6x128x64xf32, #tpu.memory_space<vmem>> -> memref<1x128x64xf32, #tpu.memory_space<vmem>>
        %dma_start3A_576 = tpu.memref_squeeze %dma_start3A_575 : memref<1x128x64xf32, #tpu.memory_space<vmem>> -> memref<128x64xf32, #tpu.memory_space<vmem>>
        %dma_start3A_577 = arith.constant 0 : i32
        %dma_start3A_578 = tpu.memref_slice %arg6[%add3A_570, %dma_start3A_577] : memref<78x128xi32, #tpu.memory_space<vmem>> -> memref<1x128xi32, #tpu.memory_space<vmem>>
        %dma_start3A_579 = tpu.memref_squeeze %dma_start3A_578 : memref<1x128xi32, #tpu.memory_space<vmem>> -> memref<128xi32, #tpu.memory_space<vmem>>
        %dma_start3A_580 = arith.constant 0 : i32
        %dma_start3A_581 = arith.constant 0 : i32
        %dma_start3A_582 = tpu.memref_slice %arg3[%dma_start3A_580, %dma_start3A_581] : memref<10000x64xf32, #tpu.memory_space<hbm>> -> memref<10000x64xf32, #tpu.memory_space<hbm>>
        %dma_start3A_583 = tpu.memref_slice %arg12[%dma_start3A_572] : memref<6x!tpu.dma_semaphore, #tpu.memory_space<semaphore_mem>> -> memref<1x!tpu.dma_semaphore, #tpu.memory_space<semaphore_mem>>
        %dma_start3A_584 = tpu.memref_squeeze %dma_start3A_583 : memref<1x!tpu.dma_semaphore, #tpu.memory_space<semaphore_mem>> -> memref<!tpu.dma_semaphore, #tpu.memory_space<semaphore_mem>>
        tpu.enqueue_indirect_dma source(%dma_start3A_582 : memref<10000x64xf32, #tpu.memory_space<hbm>>) target(%dma_start3A_576 : memref<128x64xf32, #tpu.memory_space<vmem>>) offsets(%dma_start3A_579 : memref<128xi32, #tpu.memory_space<vmem>>) semaphore(%dma_start3A_584 : memref<!tpu.dma_semaphore, #tpu.memory_space<semaphore_mem>>)
        %dma_wait3A_585 = arith.constant 5 : i32
        %dma_wait3A_586 = arith.constant 0 : i32
        %dma_wait3A_587 = arith.constant 5 : i32
        %dma_wait3A_588 = arith.constant 0 : i32
        %dma_wait3A_589 = arith.constant 0 : i32
        %dma_wait3A_590 = tpu.memref_slice %arg10[%dma_wait3A_585, %dma_wait3A_588, %dma_wait3A_589] : memref<6x128x64xf32, #tpu.memory_space<vmem>> -> memref<1x128x64xf32, #tpu.memory_space<vmem>>
        %dma_wait3A_591 = tpu.memref_squeeze %dma_wait3A_590 : memref<1x128x64xf32, #tpu.memory_space<vmem>> -> memref<128x64xf32, #tpu.memory_space<vmem>>
        %dma_wait3A_592 = arith.constant 0 : i32
        %dma_wait3A_593 = tpu.memref_slice %arg7[%dma_wait3A_586, %dma_wait3A_592] : memref<78x128xi32, #tpu.memory_space<vmem>> -> memref<1x128xi32, #tpu.memory_space<vmem>>
        %dma_wait3A_594 = tpu.memref_squeeze %dma_wait3A_593 : memref<1x128xi32, #tpu.memory_space<vmem>> -> memref<128xi32, #tpu.memory_space<vmem>>
        %dma_wait3A_595 = arith.constant 0 : i32
        %dma_wait3A_596 = arith.constant 0 : i32
        %dma_wait3A_597 = tpu.memref_slice %arg11[%dma_wait3A_595, %dma_wait3A_596] : memref<10112x64xf32, #tpu.memory_space<vmem_shared>> -> memref<10112x64xf32, #tpu.memory_space<vmem_shared>>
        %dma_wait3A_598 = tpu.memref_slice %arg13[%dma_wait3A_587] : memref<6x!tpu.dma_semaphore, #tpu.memory_space<semaphore_mem>> -> memref<1x!tpu.dma_semaphore, #tpu.memory_space<semaphore_mem>>
        %dma_wait3A_599 = tpu.memref_squeeze %dma_wait3A_598 : memref<1x!tpu.dma_semaphore, #tpu.memory_space<semaphore_mem>> -> memref<!tpu.dma_semaphore, #tpu.memory_space<semaphore_mem>>
        tpu.wait_indirect_dma semaphore(%dma_wait3A_599 : memref<!tpu.dma_semaphore, #tpu.memory_space<semaphore_mem>>) src(%dma_wait3A_591 : memref<128x64xf32, #tpu.memory_space<vmem>>) dst(%dma_wait3A_597 : memref<10112x64xf32, #tpu.memory_space<vmem_shared>>)
        %add3A_600 = arith.constant 1 : i32
        %add3A_601 = arith.addi %scan3A_205, %add3A_600 : i32
        %mul3A_602 = arith.constant 6 : i32
        %mul3A_603 = arith.muli %add3A_601, %mul3A_602 : i32
        %add3A_604 = arith.constant 5 : i32
        %add3A_605 = arith.addi %mul3A_603, %add3A_604 : i32
        %dma_start3A_606 = arith.constant 5 : i32
        %dma_start3A_607 = arith.constant 5 : i32
        %dma_start3A_608 = arith.constant 0 : i32
        %dma_start3A_609 = arith.constant 0 : i32
        %dma_start3A_610 = tpu.memref_slice %arg10[%dma_start3A_606, %dma_start3A_608, %dma_start3A_609] : memref<6x128x64xf32, #tpu.memory_space<vmem>> -> memref<1x128x64xf32, #tpu.memory_space<vmem>>
        %dma_start3A_611 = tpu.memref_squeeze %dma_start3A_610 : memref<1x128x64xf32, #tpu.memory_space<vmem>> -> memref<128x64xf32, #tpu.memory_space<vmem>>
        %dma_start3A_612 = arith.constant 0 : i32
        %dma_start3A_613 = tpu.memref_slice %arg6[%add3A_605, %dma_start3A_612] : memref<78x128xi32, #tpu.memory_space<vmem>> -> memref<1x128xi32, #tpu.memory_space<vmem>>
        %dma_start3A_614 = tpu.memref_squeeze %dma_start3A_613 : memref<1x128xi32, #tpu.memory_space<vmem>> -> memref<128xi32, #tpu.memory_space<vmem>>
        %dma_start3A_615 = arith.constant 0 : i32
        %dma_start3A_616 = arith.constant 0 : i32
        %dma_start3A_617 = tpu.memref_slice %arg3[%dma_start3A_615, %dma_start3A_616] : memref<10000x64xf32, #tpu.memory_space<hbm>> -> memref<10000x64xf32, #tpu.memory_space<hbm>>
        %dma_start3A_618 = tpu.memref_slice %arg12[%dma_start3A_607] : memref<6x!tpu.dma_semaphore, #tpu.memory_space<semaphore_mem>> -> memref<1x!tpu.dma_semaphore, #tpu.memory_space<semaphore_mem>>
        %dma_start3A_619 = tpu.memref_squeeze %dma_start3A_618 : memref<1x!tpu.dma_semaphore, #tpu.memory_space<semaphore_mem>> -> memref<!tpu.dma_semaphore, #tpu.memory_space<semaphore_mem>>
        tpu.enqueue_indirect_dma source(%dma_start3A_617 : memref<10000x64xf32, #tpu.memory_space<hbm>>) target(%dma_start3A_611 : memref<128x64xf32, #tpu.memory_space<vmem>>) offsets(%dma_start3A_614 : memref<128xi32, #tpu.memory_space<vmem>>) semaphore(%dma_start3A_619 : memref<!tpu.dma_semaphore, #tpu.memory_space<semaphore_mem>>)
      } else {
      }
    }
    %scan3A_105 = arith.constant 13 : i32
    %dma_wait3A = arith.constant 0 : i32
    %dma_wait3A_106 = arith.constant 0 : i32
    %dma_wait3A_107 = arith.constant 0 : i32
    %dma_wait3A_108 = arith.constant 0 : i32
    %dma_wait3A_109 = arith.constant 0 : i32
    %dma_wait3A_110 = tpu.memref_slice %arg10[%dma_wait3A, %dma_wait3A_108, %dma_wait3A_109] : memref<6x128x64xf32, #tpu.memory_space<vmem>> -> memref<1x128x64xf32, #tpu.memory_space<vmem>>
    %dma_wait3A_111 = tpu.memref_squeeze %dma_wait3A_110 : memref<1x128x64xf32, #tpu.memory_space<vmem>> -> memref<128x64xf32, #tpu.memory_space<vmem>>
    %dma_wait3A_112 = arith.constant 0 : i32
    %dma_wait3A_113 = tpu.memref_slice %arg7[%dma_wait3A_106, %dma_wait3A_112] : memref<78x128xi32, #tpu.memory_space<vmem>> -> memref<1x128xi32, #tpu.memory_space<vmem>>
    %dma_wait3A_114 = tpu.memref_squeeze %dma_wait3A_113 : memref<1x128xi32, #tpu.memory_space<vmem>> -> memref<128xi32, #tpu.memory_space<vmem>>
    %dma_wait3A_115 = arith.constant 0 : i32
    %dma_wait3A_116 = arith.constant 0 : i32
    %dma_wait3A_117 = tpu.memref_slice %arg11[%dma_wait3A_115, %dma_wait3A_116] : memref<10112x64xf32, #tpu.memory_space<vmem_shared>> -> memref<10112x64xf32, #tpu.memory_space<vmem_shared>>
    %dma_wait3A_118 = tpu.memref_slice %arg13[%dma_wait3A_107] : memref<6x!tpu.dma_semaphore, #tpu.memory_space<semaphore_mem>> -> memref<1x!tpu.dma_semaphore, #tpu.memory_space<semaphore_mem>>
    %dma_wait3A_119 = tpu.memref_squeeze %dma_wait3A_118 : memref<1x!tpu.dma_semaphore, #tpu.memory_space<semaphore_mem>> -> memref<!tpu.dma_semaphore, #tpu.memory_space<semaphore_mem>>
    tpu.wait_indirect_dma semaphore(%dma_wait3A_119 : memref<!tpu.dma_semaphore, #tpu.memory_space<semaphore_mem>>) src(%dma_wait3A_111 : memref<128x64xf32, #tpu.memory_space<vmem>>) dst(%dma_wait3A_117 : memref<10112x64xf32, #tpu.memory_space<vmem_shared>>)
    %dma_wait3A_120 = arith.constant 1 : i32
    %dma_wait3A_121 = arith.constant 0 : i32
    %dma_wait3A_122 = arith.constant 1 : i32
    %dma_wait3A_123 = arith.constant 0 : i32
    %dma_wait3A_124 = arith.constant 0 : i32
    %dma_wait3A_125 = tpu.memref_slice %arg10[%dma_wait3A_120, %dma_wait3A_123, %dma_wait3A_124] : memref<6x128x64xf32, #tpu.memory_space<vmem>> -> memref<1x128x64xf32, #tpu.memory_space<vmem>>
    %dma_wait3A_126 = tpu.memref_squeeze %dma_wait3A_125 : memref<1x128x64xf32, #tpu.memory_space<vmem>> -> memref<128x64xf32, #tpu.memory_space<vmem>>
    %dma_wait3A_127 = arith.constant 0 : i32
    %dma_wait3A_128 = tpu.memref_slice %arg7[%dma_wait3A_121, %dma_wait3A_127] : memref<78x128xi32, #tpu.memory_space<vmem>> -> memref<1x128xi32, #tpu.memory_space<vmem>>
    %dma_wait3A_129 = tpu.memref_squeeze %dma_wait3A_128 : memref<1x128xi32, #tpu.memory_space<vmem>> -> memref<128xi32, #tpu.memory_space<vmem>>
    %dma_wait3A_130 = arith.constant 0 : i32
    %dma_wait3A_131 = arith.constant 0 : i32
    %dma_wait3A_132 = tpu.memref_slice %arg11[%dma_wait3A_130, %dma_wait3A_131] : memref<10112x64xf32, #tpu.memory_space<vmem_shared>> -> memref<10112x64xf32, #tpu.memory_space<vmem_shared>>
    %dma_wait3A_133 = tpu.memref_slice %arg13[%dma_wait3A_122] : memref<6x!tpu.dma_semaphore, #tpu.memory_space<semaphore_mem>> -> memref<1x!tpu.dma_semaphore, #tpu.memory_space<semaphore_mem>>
    %dma_wait3A_134 = tpu.memref_squeeze %dma_wait3A_133 : memref<1x!tpu.dma_semaphore, #tpu.memory_space<semaphore_mem>> -> memref<!tpu.dma_semaphore, #tpu.memory_space<semaphore_mem>>
    tpu.wait_indirect_dma semaphore(%dma_wait3A_134 : memref<!tpu.dma_semaphore, #tpu.memory_space<semaphore_mem>>) src(%dma_wait3A_126 : memref<128x64xf32, #tpu.memory_space<vmem>>) dst(%dma_wait3A_132 : memref<10112x64xf32, #tpu.memory_space<vmem_shared>>)
    %dma_wait3A_135 = arith.constant 2 : i32
    %dma_wait3A_136 = arith.constant 0 : i32
    %dma_wait3A_137 = arith.constant 2 : i32
    %dma_wait3A_138 = arith.constant 0 : i32
    %dma_wait3A_139 = arith.constant 0 : i32
    %dma_wait3A_140 = tpu.memref_slice %arg10[%dma_wait3A_135, %dma_wait3A_138, %dma_wait3A_139] : memref<6x128x64xf32, #tpu.memory_space<vmem>> -> memref<1x128x64xf32, #tpu.memory_space<vmem>>
    %dma_wait3A_141 = tpu.memref_squeeze %dma_wait3A_140 : memref<1x128x64xf32, #tpu.memory_space<vmem>> -> memref<128x64xf32, #tpu.memory_space<vmem>>
    %dma_wait3A_142 = arith.constant 0 : i32
    %dma_wait3A_143 = tpu.memref_slice %arg7[%dma_wait3A_136, %dma_wait3A_142] : memref<78x128xi32, #tpu.memory_space<vmem>> -> memref<1x128xi32, #tpu.memory_space<vmem>>
    %dma_wait3A_144 = tpu.memref_squeeze %dma_wait3A_143 : memref<1x128xi32, #tpu.memory_space<vmem>> -> memref<128xi32, #tpu.memory_space<vmem>>
    %dma_wait3A_145 = arith.constant 0 : i32
    %dma_wait3A_146 = arith.constant 0 : i32
    %dma_wait3A_147 = tpu.memref_slice %arg11[%dma_wait3A_145, %dma_wait3A_146] : memref<10112x64xf32, #tpu.memory_space<vmem_shared>> -> memref<10112x64xf32, #tpu.memory_space<vmem_shared>>
    %dma_wait3A_148 = tpu.memref_slice %arg13[%dma_wait3A_137] : memref<6x!tpu.dma_semaphore, #tpu.memory_space<semaphore_mem>> -> memref<1x!tpu.dma_semaphore, #tpu.memory_space<semaphore_mem>>
    %dma_wait3A_149 = tpu.memref_squeeze %dma_wait3A_148 : memref<1x!tpu.dma_semaphore, #tpu.memory_space<semaphore_mem>> -> memref<!tpu.dma_semaphore, #tpu.memory_space<semaphore_mem>>
    tpu.wait_indirect_dma semaphore(%dma_wait3A_149 : memref<!tpu.dma_semaphore, #tpu.memory_space<semaphore_mem>>) src(%dma_wait3A_141 : memref<128x64xf32, #tpu.memory_space<vmem>>) dst(%dma_wait3A_147 : memref<10112x64xf32, #tpu.memory_space<vmem_shared>>)
    %dma_wait3A_150 = arith.constant 3 : i32
    %dma_wait3A_151 = arith.constant 0 : i32
    %dma_wait3A_152 = arith.constant 3 : i32
    %dma_wait3A_153 = arith.constant 0 : i32
    %dma_wait3A_154 = arith.constant 0 : i32
    %dma_wait3A_155 = tpu.memref_slice %arg10[%dma_wait3A_150, %dma_wait3A_153, %dma_wait3A_154] : memref<6x128x64xf32, #tpu.memory_space<vmem>> -> memref<1x128x64xf32, #tpu.memory_space<vmem>>
    %dma_wait3A_156 = tpu.memref_squeeze %dma_wait3A_155 : memref<1x128x64xf32, #tpu.memory_space<vmem>> -> memref<128x64xf32, #tpu.memory_space<vmem>>
    %dma_wait3A_157 = arith.constant 0 : i32
    %dma_wait3A_158 = tpu.memref_slice %arg7[%dma_wait3A_151, %dma_wait3A_157] : memref<78x128xi32, #tpu.memory_space<vmem>> -> memref<1x128xi32, #tpu.memory_space<vmem>>
    %dma_wait3A_159 = tpu.memref_squeeze %dma_wait3A_158 : memref<1x128xi32, #tpu.memory_space<vmem>> -> memref<128xi32, #tpu.memory_space<vmem>>
    %dma_wait3A_160 = arith.constant 0 : i32
    %dma_wait3A_161 = arith.constant 0 : i32
    %dma_wait3A_162 = tpu.memref_slice %arg11[%dma_wait3A_160, %dma_wait3A_161] : memref<10112x64xf32, #tpu.memory_space<vmem_shared>> -> memref<10112x64xf32, #tpu.memory_space<vmem_shared>>
    %dma_wait3A_163 = tpu.memref_slice %arg13[%dma_wait3A_152] : memref<6x!tpu.dma_semaphore, #tpu.memory_space<semaphore_mem>> -> memref<1x!tpu.dma_semaphore, #tpu.memory_space<semaphore_mem>>
    %dma_wait3A_164 = tpu.memref_squeeze %dma_wait3A_163 : memref<1x!tpu.dma_semaphore, #tpu.memory_space<semaphore_mem>> -> memref<!tpu.dma_semaphore, #tpu.memory_space<semaphore_mem>>
    tpu.wait_indirect_dma semaphore(%dma_wait3A_164 : memref<!tpu.dma_semaphore, #tpu.memory_space<semaphore_mem>>) src(%dma_wait3A_156 : memref<128x64xf32, #tpu.memory_space<vmem>>) dst(%dma_wait3A_162 : memref<10112x64xf32, #tpu.memory_space<vmem_shared>>)
    %dma_wait3A_165 = arith.constant 4 : i32
    %dma_wait3A_166 = arith.constant 0 : i32
    %dma_wait3A_167 = arith.constant 4 : i32
    %dma_wait3A_168 = arith.constant 0 : i32
    %dma_wait3A_169 = arith.constant 0 : i32
    %dma_wait3A_170 = tpu.memref_slice %arg10[%dma_wait3A_165, %dma_wait3A_168, %dma_wait3A_169] : memref<6x128x64xf32, #tpu.memory_space<vmem>> -> memref<1x128x64xf32, #tpu.memory_space<vmem>>
    %dma_wait3A_171 = tpu.memref_squeeze %dma_wait3A_170 : memref<1x128x64xf32, #tpu.memory_space<vmem>> -> memref<128x64xf32, #tpu.memory_space<vmem>>
    %dma_wait3A_172 = arith.constant 0 : i32
    %dma_wait3A_173 = tpu.memref_slice %arg7[%dma_wait3A_166, %dma_wait3A_172] : memref<78x128xi32, #tpu.memory_space<vmem>> -> memref<1x128xi32, #tpu.memory_space<vmem>>
    %dma_wait3A_174 = tpu.memref_squeeze %dma_wait3A_173 : memref<1x128xi32, #tpu.memory_space<vmem>> -> memref<128xi32, #tpu.memory_space<vmem>>
    %dma_wait3A_175 = arith.constant 0 : i32
    %dma_wait3A_176 = arith.constant 0 : i32
    %dma_wait3A_177 = tpu.memref_slice %arg11[%dma_wait3A_175, %dma_wait3A_176] : memref<10112x64xf32, #tpu.memory_space<vmem_shared>> -> memref<10112x64xf32, #tpu.memory_space<vmem_shared>>
    %dma_wait3A_178 = tpu.memref_slice %arg13[%dma_wait3A_167] : memref<6x!tpu.dma_semaphore, #tpu.memory_space<semaphore_mem>> -> memref<1x!tpu.dma_semaphore, #tpu.memory_space<semaphore_mem>>
    %dma_wait3A_179 = tpu.memref_squeeze %dma_wait3A_178 : memref<1x!tpu.dma_semaphore, #tpu.memory_space<semaphore_mem>> -> memref<!tpu.dma_semaphore, #tpu.memory_space<semaphore_mem>>
    tpu.wait_indirect_dma semaphore(%dma_wait3A_179 : memref<!tpu.dma_semaphore, #tpu.memory_space<semaphore_mem>>) src(%dma_wait3A_171 : memref<128x64xf32, #tpu.memory_space<vmem>>) dst(%dma_wait3A_177 : memref<10112x64xf32, #tpu.memory_space<vmem_shared>>)
    %dma_wait3A_180 = arith.constant 5 : i32
    %dma_wait3A_181 = arith.constant 0 : i32
    %dma_wait3A_182 = arith.constant 5 : i32
    %dma_wait3A_183 = arith.constant 0 : i32
    %dma_wait3A_184 = arith.constant 0 : i32
    %dma_wait3A_185 = tpu.memref_slice %arg10[%dma_wait3A_180, %dma_wait3A_183, %dma_wait3A_184] : memref<6x128x64xf32, #tpu.memory_space<vmem>> -> memref<1x128x64xf32, #tpu.memory_space<vmem>>
    %dma_wait3A_186 = tpu.memref_squeeze %dma_wait3A_185 : memref<1x128x64xf32, #tpu.memory_space<vmem>> -> memref<128x64xf32, #tpu.memory_space<vmem>>
    %dma_wait3A_187 = arith.constant 0 : i32
    %dma_wait3A_188 = tpu.memref_slice %arg7[%dma_wait3A_181, %dma_wait3A_187] : memref<78x128xi32, #tpu.memory_space<vmem>> -> memref<1x128xi32, #tpu.memory_space<vmem>>
    %dma_wait3A_189 = tpu.memref_squeeze %dma_wait3A_188 : memref<1x128xi32, #tpu.memory_space<vmem>> -> memref<128xi32, #tpu.memory_space<vmem>>
    %dma_wait3A_190 = arith.constant 0 : i32
    %dma_wait3A_191 = arith.constant 0 : i32
    %dma_wait3A_192 = tpu.memref_slice %arg11[%dma_wait3A_190, %dma_wait3A_191] : memref<10112x64xf32, #tpu.memory_space<vmem_shared>> -> memref<10112x64xf32, #tpu.memory_space<vmem_shared>>
    %dma_wait3A_193 = tpu.memref_slice %arg13[%dma_wait3A_182] : memref<6x!tpu.dma_semaphore, #tpu.memory_space<semaphore_mem>> -> memref<1x!tpu.dma_semaphore, #tpu.memory_space<semaphore_mem>>
    %dma_wait3A_194 = tpu.memref_squeeze %dma_wait3A_193 : memref<1x!tpu.dma_semaphore, #tpu.memory_space<semaphore_mem>> -> memref<!tpu.dma_semaphore, #tpu.memory_space<semaphore_mem>>
    tpu.wait_indirect_dma semaphore(%dma_wait3A_194 : memref<!tpu.dma_semaphore, #tpu.memory_space<semaphore_mem>>) src(%dma_wait3A_186 : memref<128x64xf32, #tpu.memory_space<vmem>>) dst(%dma_wait3A_192 : memref<10112x64xf32, #tpu.memory_space<vmem_shared>>)
    %convert_element_type3A_195 = arith.extui %ge3A_1 : i1 to i32
    %cond3A_196 = arith.constant 0 : i32
    %cond3A_197 = arith.cmpi ne, %convert_element_type3A_195, %cond3A_196 : i32
    scf.if %cond3A_197 {
      %dma_start3A_205 = arith.constant 0 : i32
      %dma_start3A_206 = arith.constant 0 : i32
      %dma_start3A_207 = arith.constant 0 : i32
      %dma_start3A_208 = arith.constant 0 : i32
      %dma_start3A_209 = arith.constant 0 : i32
      %dma_start3A_210 = tpu.memref_slice %arg10[%dma_start3A_206, %dma_start3A_208, %dma_start3A_209] : memref<6x128x64xf32, #tpu.memory_space<vmem>> -> memref<1x128x64xf32, #tpu.memory_space<vmem>>
      %dma_start3A_211 = tpu.memref_squeeze %dma_start3A_210 : memref<1x128x64xf32, #tpu.memory_space<vmem>> -> memref<128x64xf32, #tpu.memory_space<vmem>>
      %dma_start3A_212 = arith.constant 0 : i32
      %dma_start3A_213 = tpu.memref_slice %arg8[%dma_start3A_205, %dma_start3A_212] : memref<1x128xi32, #tpu.memory_space<vmem>> -> memref<1x128xi32, #tpu.memory_space<vmem>>
      %dma_start3A_214 = tpu.memref_squeeze %dma_start3A_213 : memref<1x128xi32, #tpu.memory_space<vmem>> -> memref<128xi32, #tpu.memory_space<vmem>>
      %dma_start3A_215 = arith.constant 0 : i32
      %dma_start3A_216 = arith.constant 0 : i32
      %dma_start3A_217 = tpu.memref_slice %arg3[%dma_start3A_215, %dma_start3A_216] : memref<10000x64xf32, #tpu.memory_space<hbm>> -> memref<10000x64xf32, #tpu.memory_space<hbm>>
      %dma_start3A_218 = tpu.memref_slice %arg12[%dma_start3A_207] : memref<6x!tpu.dma_semaphore, #tpu.memory_space<semaphore_mem>> -> memref<1x!tpu.dma_semaphore, #tpu.memory_space<semaphore_mem>>
      %dma_start3A_219 = tpu.memref_squeeze %dma_start3A_218 : memref<1x!tpu.dma_semaphore, #tpu.memory_space<semaphore_mem>> -> memref<!tpu.dma_semaphore, #tpu.memory_space<semaphore_mem>>
      tpu.enqueue_indirect_dma source(%dma_start3A_217 : memref<10000x64xf32, #tpu.memory_space<hbm>>) target(%dma_start3A_211 : memref<128x64xf32, #tpu.memory_space<vmem>>) offsets(%dma_start3A_214 : memref<128xi32, #tpu.memory_space<vmem>>) semaphore(%dma_start3A_219 : memref<!tpu.dma_semaphore, #tpu.memory_space<semaphore_mem>>)
      %dma_wait3A_220 = arith.constant 0 : i32
      %dma_wait3A_221 = arith.constant 0 : i32
      %dma_wait3A_222 = arith.constant 0 : i32
      %dma_wait3A_223 = arith.constant 0 : i32
      %dma_wait3A_224 = arith.constant 0 : i32
      %dma_wait3A_225 = tpu.memref_slice %arg10[%dma_wait3A_221, %dma_wait3A_223, %dma_wait3A_224] : memref<6x128x64xf32, #tpu.memory_space<vmem>> -> memref<1x128x64xf32, #tpu.memory_space<vmem>>
      %dma_wait3A_226 = tpu.memref_squeeze %dma_wait3A_225 : memref<1x128x64xf32, #tpu.memory_space<vmem>> -> memref<128x64xf32, #tpu.memory_space<vmem>>
      %dma_wait3A_227 = arith.constant 0 : i32
      %dma_wait3A_228 = tpu.memref_slice %arg8[%dma_wait3A_220, %dma_wait3A_227] : memref<1x128xi32, #tpu.memory_space<vmem>> -> memref<1x128xi32, #tpu.memory_space<vmem>>
      %dma_wait3A_229 = tpu.memref_squeeze %dma_wait3A_228 : memref<1x128xi32, #tpu.memory_space<vmem>> -> memref<128xi32, #tpu.memory_space<vmem>>
      %dma_wait3A_230 = arith.constant 0 : i32
      %dma_wait3A_231 = arith.constant 0 : i32
      %dma_wait3A_232 = tpu.memref_slice %arg3[%dma_wait3A_230, %dma_wait3A_231] : memref<10000x64xf32, #tpu.memory_space<hbm>> -> memref<10000x64xf32, #tpu.memory_space<hbm>>
      %dma_wait3A_233 = tpu.memref_slice %arg12[%dma_wait3A_222] : memref<6x!tpu.dma_semaphore, #tpu.memory_space<semaphore_mem>> -> memref<1x!tpu.dma_semaphore, #tpu.memory_space<semaphore_mem>>
      %dma_wait3A_234 = tpu.memref_squeeze %dma_wait3A_233 : memref<1x!tpu.dma_semaphore, #tpu.memory_space<semaphore_mem>> -> memref<!tpu.dma_semaphore, #tpu.memory_space<semaphore_mem>>
      tpu.wait_indirect_dma semaphore(%dma_wait3A_234 : memref<!tpu.dma_semaphore, #tpu.memory_space<semaphore_mem>>) src(%dma_wait3A_232 : memref<10000x64xf32, #tpu.memory_space<hbm>>) dst(%dma_wait3A_226 : memref<128x64xf32, #tpu.memory_space<vmem>>)
      %run_scoped3A_235 = arith.constant 0 : i32
      %run_scoped3A_236 = arith.constant 0 : i32
      "tpu.region"() ({
        %run_scoped3A_237 = tpu.sem_alloc : memref<!tpu.dma_semaphore, #tpu.memory_space<semaphore_mem>>
        %dma_start3A_238 = arith.constant 0 : i32
        %dma_start3A_239 = arith.constant 0 : i32
        %dma_start3A_240 = tpu.memref_slice %arg10[%run_scoped3A_235, %dma_start3A_238, %dma_start3A_239] : memref<6x128x64xf32, #tpu.memory_space<vmem>> -> memref<1x128x64xf32, #tpu.memory_space<vmem>>
        %dma_start3A_241 = tpu.memref_squeeze %dma_start3A_240 : memref<1x128x64xf32, #tpu.memory_space<vmem>> -> memref<128x64xf32, #tpu.memory_space<vmem>>
        %dma_start3A_242 = arith.constant 0 : i32
        %dma_start3A_243 = tpu.memref_slice %arg9[%run_scoped3A_236, %dma_start3A_242] : memref<1x128xi32, #tpu.memory_space<vmem>> -> memref<1x128xi32, #tpu.memory_space<vmem>>
        %dma_start3A_244 = tpu.memref_squeeze %dma_start3A_243 : memref<1x128xi32, #tpu.memory_space<vmem>> -> memref<128xi32, #tpu.memory_space<vmem>>
        %dma_start3A_245 = arith.constant 0 : i32
        %dma_start3A_246 = arith.constant 0 : i32
        %dma_start3A_247 = tpu.memref_slice %arg11[%dma_start3A_245, %dma_start3A_246] : memref<10112x64xf32, #tpu.memory_space<vmem_shared>> -> memref<10112x64xf32, #tpu.memory_space<vmem_shared>>
        tpu.enqueue_indirect_dma source(%dma_start3A_241 : memref<128x64xf32, #tpu.memory_space<vmem>>) target(%dma_start3A_247 : memref<10112x64xf32, #tpu.memory_space<vmem_shared>>) offsets(%dma_start3A_244 : memref<128xi32, #tpu.memory_space<vmem>>) semaphore(%run_scoped3A_237 : memref<!tpu.dma_semaphore, #tpu.memory_space<semaphore_mem>>) {add = true}
        %dma_wait3A_248 = arith.constant 0 : i32
        %dma_wait3A_249 = arith.constant 0 : i32
        %dma_wait3A_250 = tpu.memref_slice %arg10[%run_scoped3A_235, %dma_wait3A_248, %dma_wait3A_249] : memref<6x128x64xf32, #tpu.memory_space<vmem>> -> memref<1x128x64xf32, #tpu.memory_space<vmem>>
        %dma_wait3A_251 = tpu.memref_squeeze %dma_wait3A_250 : memref<1x128x64xf32, #tpu.memory_space<vmem>> -> memref<128x64xf32, #tpu.memory_space<vmem>>
        %dma_wait3A_252 = arith.constant 0 : i32
        %dma_wait3A_253 = tpu.memref_slice %arg9[%run_scoped3A_236, %dma_wait3A_252] : memref<1x128xi32, #tpu.memory_space<vmem>> -> memref<1x128xi32, #tpu.memory_space<vmem>>
        %dma_wait3A_254 = tpu.memref_squeeze %dma_wait3A_253 : memref<1x128xi32, #tpu.memory_space<vmem>> -> memref<128xi32, #tpu.memory_space<vmem>>
        %dma_wait3A_255 = arith.constant 0 : i32
        %dma_wait3A_256 = arith.constant 0 : i32
        %dma_wait3A_257 = tpu.memref_slice %arg11[%dma_wait3A_255, %dma_wait3A_256] : memref<10112x64xf32, #tpu.memory_space<vmem_shared>> -> memref<10112x64xf32, #tpu.memory_space<vmem_shared>>
        tpu.wait_indirect_dma semaphore(%run_scoped3A_237 : memref<!tpu.dma_semaphore, #tpu.memory_space<semaphore_mem>>) src(%dma_wait3A_251 : memref<128x64xf32, #tpu.memory_space<vmem>>) dst(%dma_wait3A_257 : memref<10112x64xf32, #tpu.memory_space<vmem_shared>>)
        tpu.yield
      }) : () -> ()
    } else {
    }
    %barrier3A_198 = arith.constant 0 : index
    tpu.barrier barrier_id(%barrier3A_198)
    %mul3A_199 = arith.constant 632 : i32
    %mul3A_200 = arith.muli %arg1, %mul3A_199 : i32
    %mul3A_201 = arith.constant 632 : i32
    %mul3A_202 = arith.muli %arg1, %mul3A_201 : i32
    %mul3A_203 = arith.constant 64 : i32
    %mul3A_204 = arith.muli %arg0, %mul3A_203 : i32
    "tpu.region"() ({
      %run_scoped3A_205 = tpu.sem_alloc : memref<!tpu.dma_semaphore, #tpu.memory_space<semaphore_mem>>
      %dma_start3A_206 = tpu.memref_slice %arg5[%mul3A_202, %mul3A_204] : memref<10112x128xf32, #tpu.memory_space<hbm>> -> memref<632x64xf32, #tpu.memory_space<hbm>>
      %dma_start3A_207 = arith.constant 0 : i32
      %dma_start3A_208 = tpu.memref_slice %arg11[%mul3A_200, %dma_start3A_207] : memref<10112x64xf32, #tpu.memory_space<vmem_shared>> -> memref<632x64xf32, #tpu.memory_space<vmem_shared>>
      tpu.enqueue_dma source(%dma_start3A_208 : memref<632x64xf32, #tpu.memory_space<vmem_shared>>) target(%dma_start3A_206 : memref<632x64xf32, #tpu.memory_space<hbm>>) target_semaphore(%run_scoped3A_205 : memref<!tpu.dma_semaphore, #tpu.memory_space<semaphore_mem>>)
      %dma_wait3A_209 = tpu.memref_slice %arg5[%mul3A_202, %mul3A_204] : memref<10112x128xf32, #tpu.memory_space<hbm>> -> memref<632x64xf32, #tpu.memory_space<hbm>>
      %dma_wait3A_210 = arith.constant 0 : i32
      %dma_wait3A_211 = tpu.memref_slice %arg11[%mul3A_200, %dma_wait3A_210] : memref<10112x64xf32, #tpu.memory_space<vmem_shared>> -> memref<632x64xf32, #tpu.memory_space<vmem_shared>>
      tpu.wait_dma2 semaphore(%run_scoped3A_205 : memref<!tpu.dma_semaphore, #tpu.memory_space<semaphore_mem>>) src(%dma_wait3A_211 : memref<632x64xf32, #tpu.memory_space<vmem_shared>>) dst(%dma_wait3A_209 : memref<632x64xf32, #tpu.memory_space<hbm>>)
      tpu.yield
    }) : () -> ()
    return
  }
}

#map = affine_map<(d0, d1) -> (0, 0, 0)>
#map1 = affine_map<(d0, d1) -> (0, 0)>
module attributes {stable_mosaic.version = 14 : i64} {
  func.func @_agg_body(%arg0: i32, %arg1: i32, %arg2: memref<2x2500x128xi32, #tpu.memory_space<hbm>>, %arg3: memref<10000x32xf32, #tpu.memory_space<hbm>>, %arg4: memref<10112x32xf32, #tpu.memory_space<hbm>>, %arg5: memref<10112x128xf32, #tpu.memory_space<hbm>>, %arg6: memref<78x128xi32, #tpu.memory_space<vmem>>, %arg7: memref<78x128xi32, #tpu.memory_space<vmem>>, %arg8: memref<1x128xi32, #tpu.memory_space<vmem>>, %arg9: memref<1x128xi32, #tpu.memory_space<vmem>>, %arg10: memref<6x128x32xf32, #tpu.memory_space<vmem>>, %arg11: memref<10112x32xf32, #tpu.memory_space<vmem_shared>>, %arg12: memref<6x!tpu.dma_semaphore, #tpu.memory_space<semaphore_mem>>, %arg13: memref<6x!tpu.dma_semaphore, #tpu.memory_space<semaphore_mem>>) attributes {dimension_semantics = [#tpu.dimension_semantics<core_parallel>, #tpu.dimension_semantics<subcore_parallel>], iteration_bounds = array<i64: 2, 16>, scalar_prefetch = 0 : i64, scratch_operands = 8 : i64, tpu.core_type = #tpu.core_type<sc_vector_subcore>, window_params = [{transform_indices = #map}, {transform_indices = #map1}, {transform_indices = #map1}, {transform_indices = #map1}]} {
    %mul3A = arith.constant 16 : i32
    %mul3A_0 = arith.muli %arg0, %mul3A : i32
    %add3A = arith.addi %mul3A_0, %arg1 : i32
    %ge3A = arith.constant 28 : i32
    %ge3A_1 = arith.cmpi sge, %add3A, %ge3A : i32
    %mul3A_2 = arith.constant 78 : i32
    %mul3A_3 = arith.muli %add3A, %mul3A_2 : i32
    %run_scoped3A = arith.constant 0 : i32
    "tpu.region"() ({
      %run_scoped3A_205 = tpu.sem_alloc : memref<!tpu.dma_semaphore, #tpu.memory_space<semaphore_mem>>
      %dma_start3A_206 = arith.constant 0 : i32
      %dma_start3A_207 = tpu.memref_slice %arg2[%run_scoped3A, %mul3A_3, %dma_start3A_206] : memref<2x2500x128xi32, #tpu.memory_space<hbm>> -> memref<1x78x128xi32, #tpu.memory_space<hbm>>
      %dma_start3A_208 = tpu.memref_squeeze %dma_start3A_207 : memref<1x78x128xi32, #tpu.memory_space<hbm>> -> memref<78x128xi32, #tpu.memory_space<hbm>>
      %dma_start3A_209 = arith.constant 0 : i32
      %dma_start3A_210 = tpu.memref_slice %arg2[%run_scoped3A, %mul3A_3, %dma_start3A_209] : memref<2x2500x128xi32, #tpu.memory_space<hbm>> -> memref<1x78x128xi32, #tpu.memory_space<hbm>>
      %dma_start3A_211 = tpu.memref_squeeze %dma_start3A_210 : memref<1x78x128xi32, #tpu.memory_space<hbm>> -> memref<78x128xi32, #tpu.memory_space<hbm>>
      tpu.enqueue_dma source(%dma_start3A_211 : memref<78x128xi32, #tpu.memory_space<hbm>>) target(%arg6 : memref<78x128xi32, #tpu.memory_space<vmem>>) target_semaphore(%run_scoped3A_205 : memref<!tpu.dma_semaphore, #tpu.memory_space<semaphore_mem>>)
      %dma_wait3A_212 = arith.constant 0 : i32
      %dma_wait3A_213 = tpu.memref_slice %arg2[%run_scoped3A, %mul3A_3, %dma_wait3A_212] : memref<2x2500x128xi32, #tpu.memory_space<hbm>> -> memref<1x78x128xi32, #tpu.memory_space<hbm>>
      %dma_wait3A_214 = tpu.memref_squeeze %dma_wait3A_213 : memref<1x78x128xi32, #tpu.memory_space<hbm>> -> memref<78x128xi32, #tpu.memory_space<hbm>>
      %dma_wait3A_215 = arith.constant 0 : i32
      %dma_wait3A_216 = tpu.memref_slice %arg2[%run_scoped3A, %mul3A_3, %dma_wait3A_215] : memref<2x2500x128xi32, #tpu.memory_space<hbm>> -> memref<1x78x128xi32, #tpu.memory_space<hbm>>
      %dma_wait3A_217 = tpu.memref_squeeze %dma_wait3A_216 : memref<1x78x128xi32, #tpu.memory_space<hbm>> -> memref<78x128xi32, #tpu.memory_space<hbm>>
      tpu.wait_dma2 semaphore(%run_scoped3A_205 : memref<!tpu.dma_semaphore, #tpu.memory_space<semaphore_mem>>) src(%dma_wait3A_217 : memref<78x128xi32, #tpu.memory_space<hbm>>) dst(%arg6 : memref<78x128xi32, #tpu.memory_space<vmem>>)
      tpu.yield
    }) : () -> ()
    %mul3A_4 = arith.constant 78 : i32
    %mul3A_5 = arith.muli %add3A, %mul3A_4 : i32
    %run_scoped3A_6 = arith.constant 1 : i32
    "tpu.region"() ({
      %run_scoped3A_205 = tpu.sem_alloc : memref<!tpu.dma_semaphore, #tpu.memory_space<semaphore_mem>>
      %dma_start3A_206 = arith.constant 0 : i32
      %dma_start3A_207 = tpu.memref_slice %arg2[%run_scoped3A_6, %mul3A_5, %dma_start3A_206] : memref<2x2500x128xi32, #tpu.memory_space<hbm>> -> memref<1x78x128xi32, #tpu.memory_space<hbm>>
      %dma_start3A_208 = tpu.memref_squeeze %dma_start3A_207 : memref<1x78x128xi32, #tpu.memory_space<hbm>> -> memref<78x128xi32, #tpu.memory_space<hbm>>
      %dma_start3A_209 = arith.constant 0 : i32
      %dma_start3A_210 = tpu.memref_slice %arg2[%run_scoped3A_6, %mul3A_5, %dma_start3A_209] : memref<2x2500x128xi32, #tpu.memory_space<hbm>> -> memref<1x78x128xi32, #tpu.memory_space<hbm>>
      %dma_start3A_211 = tpu.memref_squeeze %dma_start3A_210 : memref<1x78x128xi32, #tpu.memory_space<hbm>> -> memref<78x128xi32, #tpu.memory_space<hbm>>
      tpu.enqueue_dma source(%dma_start3A_211 : memref<78x128xi32, #tpu.memory_space<hbm>>) target(%arg7 : memref<78x128xi32, #tpu.memory_space<vmem>>) target_semaphore(%run_scoped3A_205 : memref<!tpu.dma_semaphore, #tpu.memory_space<semaphore_mem>>)
      %dma_wait3A_212 = arith.constant 0 : i32
      %dma_wait3A_213 = tpu.memref_slice %arg2[%run_scoped3A_6, %mul3A_5, %dma_wait3A_212] : memref<2x2500x128xi32, #tpu.memory_space<hbm>> -> memref<1x78x128xi32, #tpu.memory_space<hbm>>
      %dma_wait3A_214 = tpu.memref_squeeze %dma_wait3A_213 : memref<1x78x128xi32, #tpu.memory_space<hbm>> -> memref<78x128xi32, #tpu.memory_space<hbm>>
      %dma_wait3A_215 = arith.constant 0 : i32
      %dma_wait3A_216 = tpu.memref_slice %arg2[%run_scoped3A_6, %mul3A_5, %dma_wait3A_215] : memref<2x2500x128xi32, #tpu.memory_space<hbm>> -> memref<1x78x128xi32, #tpu.memory_space<hbm>>
      %dma_wait3A_217 = tpu.memref_squeeze %dma_wait3A_216 : memref<1x78x128xi32, #tpu.memory_space<hbm>> -> memref<78x128xi32, #tpu.memory_space<hbm>>
      tpu.wait_dma2 semaphore(%run_scoped3A_205 : memref<!tpu.dma_semaphore, #tpu.memory_space<semaphore_mem>>) src(%dma_wait3A_217 : memref<78x128xi32, #tpu.memory_space<hbm>>) dst(%arg7 : memref<78x128xi32, #tpu.memory_space<vmem>>)
      tpu.yield
    }) : () -> ()
    %convert_element_type3A = arith.extui %ge3A_1 : i1 to i32
    %cond3A = arith.constant 0 : i32
    %cond3A_7 = arith.cmpi ne, %convert_element_type3A, %cond3A : i32
    scf.if %cond3A_7 {
      %add3A_205 = arith.constant 2496 : i32
      %add3A_206 = arith.addi %add3A_205, %add3A : i32
      %sub3A = arith.constant 28 : i32
      %sub3A_207 = arith.subi %add3A_206, %sub3A : i32
      %run_scoped3A_208 = arith.constant 0 : i32
      "tpu.region"() ({
        %run_scoped3A_210 = tpu.sem_alloc : memref<!tpu.dma_semaphore, #tpu.memory_space<semaphore_mem>>
        %dma_start3A_211 = arith.constant 0 : i32
        %dma_start3A_212 = tpu.memref_slice %arg2[%run_scoped3A_208, %sub3A_207, %dma_start3A_211] : memref<2x2500x128xi32, #tpu.memory_space<hbm>> -> memref<1x1x128xi32, #tpu.memory_space<hbm>>
        %dma_start3A_213 = tpu.memref_squeeze %dma_start3A_212 : memref<1x1x128xi32, #tpu.memory_space<hbm>> -> memref<1x128xi32, #tpu.memory_space<hbm>>
        %dma_start3A_214 = arith.constant 0 : i32
        %dma_start3A_215 = tpu.memref_slice %arg2[%run_scoped3A_208, %sub3A_207, %dma_start3A_214] : memref<2x2500x128xi32, #tpu.memory_space<hbm>> -> memref<1x1x128xi32, #tpu.memory_space<hbm>>
        %dma_start3A_216 = tpu.memref_squeeze %dma_start3A_215 : memref<1x1x128xi32, #tpu.memory_space<hbm>> -> memref<1x128xi32, #tpu.memory_space<hbm>>
        tpu.enqueue_dma source(%dma_start3A_216 : memref<1x128xi32, #tpu.memory_space<hbm>>) target(%arg8 : memref<1x128xi32, #tpu.memory_space<vmem>>) target_semaphore(%run_scoped3A_210 : memref<!tpu.dma_semaphore, #tpu.memory_space<semaphore_mem>>)
        %dma_wait3A_217 = arith.constant 0 : i32
        %dma_wait3A_218 = tpu.memref_slice %arg2[%run_scoped3A_208, %sub3A_207, %dma_wait3A_217] : memref<2x2500x128xi32, #tpu.memory_space<hbm>> -> memref<1x1x128xi32, #tpu.memory_space<hbm>>
        %dma_wait3A_219 = tpu.memref_squeeze %dma_wait3A_218 : memref<1x1x128xi32, #tpu.memory_space<hbm>> -> memref<1x128xi32, #tpu.memory_space<hbm>>
        %dma_wait3A_220 = arith.constant 0 : i32
        %dma_wait3A_221 = tpu.memref_slice %arg2[%run_scoped3A_208, %sub3A_207, %dma_wait3A_220] : memref<2x2500x128xi32, #tpu.memory_space<hbm>> -> memref<1x1x128xi32, #tpu.memory_space<hbm>>
        %dma_wait3A_222 = tpu.memref_squeeze %dma_wait3A_221 : memref<1x1x128xi32, #tpu.memory_space<hbm>> -> memref<1x128xi32, #tpu.memory_space<hbm>>
        tpu.wait_dma2 semaphore(%run_scoped3A_210 : memref<!tpu.dma_semaphore, #tpu.memory_space<semaphore_mem>>) src(%dma_wait3A_222 : memref<1x128xi32, #tpu.memory_space<hbm>>) dst(%arg8 : memref<1x128xi32, #tpu.memory_space<vmem>>)
        tpu.yield
      }) : () -> ()
      %run_scoped3A_209 = arith.constant 1 : i32
      "tpu.region"() ({
        %run_scoped3A_210 = tpu.sem_alloc : memref<!tpu.dma_semaphore, #tpu.memory_space<semaphore_mem>>
        %dma_start3A_211 = arith.constant 0 : i32
        %dma_start3A_212 = tpu.memref_slice %arg2[%run_scoped3A_209, %sub3A_207, %dma_start3A_211] : memref<2x2500x128xi32, #tpu.memory_space<hbm>> -> memref<1x1x128xi32, #tpu.memory_space<hbm>>
        %dma_start3A_213 = tpu.memref_squeeze %dma_start3A_212 : memref<1x1x128xi32, #tpu.memory_space<hbm>> -> memref<1x128xi32, #tpu.memory_space<hbm>>
        %dma_start3A_214 = arith.constant 0 : i32
        %dma_start3A_215 = tpu.memref_slice %arg2[%run_scoped3A_209, %sub3A_207, %dma_start3A_214] : memref<2x2500x128xi32, #tpu.memory_space<hbm>> -> memref<1x1x128xi32, #tpu.memory_space<hbm>>
        %dma_start3A_216 = tpu.memref_squeeze %dma_start3A_215 : memref<1x1x128xi32, #tpu.memory_space<hbm>> -> memref<1x128xi32, #tpu.memory_space<hbm>>
        tpu.enqueue_dma source(%dma_start3A_216 : memref<1x128xi32, #tpu.memory_space<hbm>>) target(%arg9 : memref<1x128xi32, #tpu.memory_space<vmem>>) target_semaphore(%run_scoped3A_210 : memref<!tpu.dma_semaphore, #tpu.memory_space<semaphore_mem>>)
        %dma_wait3A_217 = arith.constant 0 : i32
        %dma_wait3A_218 = tpu.memref_slice %arg2[%run_scoped3A_209, %sub3A_207, %dma_wait3A_217] : memref<2x2500x128xi32, #tpu.memory_space<hbm>> -> memref<1x1x128xi32, #tpu.memory_space<hbm>>
        %dma_wait3A_219 = tpu.memref_squeeze %dma_wait3A_218 : memref<1x1x128xi32, #tpu.memory_space<hbm>> -> memref<1x128xi32, #tpu.memory_space<hbm>>
        %dma_wait3A_220 = arith.constant 0 : i32
        %dma_wait3A_221 = tpu.memref_slice %arg2[%run_scoped3A_209, %sub3A_207, %dma_wait3A_220] : memref<2x2500x128xi32, #tpu.memory_space<hbm>> -> memref<1x1x128xi32, #tpu.memory_space<hbm>>
        %dma_wait3A_222 = tpu.memref_squeeze %dma_wait3A_221 : memref<1x1x128xi32, #tpu.memory_space<hbm>> -> memref<1x128xi32, #tpu.memory_space<hbm>>
        tpu.wait_dma2 semaphore(%run_scoped3A_210 : memref<!tpu.dma_semaphore, #tpu.memory_space<semaphore_mem>>) src(%dma_wait3A_222 : memref<1x128xi32, #tpu.memory_space<hbm>>) dst(%arg9 : memref<1x128xi32, #tpu.memory_space<vmem>>)
        tpu.yield
      }) : () -> ()
    } else {
    }
    %dma_start3A = arith.constant 0 : i32
    %dma_start3A_8 = arith.constant 0 : i32
    %dma_start3A_9 = arith.constant 0 : i32
    %dma_start3A_10 = arith.constant 0 : i32
    %dma_start3A_11 = arith.constant 0 : i32
    %dma_start3A_12 = tpu.memref_slice %arg10[%dma_start3A_8, %dma_start3A_10, %dma_start3A_11] : memref<6x128x32xf32, #tpu.memory_space<vmem>> -> memref<1x128x32xf32, #tpu.memory_space<vmem>>
    %dma_start3A_13 = tpu.memref_squeeze %dma_start3A_12 : memref<1x128x32xf32, #tpu.memory_space<vmem>> -> memref<128x32xf32, #tpu.memory_space<vmem>>
    %dma_start3A_14 = arith.constant 0 : i32
    %dma_start3A_15 = tpu.memref_slice %arg6[%dma_start3A, %dma_start3A_14] : memref<78x128xi32, #tpu.memory_space<vmem>> -> memref<1x128xi32, #tpu.memory_space<vmem>>
    %dma_start3A_16 = tpu.memref_squeeze %dma_start3A_15 : memref<1x128xi32, #tpu.memory_space<vmem>> -> memref<128xi32, #tpu.memory_space<vmem>>
    %dma_start3A_17 = arith.constant 0 : i32
    %dma_start3A_18 = arith.constant 0 : i32
    %dma_start3A_19 = tpu.memref_slice %arg3[%dma_start3A_17, %dma_start3A_18] : memref<10000x32xf32, #tpu.memory_space<hbm>> -> memref<10000x32xf32, #tpu.memory_space<hbm>>
    %dma_start3A_20 = tpu.memref_slice %arg12[%dma_start3A_9] : memref<6x!tpu.dma_semaphore, #tpu.memory_space<semaphore_mem>> -> memref<1x!tpu.dma_semaphore, #tpu.memory_space<semaphore_mem>>
    %dma_start3A_21 = tpu.memref_squeeze %dma_start3A_20 : memref<1x!tpu.dma_semaphore, #tpu.memory_space<semaphore_mem>> -> memref<!tpu.dma_semaphore, #tpu.memory_space<semaphore_mem>>
    tpu.enqueue_indirect_dma source(%dma_start3A_19 : memref<10000x32xf32, #tpu.memory_space<hbm>>) target(%dma_start3A_13 : memref<128x32xf32, #tpu.memory_space<vmem>>) offsets(%dma_start3A_16 : memref<128xi32, #tpu.memory_space<vmem>>) semaphore(%dma_start3A_21 : memref<!tpu.dma_semaphore, #tpu.memory_space<semaphore_mem>>)
    %dma_start3A_22 = arith.constant 1 : i32
    %dma_start3A_23 = arith.constant 1 : i32
    %dma_start3A_24 = arith.constant 1 : i32
    %dma_start3A_25 = arith.constant 0 : i32
    %dma_start3A_26 = arith.constant 0 : i32
    %dma_start3A_27 = tpu.memref_slice %arg10[%dma_start3A_23, %dma_start3A_25, %dma_start3A_26] : memref<6x128x32xf32, #tpu.memory_space<vmem>> -> memref<1x128x32xf32, #tpu.memory_space<vmem>>
    %dma_start3A_28 = tpu.memref_squeeze %dma_start3A_27 : memref<1x128x32xf32, #tpu.memory_space<vmem>> -> memref<128x32xf32, #tpu.memory_space<vmem>>
    %dma_start3A_29 = arith.constant 0 : i32
    %dma_start3A_30 = tpu.memref_slice %arg6[%dma_start3A_22, %dma_start3A_29] : memref<78x128xi32, #tpu.memory_space<vmem>> -> memref<1x128xi32, #tpu.memory_space<vmem>>
    %dma_start3A_31 = tpu.memref_squeeze %dma_start3A_30 : memref<1x128xi32, #tpu.memory_space<vmem>> -> memref<128xi32, #tpu.memory_space<vmem>>
    %dma_start3A_32 = arith.constant 0 : i32
    %dma_start3A_33 = arith.constant 0 : i32
    %dma_start3A_34 = tpu.memref_slice %arg3[%dma_start3A_32, %dma_start3A_33] : memref<10000x32xf32, #tpu.memory_space<hbm>> -> memref<10000x32xf32, #tpu.memory_space<hbm>>
    %dma_start3A_35 = tpu.memref_slice %arg12[%dma_start3A_24] : memref<6x!tpu.dma_semaphore, #tpu.memory_space<semaphore_mem>> -> memref<1x!tpu.dma_semaphore, #tpu.memory_space<semaphore_mem>>
    %dma_start3A_36 = tpu.memref_squeeze %dma_start3A_35 : memref<1x!tpu.dma_semaphore, #tpu.memory_space<semaphore_mem>> -> memref<!tpu.dma_semaphore, #tpu.memory_space<semaphore_mem>>
    tpu.enqueue_indirect_dma source(%dma_start3A_34 : memref<10000x32xf32, #tpu.memory_space<hbm>>) target(%dma_start3A_28 : memref<128x32xf32, #tpu.memory_space<vmem>>) offsets(%dma_start3A_31 : memref<128xi32, #tpu.memory_space<vmem>>) semaphore(%dma_start3A_36 : memref<!tpu.dma_semaphore, #tpu.memory_space<semaphore_mem>>)
    %dma_start3A_37 = arith.constant 2 : i32
    %dma_start3A_38 = arith.constant 2 : i32
    %dma_start3A_39 = arith.constant 2 : i32
    %dma_start3A_40 = arith.constant 0 : i32
    %dma_start3A_41 = arith.constant 0 : i32
    %dma_start3A_42 = tpu.memref_slice %arg10[%dma_start3A_38, %dma_start3A_40, %dma_start3A_41] : memref<6x128x32xf32, #tpu.memory_space<vmem>> -> memref<1x128x32xf32, #tpu.memory_space<vmem>>
    %dma_start3A_43 = tpu.memref_squeeze %dma_start3A_42 : memref<1x128x32xf32, #tpu.memory_space<vmem>> -> memref<128x32xf32, #tpu.memory_space<vmem>>
    %dma_start3A_44 = arith.constant 0 : i32
    %dma_start3A_45 = tpu.memref_slice %arg6[%dma_start3A_37, %dma_start3A_44] : memref<78x128xi32, #tpu.memory_space<vmem>> -> memref<1x128xi32, #tpu.memory_space<vmem>>
    %dma_start3A_46 = tpu.memref_squeeze %dma_start3A_45 : memref<1x128xi32, #tpu.memory_space<vmem>> -> memref<128xi32, #tpu.memory_space<vmem>>
    %dma_start3A_47 = arith.constant 0 : i32
    %dma_start3A_48 = arith.constant 0 : i32
    %dma_start3A_49 = tpu.memref_slice %arg3[%dma_start3A_47, %dma_start3A_48] : memref<10000x32xf32, #tpu.memory_space<hbm>> -> memref<10000x32xf32, #tpu.memory_space<hbm>>
    %dma_start3A_50 = tpu.memref_slice %arg12[%dma_start3A_39] : memref<6x!tpu.dma_semaphore, #tpu.memory_space<semaphore_mem>> -> memref<1x!tpu.dma_semaphore, #tpu.memory_space<semaphore_mem>>
    %dma_start3A_51 = tpu.memref_squeeze %dma_start3A_50 : memref<1x!tpu.dma_semaphore, #tpu.memory_space<semaphore_mem>> -> memref<!tpu.dma_semaphore, #tpu.memory_space<semaphore_mem>>
    tpu.enqueue_indirect_dma source(%dma_start3A_49 : memref<10000x32xf32, #tpu.memory_space<hbm>>) target(%dma_start3A_43 : memref<128x32xf32, #tpu.memory_space<vmem>>) offsets(%dma_start3A_46 : memref<128xi32, #tpu.memory_space<vmem>>) semaphore(%dma_start3A_51 : memref<!tpu.dma_semaphore, #tpu.memory_space<semaphore_mem>>)
    %dma_start3A_52 = arith.constant 3 : i32
    %dma_start3A_53 = arith.constant 3 : i32
    %dma_start3A_54 = arith.constant 3 : i32
    %dma_start3A_55 = arith.constant 0 : i32
    %dma_start3A_56 = arith.constant 0 : i32
    %dma_start3A_57 = tpu.memref_slice %arg10[%dma_start3A_53, %dma_start3A_55, %dma_start3A_56] : memref<6x128x32xf32, #tpu.memory_space<vmem>> -> memref<1x128x32xf32, #tpu.memory_space<vmem>>
    %dma_start3A_58 = tpu.memref_squeeze %dma_start3A_57 : memref<1x128x32xf32, #tpu.memory_space<vmem>> -> memref<128x32xf32, #tpu.memory_space<vmem>>
    %dma_start3A_59 = arith.constant 0 : i32
    %dma_start3A_60 = tpu.memref_slice %arg6[%dma_start3A_52, %dma_start3A_59] : memref<78x128xi32, #tpu.memory_space<vmem>> -> memref<1x128xi32, #tpu.memory_space<vmem>>
    %dma_start3A_61 = tpu.memref_squeeze %dma_start3A_60 : memref<1x128xi32, #tpu.memory_space<vmem>> -> memref<128xi32, #tpu.memory_space<vmem>>
    %dma_start3A_62 = arith.constant 0 : i32
    %dma_start3A_63 = arith.constant 0 : i32
    %dma_start3A_64 = tpu.memref_slice %arg3[%dma_start3A_62, %dma_start3A_63] : memref<10000x32xf32, #tpu.memory_space<hbm>> -> memref<10000x32xf32, #tpu.memory_space<hbm>>
    %dma_start3A_65 = tpu.memref_slice %arg12[%dma_start3A_54] : memref<6x!tpu.dma_semaphore, #tpu.memory_space<semaphore_mem>> -> memref<1x!tpu.dma_semaphore, #tpu.memory_space<semaphore_mem>>
    %dma_start3A_66 = tpu.memref_squeeze %dma_start3A_65 : memref<1x!tpu.dma_semaphore, #tpu.memory_space<semaphore_mem>> -> memref<!tpu.dma_semaphore, #tpu.memory_space<semaphore_mem>>
    tpu.enqueue_indirect_dma source(%dma_start3A_64 : memref<10000x32xf32, #tpu.memory_space<hbm>>) target(%dma_start3A_58 : memref<128x32xf32, #tpu.memory_space<vmem>>) offsets(%dma_start3A_61 : memref<128xi32, #tpu.memory_space<vmem>>) semaphore(%dma_start3A_66 : memref<!tpu.dma_semaphore, #tpu.memory_space<semaphore_mem>>)
    %dma_start3A_67 = arith.constant 4 : i32
    %dma_start3A_68 = arith.constant 4 : i32
    %dma_start3A_69 = arith.constant 4 : i32
    %dma_start3A_70 = arith.constant 0 : i32
    %dma_start3A_71 = arith.constant 0 : i32
    %dma_start3A_72 = tpu.memref_slice %arg10[%dma_start3A_68, %dma_start3A_70, %dma_start3A_71] : memref<6x128x32xf32, #tpu.memory_space<vmem>> -> memref<1x128x32xf32, #tpu.memory_space<vmem>>
    %dma_start3A_73 = tpu.memref_squeeze %dma_start3A_72 : memref<1x128x32xf32, #tpu.memory_space<vmem>> -> memref<128x32xf32, #tpu.memory_space<vmem>>
    %dma_start3A_74 = arith.constant 0 : i32
    %dma_start3A_75 = tpu.memref_slice %arg6[%dma_start3A_67, %dma_start3A_74] : memref<78x128xi32, #tpu.memory_space<vmem>> -> memref<1x128xi32, #tpu.memory_space<vmem>>
    %dma_start3A_76 = tpu.memref_squeeze %dma_start3A_75 : memref<1x128xi32, #tpu.memory_space<vmem>> -> memref<128xi32, #tpu.memory_space<vmem>>
    %dma_start3A_77 = arith.constant 0 : i32
    %dma_start3A_78 = arith.constant 0 : i32
    %dma_start3A_79 = tpu.memref_slice %arg3[%dma_start3A_77, %dma_start3A_78] : memref<10000x32xf32, #tpu.memory_space<hbm>> -> memref<10000x32xf32, #tpu.memory_space<hbm>>
    %dma_start3A_80 = tpu.memref_slice %arg12[%dma_start3A_69] : memref<6x!tpu.dma_semaphore, #tpu.memory_space<semaphore_mem>> -> memref<1x!tpu.dma_semaphore, #tpu.memory_space<semaphore_mem>>
    %dma_start3A_81 = tpu.memref_squeeze %dma_start3A_80 : memref<1x!tpu.dma_semaphore, #tpu.memory_space<semaphore_mem>> -> memref<!tpu.dma_semaphore, #tpu.memory_space<semaphore_mem>>
    tpu.enqueue_indirect_dma source(%dma_start3A_79 : memref<10000x32xf32, #tpu.memory_space<hbm>>) target(%dma_start3A_73 : memref<128x32xf32, #tpu.memory_space<vmem>>) offsets(%dma_start3A_76 : memref<128xi32, #tpu.memory_space<vmem>>) semaphore(%dma_start3A_81 : memref<!tpu.dma_semaphore, #tpu.memory_space<semaphore_mem>>)
    %dma_start3A_82 = arith.constant 5 : i32
    %dma_start3A_83 = arith.constant 5 : i32
    %dma_start3A_84 = arith.constant 5 : i32
    %dma_start3A_85 = arith.constant 0 : i32
    %dma_start3A_86 = arith.constant 0 : i32
    %dma_start3A_87 = tpu.memref_slice %arg10[%dma_start3A_83, %dma_start3A_85, %dma_start3A_86] : memref<6x128x32xf32, #tpu.memory_space<vmem>> -> memref<1x128x32xf32, #tpu.memory_space<vmem>>
    %dma_start3A_88 = tpu.memref_squeeze %dma_start3A_87 : memref<1x128x32xf32, #tpu.memory_space<vmem>> -> memref<128x32xf32, #tpu.memory_space<vmem>>
    %dma_start3A_89 = arith.constant 0 : i32
    %dma_start3A_90 = tpu.memref_slice %arg6[%dma_start3A_82, %dma_start3A_89] : memref<78x128xi32, #tpu.memory_space<vmem>> -> memref<1x128xi32, #tpu.memory_space<vmem>>
    %dma_start3A_91 = tpu.memref_squeeze %dma_start3A_90 : memref<1x128xi32, #tpu.memory_space<vmem>> -> memref<128xi32, #tpu.memory_space<vmem>>
    %dma_start3A_92 = arith.constant 0 : i32
    %dma_start3A_93 = arith.constant 0 : i32
    %dma_start3A_94 = tpu.memref_slice %arg3[%dma_start3A_92, %dma_start3A_93] : memref<10000x32xf32, #tpu.memory_space<hbm>> -> memref<10000x32xf32, #tpu.memory_space<hbm>>
    %dma_start3A_95 = tpu.memref_slice %arg12[%dma_start3A_84] : memref<6x!tpu.dma_semaphore, #tpu.memory_space<semaphore_mem>> -> memref<1x!tpu.dma_semaphore, #tpu.memory_space<semaphore_mem>>
    %dma_start3A_96 = tpu.memref_squeeze %dma_start3A_95 : memref<1x!tpu.dma_semaphore, #tpu.memory_space<semaphore_mem>> -> memref<!tpu.dma_semaphore, #tpu.memory_space<semaphore_mem>>
    tpu.enqueue_indirect_dma source(%dma_start3A_94 : memref<10000x32xf32, #tpu.memory_space<hbm>>) target(%dma_start3A_88 : memref<128x32xf32, #tpu.memory_space<vmem>>) offsets(%dma_start3A_91 : memref<128xi32, #tpu.memory_space<vmem>>) semaphore(%dma_start3A_96 : memref<!tpu.dma_semaphore, #tpu.memory_space<semaphore_mem>>)
    %mul3A_97 = arith.constant 632 : i32
    %mul3A_98 = arith.muli %arg1, %mul3A_97 : i32
    %mul3A_99 = arith.constant 632 : i32
    %mul3A_100 = arith.muli %arg1, %mul3A_99 : i32
    "tpu.region"() ({
      %run_scoped3A_205 = tpu.sem_alloc : memref<!tpu.dma_semaphore, #tpu.memory_space<semaphore_mem>>
      %dma_start3A_206 = arith.constant 0 : i32
      %dma_start3A_207 = tpu.memref_slice %arg11[%mul3A_100, %dma_start3A_206] : memref<10112x32xf32, #tpu.memory_space<vmem_shared>> -> memref<632x32xf32, #tpu.memory_space<vmem_shared>>
      %dma_start3A_208 = arith.constant 0 : i32
      %dma_start3A_209 = tpu.memref_slice %arg4[%mul3A_98, %dma_start3A_208] : memref<10112x32xf32, #tpu.memory_space<hbm>> -> memref<632x32xf32, #tpu.memory_space<hbm>>
      tpu.enqueue_dma source(%dma_start3A_209 : memref<632x32xf32, #tpu.memory_space<hbm>>) target(%dma_start3A_207 : memref<632x32xf32, #tpu.memory_space<vmem_shared>>) target_semaphore(%run_scoped3A_205 : memref<!tpu.dma_semaphore, #tpu.memory_space<semaphore_mem>>)
      %dma_wait3A_210 = arith.constant 0 : i32
      %dma_wait3A_211 = tpu.memref_slice %arg11[%mul3A_100, %dma_wait3A_210] : memref<10112x32xf32, #tpu.memory_space<vmem_shared>> -> memref<632x32xf32, #tpu.memory_space<vmem_shared>>
      %dma_wait3A_212 = arith.constant 0 : i32
      %dma_wait3A_213 = tpu.memref_slice %arg4[%mul3A_98, %dma_wait3A_212] : memref<10112x32xf32, #tpu.memory_space<hbm>> -> memref<632x32xf32, #tpu.memory_space<hbm>>
      tpu.wait_dma2 semaphore(%run_scoped3A_205 : memref<!tpu.dma_semaphore, #tpu.memory_space<semaphore_mem>>) src(%dma_wait3A_213 : memref<632x32xf32, #tpu.memory_space<hbm>>) dst(%dma_wait3A_211 : memref<632x32xf32, #tpu.memory_space<vmem_shared>>)
      tpu.yield
    }) : () -> ()
    %barrier3A = arith.constant 0 : index
    tpu.barrier barrier_id(%barrier3A)
    %scan3A = arith.constant 0 : i32
    %scan3A_101 = arith.constant 0 : i32
    %scan3A_102 = arith.constant 13 : i32
    %scan3A_103 = arith.addi %scan3A_101, %scan3A_102 : i32
    %scan3A_104 = arith.constant 1 : i32
    scf.for %scan3A_205 = %scan3A_101 to %scan3A_103 step %scan3A_104  : i32 {
      %dma_wait3A_206 = arith.constant 0 : i32
      %dma_wait3A_207 = arith.constant 0 : i32
      %dma_wait3A_208 = arith.constant 0 : i32
      %dma_wait3A_209 = arith.constant 0 : i32
      %dma_wait3A_210 = arith.constant 0 : i32
      %dma_wait3A_211 = tpu.memref_slice %arg10[%dma_wait3A_207, %dma_wait3A_209, %dma_wait3A_210] : memref<6x128x32xf32, #tpu.memory_space<vmem>> -> memref<1x128x32xf32, #tpu.memory_space<vmem>>
      %dma_wait3A_212 = tpu.memref_squeeze %dma_wait3A_211 : memref<1x128x32xf32, #tpu.memory_space<vmem>> -> memref<128x32xf32, #tpu.memory_space<vmem>>
      %dma_wait3A_213 = arith.constant 0 : i32
      %dma_wait3A_214 = tpu.memref_slice %arg6[%dma_wait3A_206, %dma_wait3A_213] : memref<78x128xi32, #tpu.memory_space<vmem>> -> memref<1x128xi32, #tpu.memory_space<vmem>>
      %dma_wait3A_215 = tpu.memref_squeeze %dma_wait3A_214 : memref<1x128xi32, #tpu.memory_space<vmem>> -> memref<128xi32, #tpu.memory_space<vmem>>
      %dma_wait3A_216 = arith.constant 0 : i32
      %dma_wait3A_217 = arith.constant 0 : i32
      %dma_wait3A_218 = tpu.memref_slice %arg3[%dma_wait3A_216, %dma_wait3A_217] : memref<10000x32xf32, #tpu.memory_space<hbm>> -> memref<10000x32xf32, #tpu.memory_space<hbm>>
      %dma_wait3A_219 = tpu.memref_slice %arg12[%dma_wait3A_208] : memref<6x!tpu.dma_semaphore, #tpu.memory_space<semaphore_mem>> -> memref<1x!tpu.dma_semaphore, #tpu.memory_space<semaphore_mem>>
      %dma_wait3A_220 = tpu.memref_squeeze %dma_wait3A_219 : memref<1x!tpu.dma_semaphore, #tpu.memory_space<semaphore_mem>> -> memref<!tpu.dma_semaphore, #tpu.memory_space<semaphore_mem>>
      tpu.wait_indirect_dma semaphore(%dma_wait3A_220 : memref<!tpu.dma_semaphore, #tpu.memory_space<semaphore_mem>>) src(%dma_wait3A_218 : memref<10000x32xf32, #tpu.memory_space<hbm>>) dst(%dma_wait3A_212 : memref<128x32xf32, #tpu.memory_space<vmem>>)
      %mul3A_221 = arith.constant 6 : i32
      %mul3A_222 = arith.muli %scan3A_205, %mul3A_221 : i32
      %add3A_223 = arith.constant 0 : i32
      %add3A_224 = arith.addi %mul3A_222, %add3A_223 : i32
      %dma_start3A_225 = arith.constant 0 : i32
      %dma_start3A_226 = arith.constant 0 : i32
      %dma_start3A_227 = arith.constant 0 : i32
      %dma_start3A_228 = arith.constant 0 : i32
      %dma_start3A_229 = tpu.memref_slice %arg10[%dma_start3A_225, %dma_start3A_227, %dma_start3A_228] : memref<6x128x32xf32, #tpu.memory_space<vmem>> -> memref<1x128x32xf32, #tpu.memory_space<vmem>>
      %dma_start3A_230 = tpu.memref_squeeze %dma_start3A_229 : memref<1x128x32xf32, #tpu.memory_space<vmem>> -> memref<128x32xf32, #tpu.memory_space<vmem>>
      %dma_start3A_231 = arith.constant 0 : i32
      %dma_start3A_232 = tpu.memref_slice %arg7[%add3A_224, %dma_start3A_231] : memref<78x128xi32, #tpu.memory_space<vmem>> -> memref<1x128xi32, #tpu.memory_space<vmem>>
      %dma_start3A_233 = tpu.memref_squeeze %dma_start3A_232 : memref<1x128xi32, #tpu.memory_space<vmem>> -> memref<128xi32, #tpu.memory_space<vmem>>
      %dma_start3A_234 = arith.constant 0 : i32
      %dma_start3A_235 = arith.constant 0 : i32
      %dma_start3A_236 = tpu.memref_slice %arg11[%dma_start3A_234, %dma_start3A_235] : memref<10112x32xf32, #tpu.memory_space<vmem_shared>> -> memref<10112x32xf32, #tpu.memory_space<vmem_shared>>
      %dma_start3A_237 = tpu.memref_slice %arg13[%dma_start3A_226] : memref<6x!tpu.dma_semaphore, #tpu.memory_space<semaphore_mem>> -> memref<1x!tpu.dma_semaphore, #tpu.memory_space<semaphore_mem>>
      %dma_start3A_238 = tpu.memref_squeeze %dma_start3A_237 : memref<1x!tpu.dma_semaphore, #tpu.memory_space<semaphore_mem>> -> memref<!tpu.dma_semaphore, #tpu.memory_space<semaphore_mem>>
      tpu.enqueue_indirect_dma source(%dma_start3A_230 : memref<128x32xf32, #tpu.memory_space<vmem>>) target(%dma_start3A_236 : memref<10112x32xf32, #tpu.memory_space<vmem_shared>>) offsets(%dma_start3A_233 : memref<128xi32, #tpu.memory_space<vmem>>) semaphore(%dma_start3A_238 : memref<!tpu.dma_semaphore, #tpu.memory_space<semaphore_mem>>) {add = true}
      %dma_wait3A_239 = arith.constant 0 : i32
      %dma_wait3A_240 = arith.constant 1 : i32
      %dma_wait3A_241 = arith.constant 1 : i32
      %dma_wait3A_242 = arith.constant 0 : i32
      %dma_wait3A_243 = arith.constant 0 : i32
      %dma_wait3A_244 = tpu.memref_slice %arg10[%dma_wait3A_240, %dma_wait3A_242, %dma_wait3A_243] : memref<6x128x32xf32, #tpu.memory_space<vmem>> -> memref<1x128x32xf32, #tpu.memory_space<vmem>>
      %dma_wait3A_245 = tpu.memref_squeeze %dma_wait3A_244 : memref<1x128x32xf32, #tpu.memory_space<vmem>> -> memref<128x32xf32, #tpu.memory_space<vmem>>
      %dma_wait3A_246 = arith.constant 0 : i32
      %dma_wait3A_247 = tpu.memref_slice %arg6[%dma_wait3A_239, %dma_wait3A_246] : memref<78x128xi32, #tpu.memory_space<vmem>> -> memref<1x128xi32, #tpu.memory_space<vmem>>
      %dma_wait3A_248 = tpu.memref_squeeze %dma_wait3A_247 : memref<1x128xi32, #tpu.memory_space<vmem>> -> memref<128xi32, #tpu.memory_space<vmem>>
      %dma_wait3A_249 = arith.constant 0 : i32
      %dma_wait3A_250 = arith.constant 0 : i32
      %dma_wait3A_251 = tpu.memref_slice %arg3[%dma_wait3A_249, %dma_wait3A_250] : memref<10000x32xf32, #tpu.memory_space<hbm>> -> memref<10000x32xf32, #tpu.memory_space<hbm>>
      %dma_wait3A_252 = tpu.memref_slice %arg12[%dma_wait3A_241] : memref<6x!tpu.dma_semaphore, #tpu.memory_space<semaphore_mem>> -> memref<1x!tpu.dma_semaphore, #tpu.memory_space<semaphore_mem>>
      %dma_wait3A_253 = tpu.memref_squeeze %dma_wait3A_252 : memref<1x!tpu.dma_semaphore, #tpu.memory_space<semaphore_mem>> -> memref<!tpu.dma_semaphore, #tpu.memory_space<semaphore_mem>>
      tpu.wait_indirect_dma semaphore(%dma_wait3A_253 : memref<!tpu.dma_semaphore, #tpu.memory_space<semaphore_mem>>) src(%dma_wait3A_251 : memref<10000x32xf32, #tpu.memory_space<hbm>>) dst(%dma_wait3A_245 : memref<128x32xf32, #tpu.memory_space<vmem>>)
      %mul3A_254 = arith.constant 6 : i32
      %mul3A_255 = arith.muli %scan3A_205, %mul3A_254 : i32
      %add3A_256 = arith.constant 1 : i32
      %add3A_257 = arith.addi %mul3A_255, %add3A_256 : i32
      %dma_start3A_258 = arith.constant 1 : i32
      %dma_start3A_259 = arith.constant 1 : i32
      %dma_start3A_260 = arith.constant 0 : i32
      %dma_start3A_261 = arith.constant 0 : i32
      %dma_start3A_262 = tpu.memref_slice %arg10[%dma_start3A_258, %dma_start3A_260, %dma_start3A_261] : memref<6x128x32xf32, #tpu.memory_space<vmem>> -> memref<1x128x32xf32, #tpu.memory_space<vmem>>
      %dma_start3A_263 = tpu.memref_squeeze %dma_start3A_262 : memref<1x128x32xf32, #tpu.memory_space<vmem>> -> memref<128x32xf32, #tpu.memory_space<vmem>>
      %dma_start3A_264 = arith.constant 0 : i32
      %dma_start3A_265 = tpu.memref_slice %arg7[%add3A_257, %dma_start3A_264] : memref<78x128xi32, #tpu.memory_space<vmem>> -> memref<1x128xi32, #tpu.memory_space<vmem>>
      %dma_start3A_266 = tpu.memref_squeeze %dma_start3A_265 : memref<1x128xi32, #tpu.memory_space<vmem>> -> memref<128xi32, #tpu.memory_space<vmem>>
      %dma_start3A_267 = arith.constant 0 : i32
      %dma_start3A_268 = arith.constant 0 : i32
      %dma_start3A_269 = tpu.memref_slice %arg11[%dma_start3A_267, %dma_start3A_268] : memref<10112x32xf32, #tpu.memory_space<vmem_shared>> -> memref<10112x32xf32, #tpu.memory_space<vmem_shared>>
      %dma_start3A_270 = tpu.memref_slice %arg13[%dma_start3A_259] : memref<6x!tpu.dma_semaphore, #tpu.memory_space<semaphore_mem>> -> memref<1x!tpu.dma_semaphore, #tpu.memory_space<semaphore_mem>>
      %dma_start3A_271 = tpu.memref_squeeze %dma_start3A_270 : memref<1x!tpu.dma_semaphore, #tpu.memory_space<semaphore_mem>> -> memref<!tpu.dma_semaphore, #tpu.memory_space<semaphore_mem>>
      tpu.enqueue_indirect_dma source(%dma_start3A_263 : memref<128x32xf32, #tpu.memory_space<vmem>>) target(%dma_start3A_269 : memref<10112x32xf32, #tpu.memory_space<vmem_shared>>) offsets(%dma_start3A_266 : memref<128xi32, #tpu.memory_space<vmem>>) semaphore(%dma_start3A_271 : memref<!tpu.dma_semaphore, #tpu.memory_space<semaphore_mem>>) {add = true}
      %dma_wait3A_272 = arith.constant 0 : i32
      %dma_wait3A_273 = arith.constant 2 : i32
      %dma_wait3A_274 = arith.constant 2 : i32
      %dma_wait3A_275 = arith.constant 0 : i32
      %dma_wait3A_276 = arith.constant 0 : i32
      %dma_wait3A_277 = tpu.memref_slice %arg10[%dma_wait3A_273, %dma_wait3A_275, %dma_wait3A_276] : memref<6x128x32xf32, #tpu.memory_space<vmem>> -> memref<1x128x32xf32, #tpu.memory_space<vmem>>
      %dma_wait3A_278 = tpu.memref_squeeze %dma_wait3A_277 : memref<1x128x32xf32, #tpu.memory_space<vmem>> -> memref<128x32xf32, #tpu.memory_space<vmem>>
      %dma_wait3A_279 = arith.constant 0 : i32
      %dma_wait3A_280 = tpu.memref_slice %arg6[%dma_wait3A_272, %dma_wait3A_279] : memref<78x128xi32, #tpu.memory_space<vmem>> -> memref<1x128xi32, #tpu.memory_space<vmem>>
      %dma_wait3A_281 = tpu.memref_squeeze %dma_wait3A_280 : memref<1x128xi32, #tpu.memory_space<vmem>> -> memref<128xi32, #tpu.memory_space<vmem>>
      %dma_wait3A_282 = arith.constant 0 : i32
      %dma_wait3A_283 = arith.constant 0 : i32
      %dma_wait3A_284 = tpu.memref_slice %arg3[%dma_wait3A_282, %dma_wait3A_283] : memref<10000x32xf32, #tpu.memory_space<hbm>> -> memref<10000x32xf32, #tpu.memory_space<hbm>>
      %dma_wait3A_285 = tpu.memref_slice %arg12[%dma_wait3A_274] : memref<6x!tpu.dma_semaphore, #tpu.memory_space<semaphore_mem>> -> memref<1x!tpu.dma_semaphore, #tpu.memory_space<semaphore_mem>>
      %dma_wait3A_286 = tpu.memref_squeeze %dma_wait3A_285 : memref<1x!tpu.dma_semaphore, #tpu.memory_space<semaphore_mem>> -> memref<!tpu.dma_semaphore, #tpu.memory_space<semaphore_mem>>
      tpu.wait_indirect_dma semaphore(%dma_wait3A_286 : memref<!tpu.dma_semaphore, #tpu.memory_space<semaphore_mem>>) src(%dma_wait3A_284 : memref<10000x32xf32, #tpu.memory_space<hbm>>) dst(%dma_wait3A_278 : memref<128x32xf32, #tpu.memory_space<vmem>>)
      %mul3A_287 = arith.constant 6 : i32
      %mul3A_288 = arith.muli %scan3A_205, %mul3A_287 : i32
      %add3A_289 = arith.constant 2 : i32
      %add3A_290 = arith.addi %mul3A_288, %add3A_289 : i32
      %dma_start3A_291 = arith.constant 2 : i32
      %dma_start3A_292 = arith.constant 2 : i32
      %dma_start3A_293 = arith.constant 0 : i32
      %dma_start3A_294 = arith.constant 0 : i32
      %dma_start3A_295 = tpu.memref_slice %arg10[%dma_start3A_291, %dma_start3A_293, %dma_start3A_294] : memref<6x128x32xf32, #tpu.memory_space<vmem>> -> memref<1x128x32xf32, #tpu.memory_space<vmem>>
      %dma_start3A_296 = tpu.memref_squeeze %dma_start3A_295 : memref<1x128x32xf32, #tpu.memory_space<vmem>> -> memref<128x32xf32, #tpu.memory_space<vmem>>
      %dma_start3A_297 = arith.constant 0 : i32
      %dma_start3A_298 = tpu.memref_slice %arg7[%add3A_290, %dma_start3A_297] : memref<78x128xi32, #tpu.memory_space<vmem>> -> memref<1x128xi32, #tpu.memory_space<vmem>>
      %dma_start3A_299 = tpu.memref_squeeze %dma_start3A_298 : memref<1x128xi32, #tpu.memory_space<vmem>> -> memref<128xi32, #tpu.memory_space<vmem>>
      %dma_start3A_300 = arith.constant 0 : i32
      %dma_start3A_301 = arith.constant 0 : i32
      %dma_start3A_302 = tpu.memref_slice %arg11[%dma_start3A_300, %dma_start3A_301] : memref<10112x32xf32, #tpu.memory_space<vmem_shared>> -> memref<10112x32xf32, #tpu.memory_space<vmem_shared>>
      %dma_start3A_303 = tpu.memref_slice %arg13[%dma_start3A_292] : memref<6x!tpu.dma_semaphore, #tpu.memory_space<semaphore_mem>> -> memref<1x!tpu.dma_semaphore, #tpu.memory_space<semaphore_mem>>
      %dma_start3A_304 = tpu.memref_squeeze %dma_start3A_303 : memref<1x!tpu.dma_semaphore, #tpu.memory_space<semaphore_mem>> -> memref<!tpu.dma_semaphore, #tpu.memory_space<semaphore_mem>>
      tpu.enqueue_indirect_dma source(%dma_start3A_296 : memref<128x32xf32, #tpu.memory_space<vmem>>) target(%dma_start3A_302 : memref<10112x32xf32, #tpu.memory_space<vmem_shared>>) offsets(%dma_start3A_299 : memref<128xi32, #tpu.memory_space<vmem>>) semaphore(%dma_start3A_304 : memref<!tpu.dma_semaphore, #tpu.memory_space<semaphore_mem>>) {add = true}
      %dma_wait3A_305 = arith.constant 0 : i32
      %dma_wait3A_306 = arith.constant 3 : i32
      %dma_wait3A_307 = arith.constant 3 : i32
      %dma_wait3A_308 = arith.constant 0 : i32
      %dma_wait3A_309 = arith.constant 0 : i32
      %dma_wait3A_310 = tpu.memref_slice %arg10[%dma_wait3A_306, %dma_wait3A_308, %dma_wait3A_309] : memref<6x128x32xf32, #tpu.memory_space<vmem>> -> memref<1x128x32xf32, #tpu.memory_space<vmem>>
      %dma_wait3A_311 = tpu.memref_squeeze %dma_wait3A_310 : memref<1x128x32xf32, #tpu.memory_space<vmem>> -> memref<128x32xf32, #tpu.memory_space<vmem>>
      %dma_wait3A_312 = arith.constant 0 : i32
      %dma_wait3A_313 = tpu.memref_slice %arg6[%dma_wait3A_305, %dma_wait3A_312] : memref<78x128xi32, #tpu.memory_space<vmem>> -> memref<1x128xi32, #tpu.memory_space<vmem>>
      %dma_wait3A_314 = tpu.memref_squeeze %dma_wait3A_313 : memref<1x128xi32, #tpu.memory_space<vmem>> -> memref<128xi32, #tpu.memory_space<vmem>>
      %dma_wait3A_315 = arith.constant 0 : i32
      %dma_wait3A_316 = arith.constant 0 : i32
      %dma_wait3A_317 = tpu.memref_slice %arg3[%dma_wait3A_315, %dma_wait3A_316] : memref<10000x32xf32, #tpu.memory_space<hbm>> -> memref<10000x32xf32, #tpu.memory_space<hbm>>
      %dma_wait3A_318 = tpu.memref_slice %arg12[%dma_wait3A_307] : memref<6x!tpu.dma_semaphore, #tpu.memory_space<semaphore_mem>> -> memref<1x!tpu.dma_semaphore, #tpu.memory_space<semaphore_mem>>
      %dma_wait3A_319 = tpu.memref_squeeze %dma_wait3A_318 : memref<1x!tpu.dma_semaphore, #tpu.memory_space<semaphore_mem>> -> memref<!tpu.dma_semaphore, #tpu.memory_space<semaphore_mem>>
      tpu.wait_indirect_dma semaphore(%dma_wait3A_319 : memref<!tpu.dma_semaphore, #tpu.memory_space<semaphore_mem>>) src(%dma_wait3A_317 : memref<10000x32xf32, #tpu.memory_space<hbm>>) dst(%dma_wait3A_311 : memref<128x32xf32, #tpu.memory_space<vmem>>)
      %mul3A_320 = arith.constant 6 : i32
      %mul3A_321 = arith.muli %scan3A_205, %mul3A_320 : i32
      %add3A_322 = arith.constant 3 : i32
      %add3A_323 = arith.addi %mul3A_321, %add3A_322 : i32
      %dma_start3A_324 = arith.constant 3 : i32
      %dma_start3A_325 = arith.constant 3 : i32
      %dma_start3A_326 = arith.constant 0 : i32
      %dma_start3A_327 = arith.constant 0 : i32
      %dma_start3A_328 = tpu.memref_slice %arg10[%dma_start3A_324, %dma_start3A_326, %dma_start3A_327] : memref<6x128x32xf32, #tpu.memory_space<vmem>> -> memref<1x128x32xf32, #tpu.memory_space<vmem>>
      %dma_start3A_329 = tpu.memref_squeeze %dma_start3A_328 : memref<1x128x32xf32, #tpu.memory_space<vmem>> -> memref<128x32xf32, #tpu.memory_space<vmem>>
      %dma_start3A_330 = arith.constant 0 : i32
      %dma_start3A_331 = tpu.memref_slice %arg7[%add3A_323, %dma_start3A_330] : memref<78x128xi32, #tpu.memory_space<vmem>> -> memref<1x128xi32, #tpu.memory_space<vmem>>
      %dma_start3A_332 = tpu.memref_squeeze %dma_start3A_331 : memref<1x128xi32, #tpu.memory_space<vmem>> -> memref<128xi32, #tpu.memory_space<vmem>>
      %dma_start3A_333 = arith.constant 0 : i32
      %dma_start3A_334 = arith.constant 0 : i32
      %dma_start3A_335 = tpu.memref_slice %arg11[%dma_start3A_333, %dma_start3A_334] : memref<10112x32xf32, #tpu.memory_space<vmem_shared>> -> memref<10112x32xf32, #tpu.memory_space<vmem_shared>>
      %dma_start3A_336 = tpu.memref_slice %arg13[%dma_start3A_325] : memref<6x!tpu.dma_semaphore, #tpu.memory_space<semaphore_mem>> -> memref<1x!tpu.dma_semaphore, #tpu.memory_space<semaphore_mem>>
      %dma_start3A_337 = tpu.memref_squeeze %dma_start3A_336 : memref<1x!tpu.dma_semaphore, #tpu.memory_space<semaphore_mem>> -> memref<!tpu.dma_semaphore, #tpu.memory_space<semaphore_mem>>
      tpu.enqueue_indirect_dma source(%dma_start3A_329 : memref<128x32xf32, #tpu.memory_space<vmem>>) target(%dma_start3A_335 : memref<10112x32xf32, #tpu.memory_space<vmem_shared>>) offsets(%dma_start3A_332 : memref<128xi32, #tpu.memory_space<vmem>>) semaphore(%dma_start3A_337 : memref<!tpu.dma_semaphore, #tpu.memory_space<semaphore_mem>>) {add = true}
      %dma_wait3A_338 = arith.constant 0 : i32
      %dma_wait3A_339 = arith.constant 4 : i32
      %dma_wait3A_340 = arith.constant 4 : i32
      %dma_wait3A_341 = arith.constant 0 : i32
      %dma_wait3A_342 = arith.constant 0 : i32
      %dma_wait3A_343 = tpu.memref_slice %arg10[%dma_wait3A_339, %dma_wait3A_341, %dma_wait3A_342] : memref<6x128x32xf32, #tpu.memory_space<vmem>> -> memref<1x128x32xf32, #tpu.memory_space<vmem>>
      %dma_wait3A_344 = tpu.memref_squeeze %dma_wait3A_343 : memref<1x128x32xf32, #tpu.memory_space<vmem>> -> memref<128x32xf32, #tpu.memory_space<vmem>>
      %dma_wait3A_345 = arith.constant 0 : i32
      %dma_wait3A_346 = tpu.memref_slice %arg6[%dma_wait3A_338, %dma_wait3A_345] : memref<78x128xi32, #tpu.memory_space<vmem>> -> memref<1x128xi32, #tpu.memory_space<vmem>>
      %dma_wait3A_347 = tpu.memref_squeeze %dma_wait3A_346 : memref<1x128xi32, #tpu.memory_space<vmem>> -> memref<128xi32, #tpu.memory_space<vmem>>
      %dma_wait3A_348 = arith.constant 0 : i32
      %dma_wait3A_349 = arith.constant 0 : i32
      %dma_wait3A_350 = tpu.memref_slice %arg3[%dma_wait3A_348, %dma_wait3A_349] : memref<10000x32xf32, #tpu.memory_space<hbm>> -> memref<10000x32xf32, #tpu.memory_space<hbm>>
      %dma_wait3A_351 = tpu.memref_slice %arg12[%dma_wait3A_340] : memref<6x!tpu.dma_semaphore, #tpu.memory_space<semaphore_mem>> -> memref<1x!tpu.dma_semaphore, #tpu.memory_space<semaphore_mem>>
      %dma_wait3A_352 = tpu.memref_squeeze %dma_wait3A_351 : memref<1x!tpu.dma_semaphore, #tpu.memory_space<semaphore_mem>> -> memref<!tpu.dma_semaphore, #tpu.memory_space<semaphore_mem>>
      tpu.wait_indirect_dma semaphore(%dma_wait3A_352 : memref<!tpu.dma_semaphore, #tpu.memory_space<semaphore_mem>>) src(%dma_wait3A_350 : memref<10000x32xf32, #tpu.memory_space<hbm>>) dst(%dma_wait3A_344 : memref<128x32xf32, #tpu.memory_space<vmem>>)
      %mul3A_353 = arith.constant 6 : i32
      %mul3A_354 = arith.muli %scan3A_205, %mul3A_353 : i32
      %add3A_355 = arith.constant 4 : i32
      %add3A_356 = arith.addi %mul3A_354, %add3A_355 : i32
      %dma_start3A_357 = arith.constant 4 : i32
      %dma_start3A_358 = arith.constant 4 : i32
      %dma_start3A_359 = arith.constant 0 : i32
      %dma_start3A_360 = arith.constant 0 : i32
      %dma_start3A_361 = tpu.memref_slice %arg10[%dma_start3A_357, %dma_start3A_359, %dma_start3A_360] : memref<6x128x32xf32, #tpu.memory_space<vmem>> -> memref<1x128x32xf32, #tpu.memory_space<vmem>>
      %dma_start3A_362 = tpu.memref_squeeze %dma_start3A_361 : memref<1x128x32xf32, #tpu.memory_space<vmem>> -> memref<128x32xf32, #tpu.memory_space<vmem>>
      %dma_start3A_363 = arith.constant 0 : i32
      %dma_start3A_364 = tpu.memref_slice %arg7[%add3A_356, %dma_start3A_363] : memref<78x128xi32, #tpu.memory_space<vmem>> -> memref<1x128xi32, #tpu.memory_space<vmem>>
      %dma_start3A_365 = tpu.memref_squeeze %dma_start3A_364 : memref<1x128xi32, #tpu.memory_space<vmem>> -> memref<128xi32, #tpu.memory_space<vmem>>
      %dma_start3A_366 = arith.constant 0 : i32
      %dma_start3A_367 = arith.constant 0 : i32
      %dma_start3A_368 = tpu.memref_slice %arg11[%dma_start3A_366, %dma_start3A_367] : memref<10112x32xf32, #tpu.memory_space<vmem_shared>> -> memref<10112x32xf32, #tpu.memory_space<vmem_shared>>
      %dma_start3A_369 = tpu.memref_slice %arg13[%dma_start3A_358] : memref<6x!tpu.dma_semaphore, #tpu.memory_space<semaphore_mem>> -> memref<1x!tpu.dma_semaphore, #tpu.memory_space<semaphore_mem>>
      %dma_start3A_370 = tpu.memref_squeeze %dma_start3A_369 : memref<1x!tpu.dma_semaphore, #tpu.memory_space<semaphore_mem>> -> memref<!tpu.dma_semaphore, #tpu.memory_space<semaphore_mem>>
      tpu.enqueue_indirect_dma source(%dma_start3A_362 : memref<128x32xf32, #tpu.memory_space<vmem>>) target(%dma_start3A_368 : memref<10112x32xf32, #tpu.memory_space<vmem_shared>>) offsets(%dma_start3A_365 : memref<128xi32, #tpu.memory_space<vmem>>) semaphore(%dma_start3A_370 : memref<!tpu.dma_semaphore, #tpu.memory_space<semaphore_mem>>) {add = true}
      %dma_wait3A_371 = arith.constant 0 : i32
      %dma_wait3A_372 = arith.constant 5 : i32
      %dma_wait3A_373 = arith.constant 5 : i32
      %dma_wait3A_374 = arith.constant 0 : i32
      %dma_wait3A_375 = arith.constant 0 : i32
      %dma_wait3A_376 = tpu.memref_slice %arg10[%dma_wait3A_372, %dma_wait3A_374, %dma_wait3A_375] : memref<6x128x32xf32, #tpu.memory_space<vmem>> -> memref<1x128x32xf32, #tpu.memory_space<vmem>>
      %dma_wait3A_377 = tpu.memref_squeeze %dma_wait3A_376 : memref<1x128x32xf32, #tpu.memory_space<vmem>> -> memref<128x32xf32, #tpu.memory_space<vmem>>
      %dma_wait3A_378 = arith.constant 0 : i32
      %dma_wait3A_379 = tpu.memref_slice %arg6[%dma_wait3A_371, %dma_wait3A_378] : memref<78x128xi32, #tpu.memory_space<vmem>> -> memref<1x128xi32, #tpu.memory_space<vmem>>
      %dma_wait3A_380 = tpu.memref_squeeze %dma_wait3A_379 : memref<1x128xi32, #tpu.memory_space<vmem>> -> memref<128xi32, #tpu.memory_space<vmem>>
      %dma_wait3A_381 = arith.constant 0 : i32
      %dma_wait3A_382 = arith.constant 0 : i32
      %dma_wait3A_383 = tpu.memref_slice %arg3[%dma_wait3A_381, %dma_wait3A_382] : memref<10000x32xf32, #tpu.memory_space<hbm>> -> memref<10000x32xf32, #tpu.memory_space<hbm>>
      %dma_wait3A_384 = tpu.memref_slice %arg12[%dma_wait3A_373] : memref<6x!tpu.dma_semaphore, #tpu.memory_space<semaphore_mem>> -> memref<1x!tpu.dma_semaphore, #tpu.memory_space<semaphore_mem>>
      %dma_wait3A_385 = tpu.memref_squeeze %dma_wait3A_384 : memref<1x!tpu.dma_semaphore, #tpu.memory_space<semaphore_mem>> -> memref<!tpu.dma_semaphore, #tpu.memory_space<semaphore_mem>>
      tpu.wait_indirect_dma semaphore(%dma_wait3A_385 : memref<!tpu.dma_semaphore, #tpu.memory_space<semaphore_mem>>) src(%dma_wait3A_383 : memref<10000x32xf32, #tpu.memory_space<hbm>>) dst(%dma_wait3A_377 : memref<128x32xf32, #tpu.memory_space<vmem>>)
      %mul3A_386 = arith.constant 6 : i32
      %mul3A_387 = arith.muli %scan3A_205, %mul3A_386 : i32
      %add3A_388 = arith.constant 5 : i32
      %add3A_389 = arith.addi %mul3A_387, %add3A_388 : i32
      %dma_start3A_390 = arith.constant 5 : i32
      %dma_start3A_391 = arith.constant 5 : i32
      %dma_start3A_392 = arith.constant 0 : i32
      %dma_start3A_393 = arith.constant 0 : i32
      %dma_start3A_394 = tpu.memref_slice %arg10[%dma_start3A_390, %dma_start3A_392, %dma_start3A_393] : memref<6x128x32xf32, #tpu.memory_space<vmem>> -> memref<1x128x32xf32, #tpu.memory_space<vmem>>
      %dma_start3A_395 = tpu.memref_squeeze %dma_start3A_394 : memref<1x128x32xf32, #tpu.memory_space<vmem>> -> memref<128x32xf32, #tpu.memory_space<vmem>>
      %dma_start3A_396 = arith.constant 0 : i32
      %dma_start3A_397 = tpu.memref_slice %arg7[%add3A_389, %dma_start3A_396] : memref<78x128xi32, #tpu.memory_space<vmem>> -> memref<1x128xi32, #tpu.memory_space<vmem>>
      %dma_start3A_398 = tpu.memref_squeeze %dma_start3A_397 : memref<1x128xi32, #tpu.memory_space<vmem>> -> memref<128xi32, #tpu.memory_space<vmem>>
      %dma_start3A_399 = arith.constant 0 : i32
      %dma_start3A_400 = arith.constant 0 : i32
      %dma_start3A_401 = tpu.memref_slice %arg11[%dma_start3A_399, %dma_start3A_400] : memref<10112x32xf32, #tpu.memory_space<vmem_shared>> -> memref<10112x32xf32, #tpu.memory_space<vmem_shared>>
      %dma_start3A_402 = tpu.memref_slice %arg13[%dma_start3A_391] : memref<6x!tpu.dma_semaphore, #tpu.memory_space<semaphore_mem>> -> memref<1x!tpu.dma_semaphore, #tpu.memory_space<semaphore_mem>>
      %dma_start3A_403 = tpu.memref_squeeze %dma_start3A_402 : memref<1x!tpu.dma_semaphore, #tpu.memory_space<semaphore_mem>> -> memref<!tpu.dma_semaphore, #tpu.memory_space<semaphore_mem>>
      tpu.enqueue_indirect_dma source(%dma_start3A_395 : memref<128x32xf32, #tpu.memory_space<vmem>>) target(%dma_start3A_401 : memref<10112x32xf32, #tpu.memory_space<vmem_shared>>) offsets(%dma_start3A_398 : memref<128xi32, #tpu.memory_space<vmem>>) semaphore(%dma_start3A_403 : memref<!tpu.dma_semaphore, #tpu.memory_space<semaphore_mem>>) {add = true}
      %add3A_404 = arith.constant 1 : i32
      %add3A_405 = arith.addi %scan3A_205, %add3A_404 : i32
      %lt3A = arith.constant 13 : i32
      %lt3A_406 = arith.cmpi slt, %add3A_405, %lt3A : i32
      %convert_element_type3A_407 = arith.extui %lt3A_406 : i1 to i32
      %cond3A_408 = arith.constant 0 : i32
      %cond3A_409 = arith.cmpi ne, %convert_element_type3A_407, %cond3A_408 : i32
      scf.if %cond3A_409 {
        %dma_wait3A_410 = arith.constant 0 : i32
        %dma_wait3A_411 = arith.constant 0 : i32
        %dma_wait3A_412 = arith.constant 0 : i32
        %dma_wait3A_413 = arith.constant 0 : i32
        %dma_wait3A_414 = arith.constant 0 : i32
        %dma_wait3A_415 = tpu.memref_slice %arg10[%dma_wait3A_410, %dma_wait3A_413, %dma_wait3A_414] : memref<6x128x32xf32, #tpu.memory_space<vmem>> -> memref<1x128x32xf32, #tpu.memory_space<vmem>>
        %dma_wait3A_416 = tpu.memref_squeeze %dma_wait3A_415 : memref<1x128x32xf32, #tpu.memory_space<vmem>> -> memref<128x32xf32, #tpu.memory_space<vmem>>
        %dma_wait3A_417 = arith.constant 0 : i32
        %dma_wait3A_418 = tpu.memref_slice %arg7[%dma_wait3A_411, %dma_wait3A_417] : memref<78x128xi32, #tpu.memory_space<vmem>> -> memref<1x128xi32, #tpu.memory_space<vmem>>
        %dma_wait3A_419 = tpu.memref_squeeze %dma_wait3A_418 : memref<1x128xi32, #tpu.memory_space<vmem>> -> memref<128xi32, #tpu.memory_space<vmem>>
        %dma_wait3A_420 = arith.constant 0 : i32
        %dma_wait3A_421 = arith.constant 0 : i32
        %dma_wait3A_422 = tpu.memref_slice %arg11[%dma_wait3A_420, %dma_wait3A_421] : memref<10112x32xf32, #tpu.memory_space<vmem_shared>> -> memref<10112x32xf32, #tpu.memory_space<vmem_shared>>
        %dma_wait3A_423 = tpu.memref_slice %arg13[%dma_wait3A_412] : memref<6x!tpu.dma_semaphore, #tpu.memory_space<semaphore_mem>> -> memref<1x!tpu.dma_semaphore, #tpu.memory_space<semaphore_mem>>
        %dma_wait3A_424 = tpu.memref_squeeze %dma_wait3A_423 : memref<1x!tpu.dma_semaphore, #tpu.memory_space<semaphore_mem>> -> memref<!tpu.dma_semaphore, #tpu.memory_space<semaphore_mem>>
        tpu.wait_indirect_dma semaphore(%dma_wait3A_424 : memref<!tpu.dma_semaphore, #tpu.memory_space<semaphore_mem>>) src(%dma_wait3A_416 : memref<128x32xf32, #tpu.memory_space<vmem>>) dst(%dma_wait3A_422 : memref<10112x32xf32, #tpu.memory_space<vmem_shared>>)
        %add3A_425 = arith.constant 1 : i32
        %add3A_426 = arith.addi %scan3A_205, %add3A_425 : i32
        %mul3A_427 = arith.constant 6 : i32
        %mul3A_428 = arith.muli %add3A_426, %mul3A_427 : i32
        %add3A_429 = arith.constant 0 : i32
        %add3A_430 = arith.addi %mul3A_428, %add3A_429 : i32
        %dma_start3A_431 = arith.constant 0 : i32
        %dma_start3A_432 = arith.constant 0 : i32
        %dma_start3A_433 = arith.constant 0 : i32
        %dma_start3A_434 = arith.constant 0 : i32
        %dma_start3A_435 = tpu.memref_slice %arg10[%dma_start3A_431, %dma_start3A_433, %dma_start3A_434] : memref<6x128x32xf32, #tpu.memory_space<vmem>> -> memref<1x128x32xf32, #tpu.memory_space<vmem>>
        %dma_start3A_436 = tpu.memref_squeeze %dma_start3A_435 : memref<1x128x32xf32, #tpu.memory_space<vmem>> -> memref<128x32xf32, #tpu.memory_space<vmem>>
        %dma_start3A_437 = arith.constant 0 : i32
        %dma_start3A_438 = tpu.memref_slice %arg6[%add3A_430, %dma_start3A_437] : memref<78x128xi32, #tpu.memory_space<vmem>> -> memref<1x128xi32, #tpu.memory_space<vmem>>
        %dma_start3A_439 = tpu.memref_squeeze %dma_start3A_438 : memref<1x128xi32, #tpu.memory_space<vmem>> -> memref<128xi32, #tpu.memory_space<vmem>>
        %dma_start3A_440 = arith.constant 0 : i32
        %dma_start3A_441 = arith.constant 0 : i32
        %dma_start3A_442 = tpu.memref_slice %arg3[%dma_start3A_440, %dma_start3A_441] : memref<10000x32xf32, #tpu.memory_space<hbm>> -> memref<10000x32xf32, #tpu.memory_space<hbm>>
        %dma_start3A_443 = tpu.memref_slice %arg12[%dma_start3A_432] : memref<6x!tpu.dma_semaphore, #tpu.memory_space<semaphore_mem>> -> memref<1x!tpu.dma_semaphore, #tpu.memory_space<semaphore_mem>>
        %dma_start3A_444 = tpu.memref_squeeze %dma_start3A_443 : memref<1x!tpu.dma_semaphore, #tpu.memory_space<semaphore_mem>> -> memref<!tpu.dma_semaphore, #tpu.memory_space<semaphore_mem>>
        tpu.enqueue_indirect_dma source(%dma_start3A_442 : memref<10000x32xf32, #tpu.memory_space<hbm>>) target(%dma_start3A_436 : memref<128x32xf32, #tpu.memory_space<vmem>>) offsets(%dma_start3A_439 : memref<128xi32, #tpu.memory_space<vmem>>) semaphore(%dma_start3A_444 : memref<!tpu.dma_semaphore, #tpu.memory_space<semaphore_mem>>)
        %dma_wait3A_445 = arith.constant 1 : i32
        %dma_wait3A_446 = arith.constant 0 : i32
        %dma_wait3A_447 = arith.constant 1 : i32
        %dma_wait3A_448 = arith.constant 0 : i32
        %dma_wait3A_449 = arith.constant 0 : i32
        %dma_wait3A_450 = tpu.memref_slice %arg10[%dma_wait3A_445, %dma_wait3A_448, %dma_wait3A_449] : memref<6x128x32xf32, #tpu.memory_space<vmem>> -> memref<1x128x32xf32, #tpu.memory_space<vmem>>
        %dma_wait3A_451 = tpu.memref_squeeze %dma_wait3A_450 : memref<1x128x32xf32, #tpu.memory_space<vmem>> -> memref<128x32xf32, #tpu.memory_space<vmem>>
        %dma_wait3A_452 = arith.constant 0 : i32
        %dma_wait3A_453 = tpu.memref_slice %arg7[%dma_wait3A_446, %dma_wait3A_452] : memref<78x128xi32, #tpu.memory_space<vmem>> -> memref<1x128xi32, #tpu.memory_space<vmem>>
        %dma_wait3A_454 = tpu.memref_squeeze %dma_wait3A_453 : memref<1x128xi32, #tpu.memory_space<vmem>> -> memref<128xi32, #tpu.memory_space<vmem>>
        %dma_wait3A_455 = arith.constant 0 : i32
        %dma_wait3A_456 = arith.constant 0 : i32
        %dma_wait3A_457 = tpu.memref_slice %arg11[%dma_wait3A_455, %dma_wait3A_456] : memref<10112x32xf32, #tpu.memory_space<vmem_shared>> -> memref<10112x32xf32, #tpu.memory_space<vmem_shared>>
        %dma_wait3A_458 = tpu.memref_slice %arg13[%dma_wait3A_447] : memref<6x!tpu.dma_semaphore, #tpu.memory_space<semaphore_mem>> -> memref<1x!tpu.dma_semaphore, #tpu.memory_space<semaphore_mem>>
        %dma_wait3A_459 = tpu.memref_squeeze %dma_wait3A_458 : memref<1x!tpu.dma_semaphore, #tpu.memory_space<semaphore_mem>> -> memref<!tpu.dma_semaphore, #tpu.memory_space<semaphore_mem>>
        tpu.wait_indirect_dma semaphore(%dma_wait3A_459 : memref<!tpu.dma_semaphore, #tpu.memory_space<semaphore_mem>>) src(%dma_wait3A_451 : memref<128x32xf32, #tpu.memory_space<vmem>>) dst(%dma_wait3A_457 : memref<10112x32xf32, #tpu.memory_space<vmem_shared>>)
        %add3A_460 = arith.constant 1 : i32
        %add3A_461 = arith.addi %scan3A_205, %add3A_460 : i32
        %mul3A_462 = arith.constant 6 : i32
        %mul3A_463 = arith.muli %add3A_461, %mul3A_462 : i32
        %add3A_464 = arith.constant 1 : i32
        %add3A_465 = arith.addi %mul3A_463, %add3A_464 : i32
        %dma_start3A_466 = arith.constant 1 : i32
        %dma_start3A_467 = arith.constant 1 : i32
        %dma_start3A_468 = arith.constant 0 : i32
        %dma_start3A_469 = arith.constant 0 : i32
        %dma_start3A_470 = tpu.memref_slice %arg10[%dma_start3A_466, %dma_start3A_468, %dma_start3A_469] : memref<6x128x32xf32, #tpu.memory_space<vmem>> -> memref<1x128x32xf32, #tpu.memory_space<vmem>>
        %dma_start3A_471 = tpu.memref_squeeze %dma_start3A_470 : memref<1x128x32xf32, #tpu.memory_space<vmem>> -> memref<128x32xf32, #tpu.memory_space<vmem>>
        %dma_start3A_472 = arith.constant 0 : i32
        %dma_start3A_473 = tpu.memref_slice %arg6[%add3A_465, %dma_start3A_472] : memref<78x128xi32, #tpu.memory_space<vmem>> -> memref<1x128xi32, #tpu.memory_space<vmem>>
        %dma_start3A_474 = tpu.memref_squeeze %dma_start3A_473 : memref<1x128xi32, #tpu.memory_space<vmem>> -> memref<128xi32, #tpu.memory_space<vmem>>
        %dma_start3A_475 = arith.constant 0 : i32
        %dma_start3A_476 = arith.constant 0 : i32
        %dma_start3A_477 = tpu.memref_slice %arg3[%dma_start3A_475, %dma_start3A_476] : memref<10000x32xf32, #tpu.memory_space<hbm>> -> memref<10000x32xf32, #tpu.memory_space<hbm>>
        %dma_start3A_478 = tpu.memref_slice %arg12[%dma_start3A_467] : memref<6x!tpu.dma_semaphore, #tpu.memory_space<semaphore_mem>> -> memref<1x!tpu.dma_semaphore, #tpu.memory_space<semaphore_mem>>
        %dma_start3A_479 = tpu.memref_squeeze %dma_start3A_478 : memref<1x!tpu.dma_semaphore, #tpu.memory_space<semaphore_mem>> -> memref<!tpu.dma_semaphore, #tpu.memory_space<semaphore_mem>>
        tpu.enqueue_indirect_dma source(%dma_start3A_477 : memref<10000x32xf32, #tpu.memory_space<hbm>>) target(%dma_start3A_471 : memref<128x32xf32, #tpu.memory_space<vmem>>) offsets(%dma_start3A_474 : memref<128xi32, #tpu.memory_space<vmem>>) semaphore(%dma_start3A_479 : memref<!tpu.dma_semaphore, #tpu.memory_space<semaphore_mem>>)
        %dma_wait3A_480 = arith.constant 2 : i32
        %dma_wait3A_481 = arith.constant 0 : i32
        %dma_wait3A_482 = arith.constant 2 : i32
        %dma_wait3A_483 = arith.constant 0 : i32
        %dma_wait3A_484 = arith.constant 0 : i32
        %dma_wait3A_485 = tpu.memref_slice %arg10[%dma_wait3A_480, %dma_wait3A_483, %dma_wait3A_484] : memref<6x128x32xf32, #tpu.memory_space<vmem>> -> memref<1x128x32xf32, #tpu.memory_space<vmem>>
        %dma_wait3A_486 = tpu.memref_squeeze %dma_wait3A_485 : memref<1x128x32xf32, #tpu.memory_space<vmem>> -> memref<128x32xf32, #tpu.memory_space<vmem>>
        %dma_wait3A_487 = arith.constant 0 : i32
        %dma_wait3A_488 = tpu.memref_slice %arg7[%dma_wait3A_481, %dma_wait3A_487] : memref<78x128xi32, #tpu.memory_space<vmem>> -> memref<1x128xi32, #tpu.memory_space<vmem>>
        %dma_wait3A_489 = tpu.memref_squeeze %dma_wait3A_488 : memref<1x128xi32, #tpu.memory_space<vmem>> -> memref<128xi32, #tpu.memory_space<vmem>>
        %dma_wait3A_490 = arith.constant 0 : i32
        %dma_wait3A_491 = arith.constant 0 : i32
        %dma_wait3A_492 = tpu.memref_slice %arg11[%dma_wait3A_490, %dma_wait3A_491] : memref<10112x32xf32, #tpu.memory_space<vmem_shared>> -> memref<10112x32xf32, #tpu.memory_space<vmem_shared>>
        %dma_wait3A_493 = tpu.memref_slice %arg13[%dma_wait3A_482] : memref<6x!tpu.dma_semaphore, #tpu.memory_space<semaphore_mem>> -> memref<1x!tpu.dma_semaphore, #tpu.memory_space<semaphore_mem>>
        %dma_wait3A_494 = tpu.memref_squeeze %dma_wait3A_493 : memref<1x!tpu.dma_semaphore, #tpu.memory_space<semaphore_mem>> -> memref<!tpu.dma_semaphore, #tpu.memory_space<semaphore_mem>>
        tpu.wait_indirect_dma semaphore(%dma_wait3A_494 : memref<!tpu.dma_semaphore, #tpu.memory_space<semaphore_mem>>) src(%dma_wait3A_486 : memref<128x32xf32, #tpu.memory_space<vmem>>) dst(%dma_wait3A_492 : memref<10112x32xf32, #tpu.memory_space<vmem_shared>>)
        %add3A_495 = arith.constant 1 : i32
        %add3A_496 = arith.addi %scan3A_205, %add3A_495 : i32
        %mul3A_497 = arith.constant 6 : i32
        %mul3A_498 = arith.muli %add3A_496, %mul3A_497 : i32
        %add3A_499 = arith.constant 2 : i32
        %add3A_500 = arith.addi %mul3A_498, %add3A_499 : i32
        %dma_start3A_501 = arith.constant 2 : i32
        %dma_start3A_502 = arith.constant 2 : i32
        %dma_start3A_503 = arith.constant 0 : i32
        %dma_start3A_504 = arith.constant 0 : i32
        %dma_start3A_505 = tpu.memref_slice %arg10[%dma_start3A_501, %dma_start3A_503, %dma_start3A_504] : memref<6x128x32xf32, #tpu.memory_space<vmem>> -> memref<1x128x32xf32, #tpu.memory_space<vmem>>
        %dma_start3A_506 = tpu.memref_squeeze %dma_start3A_505 : memref<1x128x32xf32, #tpu.memory_space<vmem>> -> memref<128x32xf32, #tpu.memory_space<vmem>>
        %dma_start3A_507 = arith.constant 0 : i32
        %dma_start3A_508 = tpu.memref_slice %arg6[%add3A_500, %dma_start3A_507] : memref<78x128xi32, #tpu.memory_space<vmem>> -> memref<1x128xi32, #tpu.memory_space<vmem>>
        %dma_start3A_509 = tpu.memref_squeeze %dma_start3A_508 : memref<1x128xi32, #tpu.memory_space<vmem>> -> memref<128xi32, #tpu.memory_space<vmem>>
        %dma_start3A_510 = arith.constant 0 : i32
        %dma_start3A_511 = arith.constant 0 : i32
        %dma_start3A_512 = tpu.memref_slice %arg3[%dma_start3A_510, %dma_start3A_511] : memref<10000x32xf32, #tpu.memory_space<hbm>> -> memref<10000x32xf32, #tpu.memory_space<hbm>>
        %dma_start3A_513 = tpu.memref_slice %arg12[%dma_start3A_502] : memref<6x!tpu.dma_semaphore, #tpu.memory_space<semaphore_mem>> -> memref<1x!tpu.dma_semaphore, #tpu.memory_space<semaphore_mem>>
        %dma_start3A_514 = tpu.memref_squeeze %dma_start3A_513 : memref<1x!tpu.dma_semaphore, #tpu.memory_space<semaphore_mem>> -> memref<!tpu.dma_semaphore, #tpu.memory_space<semaphore_mem>>
        tpu.enqueue_indirect_dma source(%dma_start3A_512 : memref<10000x32xf32, #tpu.memory_space<hbm>>) target(%dma_start3A_506 : memref<128x32xf32, #tpu.memory_space<vmem>>) offsets(%dma_start3A_509 : memref<128xi32, #tpu.memory_space<vmem>>) semaphore(%dma_start3A_514 : memref<!tpu.dma_semaphore, #tpu.memory_space<semaphore_mem>>)
        %dma_wait3A_515 = arith.constant 3 : i32
        %dma_wait3A_516 = arith.constant 0 : i32
        %dma_wait3A_517 = arith.constant 3 : i32
        %dma_wait3A_518 = arith.constant 0 : i32
        %dma_wait3A_519 = arith.constant 0 : i32
        %dma_wait3A_520 = tpu.memref_slice %arg10[%dma_wait3A_515, %dma_wait3A_518, %dma_wait3A_519] : memref<6x128x32xf32, #tpu.memory_space<vmem>> -> memref<1x128x32xf32, #tpu.memory_space<vmem>>
        %dma_wait3A_521 = tpu.memref_squeeze %dma_wait3A_520 : memref<1x128x32xf32, #tpu.memory_space<vmem>> -> memref<128x32xf32, #tpu.memory_space<vmem>>
        %dma_wait3A_522 = arith.constant 0 : i32
        %dma_wait3A_523 = tpu.memref_slice %arg7[%dma_wait3A_516, %dma_wait3A_522] : memref<78x128xi32, #tpu.memory_space<vmem>> -> memref<1x128xi32, #tpu.memory_space<vmem>>
        %dma_wait3A_524 = tpu.memref_squeeze %dma_wait3A_523 : memref<1x128xi32, #tpu.memory_space<vmem>> -> memref<128xi32, #tpu.memory_space<vmem>>
        %dma_wait3A_525 = arith.constant 0 : i32
        %dma_wait3A_526 = arith.constant 0 : i32
        %dma_wait3A_527 = tpu.memref_slice %arg11[%dma_wait3A_525, %dma_wait3A_526] : memref<10112x32xf32, #tpu.memory_space<vmem_shared>> -> memref<10112x32xf32, #tpu.memory_space<vmem_shared>>
        %dma_wait3A_528 = tpu.memref_slice %arg13[%dma_wait3A_517] : memref<6x!tpu.dma_semaphore, #tpu.memory_space<semaphore_mem>> -> memref<1x!tpu.dma_semaphore, #tpu.memory_space<semaphore_mem>>
        %dma_wait3A_529 = tpu.memref_squeeze %dma_wait3A_528 : memref<1x!tpu.dma_semaphore, #tpu.memory_space<semaphore_mem>> -> memref<!tpu.dma_semaphore, #tpu.memory_space<semaphore_mem>>
        tpu.wait_indirect_dma semaphore(%dma_wait3A_529 : memref<!tpu.dma_semaphore, #tpu.memory_space<semaphore_mem>>) src(%dma_wait3A_521 : memref<128x32xf32, #tpu.memory_space<vmem>>) dst(%dma_wait3A_527 : memref<10112x32xf32, #tpu.memory_space<vmem_shared>>)
        %add3A_530 = arith.constant 1 : i32
        %add3A_531 = arith.addi %scan3A_205, %add3A_530 : i32
        %mul3A_532 = arith.constant 6 : i32
        %mul3A_533 = arith.muli %add3A_531, %mul3A_532 : i32
        %add3A_534 = arith.constant 3 : i32
        %add3A_535 = arith.addi %mul3A_533, %add3A_534 : i32
        %dma_start3A_536 = arith.constant 3 : i32
        %dma_start3A_537 = arith.constant 3 : i32
        %dma_start3A_538 = arith.constant 0 : i32
        %dma_start3A_539 = arith.constant 0 : i32
        %dma_start3A_540 = tpu.memref_slice %arg10[%dma_start3A_536, %dma_start3A_538, %dma_start3A_539] : memref<6x128x32xf32, #tpu.memory_space<vmem>> -> memref<1x128x32xf32, #tpu.memory_space<vmem>>
        %dma_start3A_541 = tpu.memref_squeeze %dma_start3A_540 : memref<1x128x32xf32, #tpu.memory_space<vmem>> -> memref<128x32xf32, #tpu.memory_space<vmem>>
        %dma_start3A_542 = arith.constant 0 : i32
        %dma_start3A_543 = tpu.memref_slice %arg6[%add3A_535, %dma_start3A_542] : memref<78x128xi32, #tpu.memory_space<vmem>> -> memref<1x128xi32, #tpu.memory_space<vmem>>
        %dma_start3A_544 = tpu.memref_squeeze %dma_start3A_543 : memref<1x128xi32, #tpu.memory_space<vmem>> -> memref<128xi32, #tpu.memory_space<vmem>>
        %dma_start3A_545 = arith.constant 0 : i32
        %dma_start3A_546 = arith.constant 0 : i32
        %dma_start3A_547 = tpu.memref_slice %arg3[%dma_start3A_545, %dma_start3A_546] : memref<10000x32xf32, #tpu.memory_space<hbm>> -> memref<10000x32xf32, #tpu.memory_space<hbm>>
        %dma_start3A_548 = tpu.memref_slice %arg12[%dma_start3A_537] : memref<6x!tpu.dma_semaphore, #tpu.memory_space<semaphore_mem>> -> memref<1x!tpu.dma_semaphore, #tpu.memory_space<semaphore_mem>>
        %dma_start3A_549 = tpu.memref_squeeze %dma_start3A_548 : memref<1x!tpu.dma_semaphore, #tpu.memory_space<semaphore_mem>> -> memref<!tpu.dma_semaphore, #tpu.memory_space<semaphore_mem>>
        tpu.enqueue_indirect_dma source(%dma_start3A_547 : memref<10000x32xf32, #tpu.memory_space<hbm>>) target(%dma_start3A_541 : memref<128x32xf32, #tpu.memory_space<vmem>>) offsets(%dma_start3A_544 : memref<128xi32, #tpu.memory_space<vmem>>) semaphore(%dma_start3A_549 : memref<!tpu.dma_semaphore, #tpu.memory_space<semaphore_mem>>)
        %dma_wait3A_550 = arith.constant 4 : i32
        %dma_wait3A_551 = arith.constant 0 : i32
        %dma_wait3A_552 = arith.constant 4 : i32
        %dma_wait3A_553 = arith.constant 0 : i32
        %dma_wait3A_554 = arith.constant 0 : i32
        %dma_wait3A_555 = tpu.memref_slice %arg10[%dma_wait3A_550, %dma_wait3A_553, %dma_wait3A_554] : memref<6x128x32xf32, #tpu.memory_space<vmem>> -> memref<1x128x32xf32, #tpu.memory_space<vmem>>
        %dma_wait3A_556 = tpu.memref_squeeze %dma_wait3A_555 : memref<1x128x32xf32, #tpu.memory_space<vmem>> -> memref<128x32xf32, #tpu.memory_space<vmem>>
        %dma_wait3A_557 = arith.constant 0 : i32
        %dma_wait3A_558 = tpu.memref_slice %arg7[%dma_wait3A_551, %dma_wait3A_557] : memref<78x128xi32, #tpu.memory_space<vmem>> -> memref<1x128xi32, #tpu.memory_space<vmem>>
        %dma_wait3A_559 = tpu.memref_squeeze %dma_wait3A_558 : memref<1x128xi32, #tpu.memory_space<vmem>> -> memref<128xi32, #tpu.memory_space<vmem>>
        %dma_wait3A_560 = arith.constant 0 : i32
        %dma_wait3A_561 = arith.constant 0 : i32
        %dma_wait3A_562 = tpu.memref_slice %arg11[%dma_wait3A_560, %dma_wait3A_561] : memref<10112x32xf32, #tpu.memory_space<vmem_shared>> -> memref<10112x32xf32, #tpu.memory_space<vmem_shared>>
        %dma_wait3A_563 = tpu.memref_slice %arg13[%dma_wait3A_552] : memref<6x!tpu.dma_semaphore, #tpu.memory_space<semaphore_mem>> -> memref<1x!tpu.dma_semaphore, #tpu.memory_space<semaphore_mem>>
        %dma_wait3A_564 = tpu.memref_squeeze %dma_wait3A_563 : memref<1x!tpu.dma_semaphore, #tpu.memory_space<semaphore_mem>> -> memref<!tpu.dma_semaphore, #tpu.memory_space<semaphore_mem>>
        tpu.wait_indirect_dma semaphore(%dma_wait3A_564 : memref<!tpu.dma_semaphore, #tpu.memory_space<semaphore_mem>>) src(%dma_wait3A_556 : memref<128x32xf32, #tpu.memory_space<vmem>>) dst(%dma_wait3A_562 : memref<10112x32xf32, #tpu.memory_space<vmem_shared>>)
        %add3A_565 = arith.constant 1 : i32
        %add3A_566 = arith.addi %scan3A_205, %add3A_565 : i32
        %mul3A_567 = arith.constant 6 : i32
        %mul3A_568 = arith.muli %add3A_566, %mul3A_567 : i32
        %add3A_569 = arith.constant 4 : i32
        %add3A_570 = arith.addi %mul3A_568, %add3A_569 : i32
        %dma_start3A_571 = arith.constant 4 : i32
        %dma_start3A_572 = arith.constant 4 : i32
        %dma_start3A_573 = arith.constant 0 : i32
        %dma_start3A_574 = arith.constant 0 : i32
        %dma_start3A_575 = tpu.memref_slice %arg10[%dma_start3A_571, %dma_start3A_573, %dma_start3A_574] : memref<6x128x32xf32, #tpu.memory_space<vmem>> -> memref<1x128x32xf32, #tpu.memory_space<vmem>>
        %dma_start3A_576 = tpu.memref_squeeze %dma_start3A_575 : memref<1x128x32xf32, #tpu.memory_space<vmem>> -> memref<128x32xf32, #tpu.memory_space<vmem>>
        %dma_start3A_577 = arith.constant 0 : i32
        %dma_start3A_578 = tpu.memref_slice %arg6[%add3A_570, %dma_start3A_577] : memref<78x128xi32, #tpu.memory_space<vmem>> -> memref<1x128xi32, #tpu.memory_space<vmem>>
        %dma_start3A_579 = tpu.memref_squeeze %dma_start3A_578 : memref<1x128xi32, #tpu.memory_space<vmem>> -> memref<128xi32, #tpu.memory_space<vmem>>
        %dma_start3A_580 = arith.constant 0 : i32
        %dma_start3A_581 = arith.constant 0 : i32
        %dma_start3A_582 = tpu.memref_slice %arg3[%dma_start3A_580, %dma_start3A_581] : memref<10000x32xf32, #tpu.memory_space<hbm>> -> memref<10000x32xf32, #tpu.memory_space<hbm>>
        %dma_start3A_583 = tpu.memref_slice %arg12[%dma_start3A_572] : memref<6x!tpu.dma_semaphore, #tpu.memory_space<semaphore_mem>> -> memref<1x!tpu.dma_semaphore, #tpu.memory_space<semaphore_mem>>
        %dma_start3A_584 = tpu.memref_squeeze %dma_start3A_583 : memref<1x!tpu.dma_semaphore, #tpu.memory_space<semaphore_mem>> -> memref<!tpu.dma_semaphore, #tpu.memory_space<semaphore_mem>>
        tpu.enqueue_indirect_dma source(%dma_start3A_582 : memref<10000x32xf32, #tpu.memory_space<hbm>>) target(%dma_start3A_576 : memref<128x32xf32, #tpu.memory_space<vmem>>) offsets(%dma_start3A_579 : memref<128xi32, #tpu.memory_space<vmem>>) semaphore(%dma_start3A_584 : memref<!tpu.dma_semaphore, #tpu.memory_space<semaphore_mem>>)
        %dma_wait3A_585 = arith.constant 5 : i32
        %dma_wait3A_586 = arith.constant 0 : i32
        %dma_wait3A_587 = arith.constant 5 : i32
        %dma_wait3A_588 = arith.constant 0 : i32
        %dma_wait3A_589 = arith.constant 0 : i32
        %dma_wait3A_590 = tpu.memref_slice %arg10[%dma_wait3A_585, %dma_wait3A_588, %dma_wait3A_589] : memref<6x128x32xf32, #tpu.memory_space<vmem>> -> memref<1x128x32xf32, #tpu.memory_space<vmem>>
        %dma_wait3A_591 = tpu.memref_squeeze %dma_wait3A_590 : memref<1x128x32xf32, #tpu.memory_space<vmem>> -> memref<128x32xf32, #tpu.memory_space<vmem>>
        %dma_wait3A_592 = arith.constant 0 : i32
        %dma_wait3A_593 = tpu.memref_slice %arg7[%dma_wait3A_586, %dma_wait3A_592] : memref<78x128xi32, #tpu.memory_space<vmem>> -> memref<1x128xi32, #tpu.memory_space<vmem>>
        %dma_wait3A_594 = tpu.memref_squeeze %dma_wait3A_593 : memref<1x128xi32, #tpu.memory_space<vmem>> -> memref<128xi32, #tpu.memory_space<vmem>>
        %dma_wait3A_595 = arith.constant 0 : i32
        %dma_wait3A_596 = arith.constant 0 : i32
        %dma_wait3A_597 = tpu.memref_slice %arg11[%dma_wait3A_595, %dma_wait3A_596] : memref<10112x32xf32, #tpu.memory_space<vmem_shared>> -> memref<10112x32xf32, #tpu.memory_space<vmem_shared>>
        %dma_wait3A_598 = tpu.memref_slice %arg13[%dma_wait3A_587] : memref<6x!tpu.dma_semaphore, #tpu.memory_space<semaphore_mem>> -> memref<1x!tpu.dma_semaphore, #tpu.memory_space<semaphore_mem>>
        %dma_wait3A_599 = tpu.memref_squeeze %dma_wait3A_598 : memref<1x!tpu.dma_semaphore, #tpu.memory_space<semaphore_mem>> -> memref<!tpu.dma_semaphore, #tpu.memory_space<semaphore_mem>>
        tpu.wait_indirect_dma semaphore(%dma_wait3A_599 : memref<!tpu.dma_semaphore, #tpu.memory_space<semaphore_mem>>) src(%dma_wait3A_591 : memref<128x32xf32, #tpu.memory_space<vmem>>) dst(%dma_wait3A_597 : memref<10112x32xf32, #tpu.memory_space<vmem_shared>>)
        %add3A_600 = arith.constant 1 : i32
        %add3A_601 = arith.addi %scan3A_205, %add3A_600 : i32
        %mul3A_602 = arith.constant 6 : i32
        %mul3A_603 = arith.muli %add3A_601, %mul3A_602 : i32
        %add3A_604 = arith.constant 5 : i32
        %add3A_605 = arith.addi %mul3A_603, %add3A_604 : i32
        %dma_start3A_606 = arith.constant 5 : i32
        %dma_start3A_607 = arith.constant 5 : i32
        %dma_start3A_608 = arith.constant 0 : i32
        %dma_start3A_609 = arith.constant 0 : i32
        %dma_start3A_610 = tpu.memref_slice %arg10[%dma_start3A_606, %dma_start3A_608, %dma_start3A_609] : memref<6x128x32xf32, #tpu.memory_space<vmem>> -> memref<1x128x32xf32, #tpu.memory_space<vmem>>
        %dma_start3A_611 = tpu.memref_squeeze %dma_start3A_610 : memref<1x128x32xf32, #tpu.memory_space<vmem>> -> memref<128x32xf32, #tpu.memory_space<vmem>>
        %dma_start3A_612 = arith.constant 0 : i32
        %dma_start3A_613 = tpu.memref_slice %arg6[%add3A_605, %dma_start3A_612] : memref<78x128xi32, #tpu.memory_space<vmem>> -> memref<1x128xi32, #tpu.memory_space<vmem>>
        %dma_start3A_614 = tpu.memref_squeeze %dma_start3A_613 : memref<1x128xi32, #tpu.memory_space<vmem>> -> memref<128xi32, #tpu.memory_space<vmem>>
        %dma_start3A_615 = arith.constant 0 : i32
        %dma_start3A_616 = arith.constant 0 : i32
        %dma_start3A_617 = tpu.memref_slice %arg3[%dma_start3A_615, %dma_start3A_616] : memref<10000x32xf32, #tpu.memory_space<hbm>> -> memref<10000x32xf32, #tpu.memory_space<hbm>>
        %dma_start3A_618 = tpu.memref_slice %arg12[%dma_start3A_607] : memref<6x!tpu.dma_semaphore, #tpu.memory_space<semaphore_mem>> -> memref<1x!tpu.dma_semaphore, #tpu.memory_space<semaphore_mem>>
        %dma_start3A_619 = tpu.memref_squeeze %dma_start3A_618 : memref<1x!tpu.dma_semaphore, #tpu.memory_space<semaphore_mem>> -> memref<!tpu.dma_semaphore, #tpu.memory_space<semaphore_mem>>
        tpu.enqueue_indirect_dma source(%dma_start3A_617 : memref<10000x32xf32, #tpu.memory_space<hbm>>) target(%dma_start3A_611 : memref<128x32xf32, #tpu.memory_space<vmem>>) offsets(%dma_start3A_614 : memref<128xi32, #tpu.memory_space<vmem>>) semaphore(%dma_start3A_619 : memref<!tpu.dma_semaphore, #tpu.memory_space<semaphore_mem>>)
      } else {
      }
    }
    %scan3A_105 = arith.constant 13 : i32
    %dma_wait3A = arith.constant 0 : i32
    %dma_wait3A_106 = arith.constant 0 : i32
    %dma_wait3A_107 = arith.constant 0 : i32
    %dma_wait3A_108 = arith.constant 0 : i32
    %dma_wait3A_109 = arith.constant 0 : i32
    %dma_wait3A_110 = tpu.memref_slice %arg10[%dma_wait3A, %dma_wait3A_108, %dma_wait3A_109] : memref<6x128x32xf32, #tpu.memory_space<vmem>> -> memref<1x128x32xf32, #tpu.memory_space<vmem>>
    %dma_wait3A_111 = tpu.memref_squeeze %dma_wait3A_110 : memref<1x128x32xf32, #tpu.memory_space<vmem>> -> memref<128x32xf32, #tpu.memory_space<vmem>>
    %dma_wait3A_112 = arith.constant 0 : i32
    %dma_wait3A_113 = tpu.memref_slice %arg7[%dma_wait3A_106, %dma_wait3A_112] : memref<78x128xi32, #tpu.memory_space<vmem>> -> memref<1x128xi32, #tpu.memory_space<vmem>>
    %dma_wait3A_114 = tpu.memref_squeeze %dma_wait3A_113 : memref<1x128xi32, #tpu.memory_space<vmem>> -> memref<128xi32, #tpu.memory_space<vmem>>
    %dma_wait3A_115 = arith.constant 0 : i32
    %dma_wait3A_116 = arith.constant 0 : i32
    %dma_wait3A_117 = tpu.memref_slice %arg11[%dma_wait3A_115, %dma_wait3A_116] : memref<10112x32xf32, #tpu.memory_space<vmem_shared>> -> memref<10112x32xf32, #tpu.memory_space<vmem_shared>>
    %dma_wait3A_118 = tpu.memref_slice %arg13[%dma_wait3A_107] : memref<6x!tpu.dma_semaphore, #tpu.memory_space<semaphore_mem>> -> memref<1x!tpu.dma_semaphore, #tpu.memory_space<semaphore_mem>>
    %dma_wait3A_119 = tpu.memref_squeeze %dma_wait3A_118 : memref<1x!tpu.dma_semaphore, #tpu.memory_space<semaphore_mem>> -> memref<!tpu.dma_semaphore, #tpu.memory_space<semaphore_mem>>
    tpu.wait_indirect_dma semaphore(%dma_wait3A_119 : memref<!tpu.dma_semaphore, #tpu.memory_space<semaphore_mem>>) src(%dma_wait3A_111 : memref<128x32xf32, #tpu.memory_space<vmem>>) dst(%dma_wait3A_117 : memref<10112x32xf32, #tpu.memory_space<vmem_shared>>)
    %dma_wait3A_120 = arith.constant 1 : i32
    %dma_wait3A_121 = arith.constant 0 : i32
    %dma_wait3A_122 = arith.constant 1 : i32
    %dma_wait3A_123 = arith.constant 0 : i32
    %dma_wait3A_124 = arith.constant 0 : i32
    %dma_wait3A_125 = tpu.memref_slice %arg10[%dma_wait3A_120, %dma_wait3A_123, %dma_wait3A_124] : memref<6x128x32xf32, #tpu.memory_space<vmem>> -> memref<1x128x32xf32, #tpu.memory_space<vmem>>
    %dma_wait3A_126 = tpu.memref_squeeze %dma_wait3A_125 : memref<1x128x32xf32, #tpu.memory_space<vmem>> -> memref<128x32xf32, #tpu.memory_space<vmem>>
    %dma_wait3A_127 = arith.constant 0 : i32
    %dma_wait3A_128 = tpu.memref_slice %arg7[%dma_wait3A_121, %dma_wait3A_127] : memref<78x128xi32, #tpu.memory_space<vmem>> -> memref<1x128xi32, #tpu.memory_space<vmem>>
    %dma_wait3A_129 = tpu.memref_squeeze %dma_wait3A_128 : memref<1x128xi32, #tpu.memory_space<vmem>> -> memref<128xi32, #tpu.memory_space<vmem>>
    %dma_wait3A_130 = arith.constant 0 : i32
    %dma_wait3A_131 = arith.constant 0 : i32
    %dma_wait3A_132 = tpu.memref_slice %arg11[%dma_wait3A_130, %dma_wait3A_131] : memref<10112x32xf32, #tpu.memory_space<vmem_shared>> -> memref<10112x32xf32, #tpu.memory_space<vmem_shared>>
    %dma_wait3A_133 = tpu.memref_slice %arg13[%dma_wait3A_122] : memref<6x!tpu.dma_semaphore, #tpu.memory_space<semaphore_mem>> -> memref<1x!tpu.dma_semaphore, #tpu.memory_space<semaphore_mem>>
    %dma_wait3A_134 = tpu.memref_squeeze %dma_wait3A_133 : memref<1x!tpu.dma_semaphore, #tpu.memory_space<semaphore_mem>> -> memref<!tpu.dma_semaphore, #tpu.memory_space<semaphore_mem>>
    tpu.wait_indirect_dma semaphore(%dma_wait3A_134 : memref<!tpu.dma_semaphore, #tpu.memory_space<semaphore_mem>>) src(%dma_wait3A_126 : memref<128x32xf32, #tpu.memory_space<vmem>>) dst(%dma_wait3A_132 : memref<10112x32xf32, #tpu.memory_space<vmem_shared>>)
    %dma_wait3A_135 = arith.constant 2 : i32
    %dma_wait3A_136 = arith.constant 0 : i32
    %dma_wait3A_137 = arith.constant 2 : i32
    %dma_wait3A_138 = arith.constant 0 : i32
    %dma_wait3A_139 = arith.constant 0 : i32
    %dma_wait3A_140 = tpu.memref_slice %arg10[%dma_wait3A_135, %dma_wait3A_138, %dma_wait3A_139] : memref<6x128x32xf32, #tpu.memory_space<vmem>> -> memref<1x128x32xf32, #tpu.memory_space<vmem>>
    %dma_wait3A_141 = tpu.memref_squeeze %dma_wait3A_140 : memref<1x128x32xf32, #tpu.memory_space<vmem>> -> memref<128x32xf32, #tpu.memory_space<vmem>>
    %dma_wait3A_142 = arith.constant 0 : i32
    %dma_wait3A_143 = tpu.memref_slice %arg7[%dma_wait3A_136, %dma_wait3A_142] : memref<78x128xi32, #tpu.memory_space<vmem>> -> memref<1x128xi32, #tpu.memory_space<vmem>>
    %dma_wait3A_144 = tpu.memref_squeeze %dma_wait3A_143 : memref<1x128xi32, #tpu.memory_space<vmem>> -> memref<128xi32, #tpu.memory_space<vmem>>
    %dma_wait3A_145 = arith.constant 0 : i32
    %dma_wait3A_146 = arith.constant 0 : i32
    %dma_wait3A_147 = tpu.memref_slice %arg11[%dma_wait3A_145, %dma_wait3A_146] : memref<10112x32xf32, #tpu.memory_space<vmem_shared>> -> memref<10112x32xf32, #tpu.memory_space<vmem_shared>>
    %dma_wait3A_148 = tpu.memref_slice %arg13[%dma_wait3A_137] : memref<6x!tpu.dma_semaphore, #tpu.memory_space<semaphore_mem>> -> memref<1x!tpu.dma_semaphore, #tpu.memory_space<semaphore_mem>>
    %dma_wait3A_149 = tpu.memref_squeeze %dma_wait3A_148 : memref<1x!tpu.dma_semaphore, #tpu.memory_space<semaphore_mem>> -> memref<!tpu.dma_semaphore, #tpu.memory_space<semaphore_mem>>
    tpu.wait_indirect_dma semaphore(%dma_wait3A_149 : memref<!tpu.dma_semaphore, #tpu.memory_space<semaphore_mem>>) src(%dma_wait3A_141 : memref<128x32xf32, #tpu.memory_space<vmem>>) dst(%dma_wait3A_147 : memref<10112x32xf32, #tpu.memory_space<vmem_shared>>)
    %dma_wait3A_150 = arith.constant 3 : i32
    %dma_wait3A_151 = arith.constant 0 : i32
    %dma_wait3A_152 = arith.constant 3 : i32
    %dma_wait3A_153 = arith.constant 0 : i32
    %dma_wait3A_154 = arith.constant 0 : i32
    %dma_wait3A_155 = tpu.memref_slice %arg10[%dma_wait3A_150, %dma_wait3A_153, %dma_wait3A_154] : memref<6x128x32xf32, #tpu.memory_space<vmem>> -> memref<1x128x32xf32, #tpu.memory_space<vmem>>
    %dma_wait3A_156 = tpu.memref_squeeze %dma_wait3A_155 : memref<1x128x32xf32, #tpu.memory_space<vmem>> -> memref<128x32xf32, #tpu.memory_space<vmem>>
    %dma_wait3A_157 = arith.constant 0 : i32
    %dma_wait3A_158 = tpu.memref_slice %arg7[%dma_wait3A_151, %dma_wait3A_157] : memref<78x128xi32, #tpu.memory_space<vmem>> -> memref<1x128xi32, #tpu.memory_space<vmem>>
    %dma_wait3A_159 = tpu.memref_squeeze %dma_wait3A_158 : memref<1x128xi32, #tpu.memory_space<vmem>> -> memref<128xi32, #tpu.memory_space<vmem>>
    %dma_wait3A_160 = arith.constant 0 : i32
    %dma_wait3A_161 = arith.constant 0 : i32
    %dma_wait3A_162 = tpu.memref_slice %arg11[%dma_wait3A_160, %dma_wait3A_161] : memref<10112x32xf32, #tpu.memory_space<vmem_shared>> -> memref<10112x32xf32, #tpu.memory_space<vmem_shared>>
    %dma_wait3A_163 = tpu.memref_slice %arg13[%dma_wait3A_152] : memref<6x!tpu.dma_semaphore, #tpu.memory_space<semaphore_mem>> -> memref<1x!tpu.dma_semaphore, #tpu.memory_space<semaphore_mem>>
    %dma_wait3A_164 = tpu.memref_squeeze %dma_wait3A_163 : memref<1x!tpu.dma_semaphore, #tpu.memory_space<semaphore_mem>> -> memref<!tpu.dma_semaphore, #tpu.memory_space<semaphore_mem>>
    tpu.wait_indirect_dma semaphore(%dma_wait3A_164 : memref<!tpu.dma_semaphore, #tpu.memory_space<semaphore_mem>>) src(%dma_wait3A_156 : memref<128x32xf32, #tpu.memory_space<vmem>>) dst(%dma_wait3A_162 : memref<10112x32xf32, #tpu.memory_space<vmem_shared>>)
    %dma_wait3A_165 = arith.constant 4 : i32
    %dma_wait3A_166 = arith.constant 0 : i32
    %dma_wait3A_167 = arith.constant 4 : i32
    %dma_wait3A_168 = arith.constant 0 : i32
    %dma_wait3A_169 = arith.constant 0 : i32
    %dma_wait3A_170 = tpu.memref_slice %arg10[%dma_wait3A_165, %dma_wait3A_168, %dma_wait3A_169] : memref<6x128x32xf32, #tpu.memory_space<vmem>> -> memref<1x128x32xf32, #tpu.memory_space<vmem>>
    %dma_wait3A_171 = tpu.memref_squeeze %dma_wait3A_170 : memref<1x128x32xf32, #tpu.memory_space<vmem>> -> memref<128x32xf32, #tpu.memory_space<vmem>>
    %dma_wait3A_172 = arith.constant 0 : i32
    %dma_wait3A_173 = tpu.memref_slice %arg7[%dma_wait3A_166, %dma_wait3A_172] : memref<78x128xi32, #tpu.memory_space<vmem>> -> memref<1x128xi32, #tpu.memory_space<vmem>>
    %dma_wait3A_174 = tpu.memref_squeeze %dma_wait3A_173 : memref<1x128xi32, #tpu.memory_space<vmem>> -> memref<128xi32, #tpu.memory_space<vmem>>
    %dma_wait3A_175 = arith.constant 0 : i32
    %dma_wait3A_176 = arith.constant 0 : i32
    %dma_wait3A_177 = tpu.memref_slice %arg11[%dma_wait3A_175, %dma_wait3A_176] : memref<10112x32xf32, #tpu.memory_space<vmem_shared>> -> memref<10112x32xf32, #tpu.memory_space<vmem_shared>>
    %dma_wait3A_178 = tpu.memref_slice %arg13[%dma_wait3A_167] : memref<6x!tpu.dma_semaphore, #tpu.memory_space<semaphore_mem>> -> memref<1x!tpu.dma_semaphore, #tpu.memory_space<semaphore_mem>>
    %dma_wait3A_179 = tpu.memref_squeeze %dma_wait3A_178 : memref<1x!tpu.dma_semaphore, #tpu.memory_space<semaphore_mem>> -> memref<!tpu.dma_semaphore, #tpu.memory_space<semaphore_mem>>
    tpu.wait_indirect_dma semaphore(%dma_wait3A_179 : memref<!tpu.dma_semaphore, #tpu.memory_space<semaphore_mem>>) src(%dma_wait3A_171 : memref<128x32xf32, #tpu.memory_space<vmem>>) dst(%dma_wait3A_177 : memref<10112x32xf32, #tpu.memory_space<vmem_shared>>)
    %dma_wait3A_180 = arith.constant 5 : i32
    %dma_wait3A_181 = arith.constant 0 : i32
    %dma_wait3A_182 = arith.constant 5 : i32
    %dma_wait3A_183 = arith.constant 0 : i32
    %dma_wait3A_184 = arith.constant 0 : i32
    %dma_wait3A_185 = tpu.memref_slice %arg10[%dma_wait3A_180, %dma_wait3A_183, %dma_wait3A_184] : memref<6x128x32xf32, #tpu.memory_space<vmem>> -> memref<1x128x32xf32, #tpu.memory_space<vmem>>
    %dma_wait3A_186 = tpu.memref_squeeze %dma_wait3A_185 : memref<1x128x32xf32, #tpu.memory_space<vmem>> -> memref<128x32xf32, #tpu.memory_space<vmem>>
    %dma_wait3A_187 = arith.constant 0 : i32
    %dma_wait3A_188 = tpu.memref_slice %arg7[%dma_wait3A_181, %dma_wait3A_187] : memref<78x128xi32, #tpu.memory_space<vmem>> -> memref<1x128xi32, #tpu.memory_space<vmem>>
    %dma_wait3A_189 = tpu.memref_squeeze %dma_wait3A_188 : memref<1x128xi32, #tpu.memory_space<vmem>> -> memref<128xi32, #tpu.memory_space<vmem>>
    %dma_wait3A_190 = arith.constant 0 : i32
    %dma_wait3A_191 = arith.constant 0 : i32
    %dma_wait3A_192 = tpu.memref_slice %arg11[%dma_wait3A_190, %dma_wait3A_191] : memref<10112x32xf32, #tpu.memory_space<vmem_shared>> -> memref<10112x32xf32, #tpu.memory_space<vmem_shared>>
    %dma_wait3A_193 = tpu.memref_slice %arg13[%dma_wait3A_182] : memref<6x!tpu.dma_semaphore, #tpu.memory_space<semaphore_mem>> -> memref<1x!tpu.dma_semaphore, #tpu.memory_space<semaphore_mem>>
    %dma_wait3A_194 = tpu.memref_squeeze %dma_wait3A_193 : memref<1x!tpu.dma_semaphore, #tpu.memory_space<semaphore_mem>> -> memref<!tpu.dma_semaphore, #tpu.memory_space<semaphore_mem>>
    tpu.wait_indirect_dma semaphore(%dma_wait3A_194 : memref<!tpu.dma_semaphore, #tpu.memory_space<semaphore_mem>>) src(%dma_wait3A_186 : memref<128x32xf32, #tpu.memory_space<vmem>>) dst(%dma_wait3A_192 : memref<10112x32xf32, #tpu.memory_space<vmem_shared>>)
    %convert_element_type3A_195 = arith.extui %ge3A_1 : i1 to i32
    %cond3A_196 = arith.constant 0 : i32
    %cond3A_197 = arith.cmpi ne, %convert_element_type3A_195, %cond3A_196 : i32
    scf.if %cond3A_197 {
      %dma_start3A_205 = arith.constant 0 : i32
      %dma_start3A_206 = arith.constant 0 : i32
      %dma_start3A_207 = arith.constant 0 : i32
      %dma_start3A_208 = arith.constant 0 : i32
      %dma_start3A_209 = arith.constant 0 : i32
      %dma_start3A_210 = tpu.memref_slice %arg10[%dma_start3A_206, %dma_start3A_208, %dma_start3A_209] : memref<6x128x32xf32, #tpu.memory_space<vmem>> -> memref<1x128x32xf32, #tpu.memory_space<vmem>>
      %dma_start3A_211 = tpu.memref_squeeze %dma_start3A_210 : memref<1x128x32xf32, #tpu.memory_space<vmem>> -> memref<128x32xf32, #tpu.memory_space<vmem>>
      %dma_start3A_212 = arith.constant 0 : i32
      %dma_start3A_213 = tpu.memref_slice %arg8[%dma_start3A_205, %dma_start3A_212] : memref<1x128xi32, #tpu.memory_space<vmem>> -> memref<1x128xi32, #tpu.memory_space<vmem>>
      %dma_start3A_214 = tpu.memref_squeeze %dma_start3A_213 : memref<1x128xi32, #tpu.memory_space<vmem>> -> memref<128xi32, #tpu.memory_space<vmem>>
      %dma_start3A_215 = arith.constant 0 : i32
      %dma_start3A_216 = arith.constant 0 : i32
      %dma_start3A_217 = tpu.memref_slice %arg3[%dma_start3A_215, %dma_start3A_216] : memref<10000x32xf32, #tpu.memory_space<hbm>> -> memref<10000x32xf32, #tpu.memory_space<hbm>>
      %dma_start3A_218 = tpu.memref_slice %arg12[%dma_start3A_207] : memref<6x!tpu.dma_semaphore, #tpu.memory_space<semaphore_mem>> -> memref<1x!tpu.dma_semaphore, #tpu.memory_space<semaphore_mem>>
      %dma_start3A_219 = tpu.memref_squeeze %dma_start3A_218 : memref<1x!tpu.dma_semaphore, #tpu.memory_space<semaphore_mem>> -> memref<!tpu.dma_semaphore, #tpu.memory_space<semaphore_mem>>
      tpu.enqueue_indirect_dma source(%dma_start3A_217 : memref<10000x32xf32, #tpu.memory_space<hbm>>) target(%dma_start3A_211 : memref<128x32xf32, #tpu.memory_space<vmem>>) offsets(%dma_start3A_214 : memref<128xi32, #tpu.memory_space<vmem>>) semaphore(%dma_start3A_219 : memref<!tpu.dma_semaphore, #tpu.memory_space<semaphore_mem>>)
      %dma_wait3A_220 = arith.constant 0 : i32
      %dma_wait3A_221 = arith.constant 0 : i32
      %dma_wait3A_222 = arith.constant 0 : i32
      %dma_wait3A_223 = arith.constant 0 : i32
      %dma_wait3A_224 = arith.constant 0 : i32
      %dma_wait3A_225 = tpu.memref_slice %arg10[%dma_wait3A_221, %dma_wait3A_223, %dma_wait3A_224] : memref<6x128x32xf32, #tpu.memory_space<vmem>> -> memref<1x128x32xf32, #tpu.memory_space<vmem>>
      %dma_wait3A_226 = tpu.memref_squeeze %dma_wait3A_225 : memref<1x128x32xf32, #tpu.memory_space<vmem>> -> memref<128x32xf32, #tpu.memory_space<vmem>>
      %dma_wait3A_227 = arith.constant 0 : i32
      %dma_wait3A_228 = tpu.memref_slice %arg8[%dma_wait3A_220, %dma_wait3A_227] : memref<1x128xi32, #tpu.memory_space<vmem>> -> memref<1x128xi32, #tpu.memory_space<vmem>>
      %dma_wait3A_229 = tpu.memref_squeeze %dma_wait3A_228 : memref<1x128xi32, #tpu.memory_space<vmem>> -> memref<128xi32, #tpu.memory_space<vmem>>
      %dma_wait3A_230 = arith.constant 0 : i32
      %dma_wait3A_231 = arith.constant 0 : i32
      %dma_wait3A_232 = tpu.memref_slice %arg3[%dma_wait3A_230, %dma_wait3A_231] : memref<10000x32xf32, #tpu.memory_space<hbm>> -> memref<10000x32xf32, #tpu.memory_space<hbm>>
      %dma_wait3A_233 = tpu.memref_slice %arg12[%dma_wait3A_222] : memref<6x!tpu.dma_semaphore, #tpu.memory_space<semaphore_mem>> -> memref<1x!tpu.dma_semaphore, #tpu.memory_space<semaphore_mem>>
      %dma_wait3A_234 = tpu.memref_squeeze %dma_wait3A_233 : memref<1x!tpu.dma_semaphore, #tpu.memory_space<semaphore_mem>> -> memref<!tpu.dma_semaphore, #tpu.memory_space<semaphore_mem>>
      tpu.wait_indirect_dma semaphore(%dma_wait3A_234 : memref<!tpu.dma_semaphore, #tpu.memory_space<semaphore_mem>>) src(%dma_wait3A_232 : memref<10000x32xf32, #tpu.memory_space<hbm>>) dst(%dma_wait3A_226 : memref<128x32xf32, #tpu.memory_space<vmem>>)
      %run_scoped3A_235 = arith.constant 0 : i32
      %run_scoped3A_236 = arith.constant 0 : i32
      "tpu.region"() ({
        %run_scoped3A_237 = tpu.sem_alloc : memref<!tpu.dma_semaphore, #tpu.memory_space<semaphore_mem>>
        %dma_start3A_238 = arith.constant 0 : i32
        %dma_start3A_239 = arith.constant 0 : i32
        %dma_start3A_240 = tpu.memref_slice %arg10[%run_scoped3A_235, %dma_start3A_238, %dma_start3A_239] : memref<6x128x32xf32, #tpu.memory_space<vmem>> -> memref<1x128x32xf32, #tpu.memory_space<vmem>>
        %dma_start3A_241 = tpu.memref_squeeze %dma_start3A_240 : memref<1x128x32xf32, #tpu.memory_space<vmem>> -> memref<128x32xf32, #tpu.memory_space<vmem>>
        %dma_start3A_242 = arith.constant 0 : i32
        %dma_start3A_243 = tpu.memref_slice %arg9[%run_scoped3A_236, %dma_start3A_242] : memref<1x128xi32, #tpu.memory_space<vmem>> -> memref<1x128xi32, #tpu.memory_space<vmem>>
        %dma_start3A_244 = tpu.memref_squeeze %dma_start3A_243 : memref<1x128xi32, #tpu.memory_space<vmem>> -> memref<128xi32, #tpu.memory_space<vmem>>
        %dma_start3A_245 = arith.constant 0 : i32
        %dma_start3A_246 = arith.constant 0 : i32
        %dma_start3A_247 = tpu.memref_slice %arg11[%dma_start3A_245, %dma_start3A_246] : memref<10112x32xf32, #tpu.memory_space<vmem_shared>> -> memref<10112x32xf32, #tpu.memory_space<vmem_shared>>
        tpu.enqueue_indirect_dma source(%dma_start3A_241 : memref<128x32xf32, #tpu.memory_space<vmem>>) target(%dma_start3A_247 : memref<10112x32xf32, #tpu.memory_space<vmem_shared>>) offsets(%dma_start3A_244 : memref<128xi32, #tpu.memory_space<vmem>>) semaphore(%run_scoped3A_237 : memref<!tpu.dma_semaphore, #tpu.memory_space<semaphore_mem>>) {add = true}
        %dma_wait3A_248 = arith.constant 0 : i32
        %dma_wait3A_249 = arith.constant 0 : i32
        %dma_wait3A_250 = tpu.memref_slice %arg10[%run_scoped3A_235, %dma_wait3A_248, %dma_wait3A_249] : memref<6x128x32xf32, #tpu.memory_space<vmem>> -> memref<1x128x32xf32, #tpu.memory_space<vmem>>
        %dma_wait3A_251 = tpu.memref_squeeze %dma_wait3A_250 : memref<1x128x32xf32, #tpu.memory_space<vmem>> -> memref<128x32xf32, #tpu.memory_space<vmem>>
        %dma_wait3A_252 = arith.constant 0 : i32
        %dma_wait3A_253 = tpu.memref_slice %arg9[%run_scoped3A_236, %dma_wait3A_252] : memref<1x128xi32, #tpu.memory_space<vmem>> -> memref<1x128xi32, #tpu.memory_space<vmem>>
        %dma_wait3A_254 = tpu.memref_squeeze %dma_wait3A_253 : memref<1x128xi32, #tpu.memory_space<vmem>> -> memref<128xi32, #tpu.memory_space<vmem>>
        %dma_wait3A_255 = arith.constant 0 : i32
        %dma_wait3A_256 = arith.constant 0 : i32
        %dma_wait3A_257 = tpu.memref_slice %arg11[%dma_wait3A_255, %dma_wait3A_256] : memref<10112x32xf32, #tpu.memory_space<vmem_shared>> -> memref<10112x32xf32, #tpu.memory_space<vmem_shared>>
        tpu.wait_indirect_dma semaphore(%run_scoped3A_237 : memref<!tpu.dma_semaphore, #tpu.memory_space<semaphore_mem>>) src(%dma_wait3A_251 : memref<128x32xf32, #tpu.memory_space<vmem>>) dst(%dma_wait3A_257 : memref<10112x32xf32, #tpu.memory_space<vmem_shared>>)
        tpu.yield
      }) : () -> ()
    } else {
    }
    %barrier3A_198 = arith.constant 0 : index
    tpu.barrier barrier_id(%barrier3A_198)
    %mul3A_199 = arith.constant 632 : i32
    %mul3A_200 = arith.muli %arg1, %mul3A_199 : i32
    %mul3A_201 = arith.constant 632 : i32
    %mul3A_202 = arith.muli %arg1, %mul3A_201 : i32
    %mul3A_203 = arith.constant 32 : i32
    %mul3A_204 = arith.muli %arg0, %mul3A_203 : i32
    "tpu.region"() ({
      %run_scoped3A_205 = tpu.sem_alloc : memref<!tpu.dma_semaphore, #tpu.memory_space<semaphore_mem>>
      %dma_start3A_206 = tpu.memref_slice %arg5[%mul3A_202, %mul3A_204] : memref<10112x128xf32, #tpu.memory_space<hbm>> -> memref<632x32xf32, #tpu.memory_space<hbm>>
      %dma_start3A_207 = arith.constant 0 : i32
      %dma_start3A_208 = tpu.memref_slice %arg11[%mul3A_200, %dma_start3A_207] : memref<10112x32xf32, #tpu.memory_space<vmem_shared>> -> memref<632x32xf32, #tpu.memory_space<vmem_shared>>
      tpu.enqueue_dma source(%dma_start3A_208 : memref<632x32xf32, #tpu.memory_space<vmem_shared>>) target(%dma_start3A_206 : memref<632x32xf32, #tpu.memory_space<hbm>>) target_semaphore(%run_scoped3A_205 : memref<!tpu.dma_semaphore, #tpu.memory_space<semaphore_mem>>)
      %dma_wait3A_209 = tpu.memref_slice %arg5[%mul3A_202, %mul3A_204] : memref<10112x128xf32, #tpu.memory_space<hbm>> -> memref<632x32xf32, #tpu.memory_space<hbm>>
      %dma_wait3A_210 = arith.constant 0 : i32
      %dma_wait3A_211 = tpu.memref_slice %arg11[%mul3A_200, %dma_wait3A_210] : memref<10112x32xf32, #tpu.memory_space<vmem_shared>> -> memref<632x32xf32, #tpu.memory_space<vmem_shared>>
      tpu.wait_dma2 semaphore(%run_scoped3A_205 : memref<!tpu.dma_semaphore, #tpu.memory_space<semaphore_mem>>) src(%dma_wait3A_211 : memref<632x32xf32, #tpu.memory_space<vmem_shared>>) dst(%dma_wait3A_209 : memref<632x32xf32, #tpu.memory_space<hbm>>)
      tpu.yield
    }) : () -> ()
    return
  }
}

module attributes {stable_mosaic.version = 14 : i64} {
  func.func @_tc_a_body(%arg0: memref<10112x128xf32, #tpu.memory_space<vmem>>, %arg1: memref<10000x128xf32, #tpu.memory_space<vmem>>, %arg2: memref<128x64xf32, #tpu.memory_space<vmem>>, %arg3: memref<10000x1xf32, #tpu.memory_space<vmem>>, %arg4: memref<10000x64xf32, #tpu.memory_space<vmem>>) attributes {dimension_semantics = [], scalar_prefetch = 0 : i64, scratch_operands = 0 : i64, tpu.core_type = #tpu.core_type<tc>} {
    %get3A = arith.constant 0 : index
    %get3A_0 = arith.constant 0 : index
    %get3A_1 = vector.load %arg0[%get3A, %get3A_0] : memref<10112x128xf32, #tpu.memory_space<vmem>>, vector<10000x1xf32>
    %get3A_2 = arith.constant 0 : index
    %get3A_3 = arith.constant 16 : index
    %get3A_4 = vector.load %arg0[%get3A_2, %get3A_3] : memref<10112x128xf32, #tpu.memory_space<vmem>>, vector<10000x1xf32>
    %add3A = arith.addf %get3A_1, %get3A_4 : vector<10000x1xf32>
    %add3A_5 = arith.constant 1.000000e+00 : f32
    %add3A_6 = vector.broadcast %add3A_5 : f32 to vector<10000x1xf32>
    %add3A_7 = arith.addf %add3A, %add3A_6 : vector<10000x1xf32>
    %rsqrt3A = math.rsqrt %add3A_7 : vector<10000x1xf32>
    %swap3A = arith.constant 0 : index
    %swap3A_8 = arith.constant 0 : index
    %swap3A_9 = vector.load %arg3[%swap3A, %swap3A_8] : memref<10000x1xf32, #tpu.memory_space<vmem>>, vector<10000x1xf32>
    tpu.vector_store %arg3[%swap3A, %swap3A_8], %rsqrt3A {strides = array<i32>} : memref<10000x1xf32, #tpu.memory_space<vmem>>, vector<10000x1xf32>,
    %get3A_10 = arith.constant 0 : index
    %get3A_11 = arith.constant 0 : index
    %get3A_12 = vector.load %arg1[%get3A_10, %get3A_11] : memref<10000x128xf32, #tpu.memory_space<vmem>>, vector<10000x128xf32>
    %mul3A = vector.broadcast %rsqrt3A : vector<10000x1xf32> to vector<10000x128xf32>
    %mul3A_13 = arith.mulf %get3A_12, %mul3A : vector<10000x128xf32>
    %get3A_14 = arith.constant 0 : index
    %get3A_15 = arith.constant 0 : index
    %get3A_16 = vector.load %arg2[%get3A_14, %get3A_15] : memref<128x64xf32, #tpu.memory_space<vmem>>, vector<128x64xf32>
    %dot_general3A = arith.constant dense<0.000000e+00> : vector<10000x64xf32>
    %dot_general3A_17 = tpu.matmul %mul3A_13, %get3A_16, %dot_general3A {dimension_numbers = #tpu.dot_dimension_numbers<[1], [0], [0], [1], [0, 0, 1, 1], [], []>, precision = #tpu.contract_precision<fp32>, transpose_lhs_hint = false} : vector<10000x128xf32>, vector<128x64xf32>, vector<10000x64xf32> -> vector<10000x64xf32>
    %swap3A_18 = arith.constant 0 : index
    %swap3A_19 = arith.constant 0 : index
    %swap3A_20 = vector.load %arg4[%swap3A_18, %swap3A_19] : memref<10000x64xf32, #tpu.memory_space<vmem>>, vector<10000x64xf32>
    tpu.vector_store %arg4[%swap3A_18, %swap3A_19], %dot_general3A_17 {strides = array<i32>} : memref<10000x64xf32, #tpu.memory_space<vmem>>, vector<10000x64xf32>,
    return
  }
}

module attributes {stable_mosaic.version = 14 : i64} {
  func.func @_tc_b_body(%arg0: memref<10112x128xf32, #tpu.memory_space<vmem>>, %arg1: memref<10000x64xf32, #tpu.memory_space<vmem>>, %arg2: memref<10000x1xf32, #tpu.memory_space<vmem>>, %arg3: memref<1x64xf32, #tpu.memory_space<vmem>>, %arg4: memref<1x64xf32, #tpu.memory_space<vmem>>, %arg5: memref<1x64xf32, #tpu.memory_space<vmem>>, %arg6: memref<64x32xf32, #tpu.memory_space<vmem>>, %arg7: memref<10000x32xf32, #tpu.memory_space<vmem>>) attributes {dimension_semantics = [], scalar_prefetch = 0 : i64, scratch_operands = 0 : i64, tpu.core_type = #tpu.core_type<tc>} {
    %get3A = arith.constant 0 : index
    %get3A_0 = arith.constant 0 : index
    %get3A_1 = vector.load %arg0[%get3A, %get3A_0] : memref<10112x128xf32, #tpu.memory_space<vmem>>, vector<10000x64xf32>
    %get3A_2 = arith.constant 0 : index
    %get3A_3 = arith.constant 64 : index
    %get3A_4 = vector.load %arg0[%get3A_2, %get3A_3] : memref<10112x128xf32, #tpu.memory_space<vmem>>, vector<10000x64xf32>
    %add3A = arith.addf %get3A_1, %get3A_4 : vector<10000x64xf32>
    %get3A_5 = arith.constant 0 : index
    %get3A_6 = arith.constant 0 : index
    %get3A_7 = vector.load %arg2[%get3A_5, %get3A_6] : memref<10000x1xf32, #tpu.memory_space<vmem>>, vector<10000x1xf32>
    %get3A_8 = arith.constant 0 : index
    %get3A_9 = arith.constant 0 : index
    %get3A_10 = vector.load %arg1[%get3A_8, %get3A_9] : memref<10000x64xf32, #tpu.memory_space<vmem>>, vector<10000x64xf32>
    %add3A_11 = arith.addf %add3A, %get3A_10 : vector<10000x64xf32>
    %mul3A = vector.broadcast %get3A_7 : vector<10000x1xf32> to vector<10000x64xf32>
    %mul3A_12 = arith.mulf %mul3A, %add3A_11 : vector<10000x64xf32>
    %get3A_13 = arith.constant 0 : index
    %get3A_14 = arith.constant 0 : index
    %get3A_15 = vector.load %arg3[%get3A_13, %get3A_14] : memref<1x64xf32, #tpu.memory_space<vmem>>, vector<1x64xf32>
    %add3A_16 = vector.broadcast %get3A_15 : vector<1x64xf32> to vector<10000x64xf32>
    %add3A_17 = arith.addf %mul3A_12, %add3A_16 : vector<10000x64xf32>
    %ge3A = arith.constant 0.000000e+00 : f32
    %ge3A_18 = vector.broadcast %ge3A : f32 to vector<10000x64xf32>
    %ge3A_19 = arith.cmpf oge, %add3A_17, %ge3A_18 : vector<10000x64xf32>
    %mul3A_20 = arith.constant 0.00999999977 : f32
    %mul3A_21 = vector.broadcast %mul3A_20 : f32 to vector<10000x64xf32>
    %mul3A_22 = arith.mulf %mul3A_21, %add3A_17 : vector<10000x64xf32>
    %select_n3A = arith.select %ge3A_19, %add3A_17, %mul3A_22 : vector<10000x64xi1>, vector<10000x64xf32>
    %get3A_23 = arith.constant 0 : index
    %get3A_24 = arith.constant 0 : index
    %get3A_25 = vector.load %arg4[%get3A_23, %get3A_24] : memref<1x64xf32, #tpu.memory_space<vmem>>, vector<1x64xf32>
    %get3A_26 = arith.constant 0 : index
    %get3A_27 = arith.constant 0 : index
    %get3A_28 = vector.load %arg5[%get3A_26, %get3A_27] : memref<1x64xf32, #tpu.memory_space<vmem>>, vector<1x64xf32>
    %reduce_sum3A = arith.constant dense<0.000000e+00> : vector<64xf32>
    %reduce_sum3A_29 = vector.multi_reduction <add>, %select_n3A, %reduce_sum3A [0] : vector<10000x64xf32> to vector<64xf32>
    %broadcast_in_dim3A = vector.shape_cast %reduce_sum3A_29 : vector<64xf32> to vector<1x64xf32>
    %div3A = arith.constant 1.000000e+04 : f32
    %div3A_30 = vector.broadcast %div3A : f32 to vector<1x64xf32>
    %div3A_31 = arith.divf %broadcast_in_dim3A, %div3A_30 : vector<1x64xf32>
    %sub3A = vector.broadcast %div3A_31 : vector<1x64xf32> to vector<10000x64xf32>
    %sub3A_32 = arith.subf %select_n3A, %sub3A : vector<10000x64xf32>
    %sub3A_33 = vector.broadcast %div3A_31 : vector<1x64xf32> to vector<10000x64xf32>
    %sub3A_34 = arith.subf %select_n3A, %sub3A_33 : vector<10000x64xf32>
    %mul3A_35 = arith.mulf %sub3A_32, %sub3A_34 : vector<10000x64xf32>
    %reduce_sum3A_36 = arith.constant dense<0.000000e+00> : vector<64xf32>
    %reduce_sum3A_37 = vector.multi_reduction <add>, %mul3A_35, %reduce_sum3A_36 [0] : vector<10000x64xf32> to vector<64xf32>
    %broadcast_in_dim3A_38 = vector.shape_cast %reduce_sum3A_37 : vector<64xf32> to vector<1x64xf32>
    %div3A_39 = arith.constant 1.000000e+04 : f32
    %div3A_40 = vector.broadcast %div3A_39 : f32 to vector<1x64xf32>
    %div3A_41 = arith.divf %broadcast_in_dim3A_38, %div3A_40 : vector<1x64xf32>
    %sub3A_42 = vector.broadcast %div3A_31 : vector<1x64xf32> to vector<10000x64xf32>
    %sub3A_43 = arith.subf %select_n3A, %sub3A_42 : vector<10000x64xf32>
    %add3A_44 = arith.constant 9.99999974E-6 : f32
    %add3A_45 = vector.broadcast %add3A_44 : f32 to vector<1x64xf32>
    %add3A_46 = arith.addf %div3A_41, %add3A_45 : vector<1x64xf32>
    %rsqrt3A = math.rsqrt %add3A_46 : vector<1x64xf32>
    %mul3A_47 = vector.broadcast %rsqrt3A : vector<1x64xf32> to vector<10000x64xf32>
    %mul3A_48 = arith.mulf %sub3A_43, %mul3A_47 : vector<10000x64xf32>
    %mul3A_49 = vector.broadcast %get3A_25 : vector<1x64xf32> to vector<10000x64xf32>
    %mul3A_50 = arith.mulf %mul3A_48, %mul3A_49 : vector<10000x64xf32>
    %add3A_51 = vector.broadcast %get3A_28 : vector<1x64xf32> to vector<10000x64xf32>
    %add3A_52 = arith.addf %mul3A_50, %add3A_51 : vector<10000x64xf32>
    %mul3A_53 = vector.broadcast %get3A_7 : vector<10000x1xf32> to vector<10000x64xf32>
    %mul3A_54 = arith.mulf %add3A_52, %mul3A_53 : vector<10000x64xf32>
    %get3A_55 = arith.constant 0 : index
    %get3A_56 = arith.constant 0 : index
    %get3A_57 = vector.load %arg6[%get3A_55, %get3A_56] : memref<64x32xf32, #tpu.memory_space<vmem>>, vector<64x32xf32>
    %dot_general3A = arith.constant dense<0.000000e+00> : vector<10000x32xf32>
    %dot_general3A_58 = tpu.matmul %mul3A_54, %get3A_57, %dot_general3A {dimension_numbers = #tpu.dot_dimension_numbers<[1], [0], [0], [1], [0, 0, 1, 1], [], []>, precision = #tpu.contract_precision<fp32>, transpose_lhs_hint = false} : vector<10000x64xf32>, vector<64x32xf32>, vector<10000x32xf32> -> vector<10000x32xf32>
    %swap3A = arith.constant 0 : index
    %swap3A_59 = arith.constant 0 : index
    %swap3A_60 = vector.load %arg7[%swap3A, %swap3A_59] : memref<10000x32xf32, #tpu.memory_space<vmem>>, vector<10000x32xf32>
    tpu.vector_store %arg7[%swap3A, %swap3A_59], %dot_general3A_58 {strides = array<i32>} : memref<10000x32xf32, #tpu.memory_space<vmem>>, vector<10000x32xf32>,
    return
  }
}

module attributes {stable_mosaic.version = 14 : i64} {
  func.func @_tc_c_body(%arg0: memref<10112x128xf32, #tpu.memory_space<vmem>>, %arg1: memref<10000x32xf32, #tpu.memory_space<vmem>>, %arg2: memref<10000x1xf32, #tpu.memory_space<vmem>>, %arg3: memref<1x32xf32, #tpu.memory_space<vmem>>, %arg4: memref<1x32xf32, #tpu.memory_space<vmem>>, %arg5: memref<1x32xf32, #tpu.memory_space<vmem>>, %arg6: memref<10000x1xi32, #tpu.memory_space<vmem>>, %arg7: memref<32x16xf32, #tpu.memory_space<vmem>>, %arg8: memref<1x16xf32, #tpu.memory_space<vmem>>, %arg9: memref<16x1xf32, #tpu.memory_space<vmem>>, %arg10: memref<1x1xf32, #tpu.memory_space<vmem>>, %arg11: memref<64x1xf32, #tpu.memory_space<vmem>>) attributes {dimension_semantics = [], scalar_prefetch = 0 : i64, scratch_operands = 0 : i64, tpu.core_type = #tpu.core_type<tc>} {
    %get3A = arith.constant 0 : index
    %get3A_0 = arith.constant 0 : index
    %get3A_1 = vector.load %arg0[%get3A, %get3A_0] : memref<10112x128xf32, #tpu.memory_space<vmem>>, vector<10000x32xf32>
    %get3A_2 = arith.constant 0 : index
    %get3A_3 = arith.constant 32 : index
    %get3A_4 = vector.load %arg0[%get3A_2, %get3A_3] : memref<10112x128xf32, #tpu.memory_space<vmem>>, vector<10000x32xf32>
    %add3A = arith.addf %get3A_1, %get3A_4 : vector<10000x32xf32>
    %get3A_5 = arith.constant 0 : index
    %get3A_6 = arith.constant 0 : index
    %get3A_7 = vector.load %arg2[%get3A_5, %get3A_6] : memref<10000x1xf32, #tpu.memory_space<vmem>>, vector<10000x1xf32>
    %get3A_8 = arith.constant 0 : index
    %get3A_9 = arith.constant 0 : index
    %get3A_10 = vector.load %arg1[%get3A_8, %get3A_9] : memref<10000x32xf32, #tpu.memory_space<vmem>>, vector<10000x32xf32>
    %add3A_11 = arith.addf %add3A, %get3A_10 : vector<10000x32xf32>
    %mul3A = vector.broadcast %get3A_7 : vector<10000x1xf32> to vector<10000x32xf32>
    %mul3A_12 = arith.mulf %mul3A, %add3A_11 : vector<10000x32xf32>
    %get3A_13 = arith.constant 0 : index
    %get3A_14 = arith.constant 0 : index
    %get3A_15 = vector.load %arg3[%get3A_13, %get3A_14] : memref<1x32xf32, #tpu.memory_space<vmem>>, vector<1x32xf32>
    %add3A_16 = vector.broadcast %get3A_15 : vector<1x32xf32> to vector<10000x32xf32>
    %add3A_17 = arith.addf %mul3A_12, %add3A_16 : vector<10000x32xf32>
    %ge3A = arith.constant 0.000000e+00 : f32
    %ge3A_18 = vector.broadcast %ge3A : f32 to vector<10000x32xf32>
    %ge3A_19 = arith.cmpf oge, %add3A_17, %ge3A_18 : vector<10000x32xf32>
    %mul3A_20 = arith.constant 0.00999999977 : f32
    %mul3A_21 = vector.broadcast %mul3A_20 : f32 to vector<10000x32xf32>
    %mul3A_22 = arith.mulf %mul3A_21, %add3A_17 : vector<10000x32xf32>
    %select_n3A = arith.select %ge3A_19, %add3A_17, %mul3A_22 : vector<10000x32xi1>, vector<10000x32xf32>
    %get3A_23 = arith.constant 0 : index
    %get3A_24 = arith.constant 0 : index
    %get3A_25 = vector.load %arg4[%get3A_23, %get3A_24] : memref<1x32xf32, #tpu.memory_space<vmem>>, vector<1x32xf32>
    %get3A_26 = arith.constant 0 : index
    %get3A_27 = arith.constant 0 : index
    %get3A_28 = vector.load %arg5[%get3A_26, %get3A_27] : memref<1x32xf32, #tpu.memory_space<vmem>>, vector<1x32xf32>
    %reduce_sum3A = arith.constant dense<0.000000e+00> : vector<32xf32>
    %reduce_sum3A_29 = vector.multi_reduction <add>, %select_n3A, %reduce_sum3A [0] : vector<10000x32xf32> to vector<32xf32>
    %broadcast_in_dim3A = vector.shape_cast %reduce_sum3A_29 : vector<32xf32> to vector<1x32xf32>
    %div3A = arith.constant 1.000000e+04 : f32
    %div3A_30 = vector.broadcast %div3A : f32 to vector<1x32xf32>
    %div3A_31 = arith.divf %broadcast_in_dim3A, %div3A_30 : vector<1x32xf32>
    %sub3A = vector.broadcast %div3A_31 : vector<1x32xf32> to vector<10000x32xf32>
    %sub3A_32 = arith.subf %select_n3A, %sub3A : vector<10000x32xf32>
    %sub3A_33 = vector.broadcast %div3A_31 : vector<1x32xf32> to vector<10000x32xf32>
    %sub3A_34 = arith.subf %select_n3A, %sub3A_33 : vector<10000x32xf32>
    %mul3A_35 = arith.mulf %sub3A_32, %sub3A_34 : vector<10000x32xf32>
    %reduce_sum3A_36 = arith.constant dense<0.000000e+00> : vector<32xf32>
    %reduce_sum3A_37 = vector.multi_reduction <add>, %mul3A_35, %reduce_sum3A_36 [0] : vector<10000x32xf32> to vector<32xf32>
    %broadcast_in_dim3A_38 = vector.shape_cast %reduce_sum3A_37 : vector<32xf32> to vector<1x32xf32>
    %div3A_39 = arith.constant 1.000000e+04 : f32
    %div3A_40 = vector.broadcast %div3A_39 : f32 to vector<1x32xf32>
    %div3A_41 = arith.divf %broadcast_in_dim3A_38, %div3A_40 : vector<1x32xf32>
    %sub3A_42 = vector.broadcast %div3A_31 : vector<1x32xf32> to vector<10000x32xf32>
    %sub3A_43 = arith.subf %select_n3A, %sub3A_42 : vector<10000x32xf32>
    %add3A_44 = arith.constant 9.99999974E-6 : f32
    %add3A_45 = vector.broadcast %add3A_44 : f32 to vector<1x32xf32>
    %add3A_46 = arith.addf %div3A_41, %add3A_45 : vector<1x32xf32>
    %rsqrt3A = math.rsqrt %add3A_46 : vector<1x32xf32>
    %mul3A_47 = vector.broadcast %rsqrt3A : vector<1x32xf32> to vector<10000x32xf32>
    %mul3A_48 = arith.mulf %sub3A_43, %mul3A_47 : vector<10000x32xf32>
    %mul3A_49 = vector.broadcast %get3A_25 : vector<1x32xf32> to vector<10000x32xf32>
    %mul3A_50 = arith.mulf %mul3A_48, %mul3A_49 : vector<10000x32xf32>
    %add3A_51 = vector.broadcast %get3A_28 : vector<1x32xf32> to vector<10000x32xf32>
    %add3A_52 = arith.addf %mul3A_50, %add3A_51 : vector<10000x32xf32>
    %iota3A = tpu.iota {dimensions = array<i32: 1>} : vector<10000x64xi32>
    %get3A_53 = arith.constant 0 : index
    %get3A_54 = arith.constant 0 : index
    %get3A_55 = vector.load %arg6[%get3A_53, %get3A_54] : memref<10000x1xi32, #tpu.memory_space<vmem>>, vector<10000x1xi32>
    %eq3A = vector.broadcast %get3A_55 : vector<10000x1xi32> to vector<10000x64xi32>
    %eq3A_56 = arith.cmpi eq, %iota3A, %eq3A : vector<10000x64xi32>
    %convert_element_type3A = arith.extui %eq3A_56 : vector<10000x64xi1> to vector<10000x64xi32>
    %convert_element_type3A_57 = arith.sitofp %convert_element_type3A : vector<10000x64xi32> to vector<10000x64xf32>
    %dot_general3A = arith.constant dense<0.000000e+00> : vector<64x32xf32>
    %dot_general3A_58 = tpu.matmul %convert_element_type3A_57, %add3A_52, %dot_general3A {dimension_numbers = #tpu.dot_dimension_numbers<[0], [0], [1], [1], [0, 1, 1, 1], [], []>, precision = #tpu.contract_precision<fp32>, transpose_lhs_hint = false} : vector<10000x64xf32>, vector<10000x32xf32>, vector<64x32xf32> -> vector<64x32xf32>
    %get3A_59 = arith.constant 0 : index
    %get3A_60 = arith.constant 0 : index
    %get3A_61 = vector.load %arg7[%get3A_59, %get3A_60] : memref<32x16xf32, #tpu.memory_space<vmem>>, vector<32x16xf32>
    %dot_general3A_62 = arith.constant dense<0.000000e+00> : vector<64x16xf32>
    %dot_general3A_63 = tpu.matmul %dot_general3A_58, %get3A_61, %dot_general3A_62 {dimension_numbers = #tpu.dot_dimension_numbers<[1], [0], [0], [1], [0, 0, 1, 1], [], []>, precision = #tpu.contract_precision<fp32>, transpose_lhs_hint = false} : vector<64x32xf32>, vector<32x16xf32>, vector<64x16xf32> -> vector<64x16xf32>
    %get3A_64 = arith.constant 0 : index
    %get3A_65 = arith.constant 0 : index
    %get3A_66 = vector.load %arg8[%get3A_64, %get3A_65] : memref<1x16xf32, #tpu.memory_space<vmem>>, vector<1x16xf32>
    %add3A_67 = vector.broadcast %get3A_66 : vector<1x16xf32> to vector<64x16xf32>
    %add3A_68 = arith.addf %dot_general3A_63, %add3A_67 : vector<64x16xf32>
    %ge3A_69 = arith.constant 0.000000e+00 : f32
    %ge3A_70 = vector.broadcast %ge3A_69 : f32 to vector<64x16xf32>
    %ge3A_71 = arith.cmpf oge, %add3A_68, %ge3A_70 : vector<64x16xf32>
    %mul3A_72 = arith.constant 0.00999999977 : f32
    %mul3A_73 = vector.broadcast %mul3A_72 : f32 to vector<64x16xf32>
    %mul3A_74 = arith.mulf %mul3A_73, %add3A_68 : vector<64x16xf32>
    %select_n3A_75 = arith.select %ge3A_71, %add3A_68, %mul3A_74 : vector<64x16xi1>, vector<64x16xf32>
    %get3A_76 = arith.constant 0 : index
    %get3A_77 = arith.constant 0 : index
    %get3A_78 = vector.load %arg9[%get3A_76, %get3A_77] : memref<16x1xf32, #tpu.memory_space<vmem>>, vector<16x1xf32>
    %dot_general3A_79 = arith.constant dense<0.000000e+00> : vector<64x1xf32>
    %dot_general3A_80 = tpu.matmul %select_n3A_75, %get3A_78, %dot_general3A_79 {dimension_numbers = #tpu.dot_dimension_numbers<[1], [0], [0], [1], [0, 0, 1, 1], [], []>, precision = #tpu.contract_precision<fp32>, transpose_lhs_hint = false} : vector<64x16xf32>, vector<16x1xf32>, vector<64x1xf32> -> vector<64x1xf32>
    %get3A_81 = arith.constant 0 : index
    %get3A_82 = arith.constant 0 : index
    %get3A_83 = vector.load %arg10[%get3A_81, %get3A_82] : memref<1x1xf32, #tpu.memory_space<vmem>>, vector<1x1xf32>
    %add3A_84 = vector.broadcast %get3A_83 : vector<1x1xf32> to vector<64x1xf32>
    %add3A_85 = arith.addf %dot_general3A_80, %add3A_84 : vector<64x1xf32>
    %swap3A = arith.constant 0 : index
    %swap3A_86 = arith.constant 0 : index
    %swap3A_87 = vector.load %arg11[%swap3A, %swap3A_86] : memref<64x1xf32, #tpu.memory_space<vmem>>, vector<64x1xf32>
    tpu.vector_store %arg11[%swap3A, %swap3A_86], %add3A_85 {strides = array<i32>} : memref<64x1xf32, #tpu.memory_space<vmem>>, vector<64x1xf32>,
    return
  }
}

</mosaic_0001>

<sc_bundles>
// kernel: kernel.11.cloned.1.call-start
scs
__scs_entry_jumppad:
0x0: {  	(pc) =	sbr.rel $0x88, $3  }
0x1: {  	(tag) =	ssettag $0x0;
	lr =	simm.s32 $0x1  }
0x2: {  	[smem:$0x3F92] =	sst lr;
	_ =	strace $0xD0000000  }
0x3: {  	_ = 	snop  }
0x4: {  	_ = 	snop  }
0x5: {  	_ = 	snop  }
0x6: {  	_ = 	snop  }
0x7: {  	_ = 	snop  }
__scs_overlays_trampoline_lowered:
0x8: {  	[smem:$0x3FA1] =	sst s0  }
0x9: {  	[smem:$0x3FA2] =	sst s1  }
0xa: {  	[smem:$0x3FA3] =	sst s2  }
0xb: {  	[smem:$0x3FA4] =	sst s3  }
0xc: {  	[smem:$0x3FA5] =	sst s4  }
0xd: {  	[smem:$0x3FA6] =	sst s5  }
0xe: {  	[smem:$0x3FA7] =	sst s6  }
0xf: {  	[smem:$0x3FA8] =	sst s7  }
0x10: {  	[smem:$0x3FA9] =	sst s8  }
0x11: {  	[smem:$0x3FAA] =	sst s9;
	s0 =	simm.s32 @!p0 $0x0  }
0x12: {  	s1 =	sld [smem:$0x3F90];
	s0 =	simm.s32 @p0 $0x1  }
0x13: {  	[smem:$0x3FAB] =	sst s0;
	s0 =	simm.s32 @!p1 $0x0  }
0x14: {  	s2 =	sld [smem:$0x3F8F];
	s0 =	simm.s32 @p1 $0x1  }
0x15: {  	[smem:$0x3FAC] =	sst s0;
	s0 =	simm.s32 @!p2 $0x0  }
0x16: {  	s3 =	sld [smem:$0x3FDB];
	s0 =	simm.s32 @p2 $0x1  }
0x17: {  	s4 =	simm.s32 $0x1BF5;
	[smem:$0x3FAE] =	sst s0  }
0x18: {  	s0 =	sld [smem:$0x3F91];
	_ =	swait.ge [sflag:s4], $0x0  }
0x19: {  	s7 =	sld [smem:$0x3F92]  }
0x1a: {  	s8 =	sadd.s32 $0xFFFFE003, lr  }
0x1b: {  	s9 =	sadd.s32 $0xFFFFFEF7, lr;
	s5 =	simm.s32 $0xFFFFFFFF;
	p2 =	slt.u32 s8, $0xFFFFF086  }
0x1c: {  	p1 =	slt.u32 s9, $0xF7A;
	s5 =	simm.s32 @!p2 $0x0  }
0x1d: {  	s5 =	simm.s32 @p1 $0x1;
	p0 =	seq.s32 s7, s2  }
0x1e: {  	s7 =	smul.u32 @!p0 $0xF7A, s2;
	p2 =	seq.s32 @!p0 s5, $0x0  }
0x1f: {  	s9 =	smul.u32 $0xF7A, s1;
	s8 =	simm.s32 @!p0 $0x1BF5;
	p2 =	por !p2, p0  }
0x20: {  	[sflag:s8] =	ssyncset.s32 @!p0 $0xFFFFF086;
	s6 =	sadd.s32 @!p0 s3, s7;
	s7 =	simm.s32 @!p0 $0x108  }
0x21: {  	s3 =	sadd.s32 s3, s9;
	s6 =	sadd.s32 @!p0 $0x88, s6;
	s7 =	simm.s32 @p2 $0x1082  }
0x22: {  	[simem:s7], [sflag:s8] =	dma.local @!p0 [hbm:s6], $0xF7A  }
0x23: {  	s9 =	sor.u32 $0xD0000000, s2;
	s6 =	simm.s32 $0x108;
	_ =	swait.ge @!p0 [sflag:s8], $0x0  }
0x24: {  	s3 =	sadd.s32 $0x88, s3;
	s6 =	simm.s32 @!p1 $0x1082;
	[sflag:s4] =	ssyncset.s32 $0xFFFFF086  }
0x25: {  	[simem:s6], [sflag:s4] =	dma.local [hbm:s3], $0xF7A  }
0x26: {  	[smem:$0x3F92] =	sst s1;
	(tag) =	ssettag s2;
	_ =	strace s9  }
0x27: {  	s1 =	sld [smem:$0x3FA2]  }
0x28: {  	s2 =	sld [smem:$0x3FA3]  }
0x29: {  	s4 =	sld [smem:$0x3FA5]  }
0x2a: {  	p0 =	seq.s32 s5, $0x0;
	s5 =	sld [smem:$0x3FA6]  }
0x2b: {  	s6 =	sld [smem:$0x3FA7]  }
0x2c: {  	s7 =	sld [smem:$0x3FA8]  }
0x2d: {  	s3 =	simm.s32 $0x108;
	s8 =	sld [smem:$0x3FA9]  }
0x2e: {  	s3 =	simm.s32 @!p0 $0x1082;
	s9 =	sld [smem:$0x3FAA]  }
0x2f: {  	lr =	sadd.s32 s0, s3;
	s0 =	sld [smem:$0x3FA1]  }
0x30: {  	s3 =	sld [smem:$0x3FA4]  }
0x31: {  	[smem:$0x3FAD] =	sst s10  }
0x32: {  	s10 =	sld [smem:$0x3FAB];
	_ =	sdelay $0x3  }
0x33: {  	p0 =	seq.s32 s10, $0x1;
	s10 =	sld [smem:$0x3FAD];
	_ =	sdelay $0x3  }
0x34: {  	[smem:$0x3FAD] =	sst s10  }
0x35: {  	s10 =	sld [smem:$0x3FAC];
	_ =	sdelay $0x3  }
0x36: {  	p1 =	seq.s32 s10, $0x1;
	s10 =	sld [smem:$0x3FAD];
	_ =	sdelay $0x3  }
0x37: {  	[smem:$0x3FAD] =	sst s10  }
0x38: {  	s10 =	sld [smem:$0x3FAE]  }
0x39: {  	_ = 	snop;
	(pc) =	sbr.ind lr, $3  }
0x3a: {  	_ = 	snop  }
0x3b: {  	_ = 	snop  }
0x3c: {  	p2 =	seq.s32 s10, $0x1;
	s10 =	sld [smem:$0x3FAD]  }
0x3d: {  	_ =	shalt  }
0x3e: {  	_ =	shalt  }
0x3f: {  	_ =	shalt  }
0x40: {  	_ =	shalt  }
0x41: {  	_ =	shalt  }
0x42: {  	_ =	shalt  }
0x43: {  	_ =	shalt  }
0x44: {  	_ =	shalt  }
0x45: {  	_ =	shalt  }
0x46: {  	_ =	shalt  }
0x47: {  	_ =	shalt  }
0x48: {  	_ =	shalt  }
0x49: {  	_ =	shalt  }
0x4a: {  	_ =	shalt  }
0x4b: {  	_ =	shalt  }
0x4c: {  	_ =	shalt  }
0x4d: {  	_ =	shalt  }
0x4e: {  	_ =	shalt  }
0x4f: {  	_ =	shalt  }
0x50: {  	_ =	shalt  }
0x51: {  	_ =	shalt  }
0x52: {  	_ =	shalt  }
0x53: {  	_ =	shalt  }
0x54: {  	_ =	shalt  }
0x55: {  	_ =	shalt  }
0x56: {  	_ =	shalt  }
0x57: {  	_ =	shalt  }
0x58: {  	_ =	shalt  }
0x59: {  	_ =	shalt  }
0x5a: {  	_ =	shalt  }
0x5b: {  	_ =	shalt  }
0x5c: {  	_ =	shalt  }
0x5d: {  	_ =	shalt  }
0x5e: {  	_ =	shalt  }
0x5f: {  	_ =	shalt  }
0x60: {  	_ =	shalt  }
0x61: {  	_ =	shalt  }
0x62: {  	_ =	shalt  }
0x63: {  	_ =	shalt  }
0x64: {  	_ =	shalt  }
0x65: {  	_ =	shalt  }
0x66: {  	_ =	shalt  }
0x67: {  	_ =	shalt  }
0x68: {  	_ =	shalt  }
0x69: {  	_ =	shalt  }
0x6a: {  	_ =	shalt  }
0x6b: {  	_ =	shalt  }
0x6c: {  	_ =	shalt  }
0x6d: {  	_ =	shalt  }
0x6e: {  	_ =	shalt  }
0x6f: {  	_ =	shalt  }
0x70: {  	_ =	shalt  }
0x71: {  	_ =	shalt  }
0x72: {  	_ =	shalt  }
0x73: {  	_ =	shalt  }
0x74: {  	_ =	shalt  }
0x75: {  	_ =	shalt  }
0x76: {  	_ =	shalt  }
0x77: {  	_ =	shalt  }
0x78: {  	_ =	shalt  }
0x79: {  	_ =	shalt  }
0x7a: {  	_ =	shalt  }
0x7b: {  	_ =	shalt  }
0x7c: {  	_ =	shalt  }
0x7d: {  	_ =	shalt  }
0x7e: {  	_ =	shalt  }
0x7f: {  	_ =	shalt  }
0x80: {  	_ =	shalt  }
0x81: {  	_ =	shalt  }
0x82: {  	_ =	shalt  }
0x83: {  	_ =	shalt  }
0x84: {  	_ =	shalt  }
0x85: {  	_ =	shalt  }
0x86: {  	_ =	shalt  }
0x87: {  	_ =	shalt  }
.Lfunc_end0:
.L_simem_size_0:
called_computation.1_lowered:
.L_overlay_start_0:
0x88: {  	s2 =	sld [smem:$0x3FD9]  }
0x89: {  	s3 =	sld [smem:$0x3FFE];
	_ =	sdelay $0x1  }
0x8a: {  	s1 =	srdreg.scid  }
0x8b: {  	s0 =	sand.u32 $0x1, s1  }
0x8c: {  	s16 =	sshll.u32 s0, $0xA;
	s2 =	sadd.s32 s3, s2  }
0x8d: {  	s2 =	sadd.s32 s2, s16  }
0x8e: {  	[smem:$0x3FB9] =	sst s2  }
0x8f: {  	_ = 	snop  }
0x90: {  	(tm) =	ssettm $0x1  }
0x91: {  	s17 =	sld [smem:$0x3FFB];
	_ =	sdelay $0x3  }
0x92: {  	_ =	strace s17  }
0x93: {  	s2 =	sld [smem:$0x3FFC];
	_ =	sdelay $0x3  }
0x94: {  	_ =	strace s2  }
0x95: {  	s2 =	sld [smem:$0x3FFD];
	_ =	sdelay $0x3  }
0x96: {  	_ =	strace s2  }
0x97: {  	_ =	strace $0x8FFFFFFF  }
0x98: {  	s18 =	sld [smem:$0x3FDB];
	_ =	sdelay $0x1  }
0x99: {  	s19 =	simm.s32 $_scs_section_size  }
0x9a: {  	s4 =	simm.s32 $_size__tile_overlayer_lowered;
	s5 =	simm.s32 $_tile_overlayer_lowered  }
0x9b: {  	s22 =	simm.s32 $0x1BFF;
	s21 =	sshll.u32 s5, $0x1;
	s2 =	sadd.s32 s19, s18  }
0x9c: {  	s6 =	simm.s32 $0x0;
	s20 =	sshll.u32 s4, $0x1;
	s4 =	sadd.s32 s21, s2  }
0x9d: {  	[timem:s6], [sflag:s22] =	dma.local [hbm:s4], s20  }
0x9e: {  	_ =	swait.ge [sflag:s22], s20  }
0x9f: {  	s3 =	ssub.s32 $0x0, s20;
	[sflag:s22] =	ssyncset.done $0x0  }
0xa0: {  	[sflag:s22] =	ssyncadd.s32 s3;
	_ =	sdelay $0x1  }
0xa1: {  	s23 =	simm.s32 $0x1B8B  }
0xa2: {  	_ =	swait.ge [sflag:s23], $0x1  }
0xa3: {  	[sflag:s23] =	ssyncset.done $0x0  }
0xa4: {  	s25 =	simm.s32 $0x1B8E;
	s24 =	sld [smem:$0x3FFE];
	[sflag:s23] =	ssyncadd.s32 $0xFFFFFFFF  }
0xa5: {  	s26 =	simm.s32 $execute0_lowered;
	[smem:$0x3FD2] =	sst s25  }
0xa6: {  	s4 =	sshll.u32 s26, $0x1;
	_ =	strace $0x80000049;
	[dreg:$0x1] =	wrdreg $0xFFFFFFFF  }
0xa7: {  	s28 =	simm.s32 $_size_execute0_lowered;
	s2 =	sadd.s32 s2, s4;
	[dreg:$0x0] =	wrdreg $0x0  }
0xa8: {  	s4 =	sshll.u32 s28, $0x1;
	[dreg:$0x2] =	wrdreg s2  }
0xa9: {  	[dreg:$0x3] =	wrdreg s4  }
0xaa: {  	[dreg:$0x4] =	wrdreg $0xC0  }
0xab: {  	_ =	task [dreg:s6], $0x5FFFF  }
0xac: {  	[dreg:$0x1] =	wrdreg $0xFFFFFFFF  }
0xad: {  	[dreg:$0x0] =	wrdreg $0x60  }
0xae: {  	[dreg:$0x2] =	wrdreg s24  }
0xaf: {  	[dreg:$0x3] =	wrdreg $0x10F000  }
0xb0: {  	[dreg:$0x4] =	wrdreg $0x9  }
0xb1: {  	_ =	task.clear_ibuf [dreg:s6], $0x5FFFF;
	_ =	strace $0x90000049  }
0xb2: {  	s29 =	simm.s32 $0x9;
	_ =	strace $0x8000004B  }
0xb3: {  	_ =	swait.ge [sflag:s29], $0x1  }
0xb4: {  	[sflag:s29] =	ssyncadd.s32 $0xFFFFFFFF  }
0xb5: {  	_ =	strace $0x9000004B  }
0xb6: {  	_ =	sfence  }
0xb7: {  	s30 =	sld [smem:$0x0];
	_ =	sdelay $0x2  }
0xb8: {  	s31 =	sshll.u32 s1, $0xD;
	s1 =	sshrl.u32 s1, $0x2  }
0xb9: {  	s3 =	sand.u32 $0x4000, s31;
	s1 =	sadd.s32 s1, s30  }
0xba: {  	s0 =	sor.u32 s3, s0;
	s1 =	sshll.u32 s1, $0x11  }
0xbb: {  	s0 =	sor.u32 s1, s0  }
0xbc: {  	s0 =	sadd.s32 $0x8F2B, s0  }
0xbd: {  	[sflag:s0] =	ssyncadd.remote.s32 $0x1  }
0xbe: {  	_ =	sfence.sel $0xFFFF  }
0xbf: {  	[dreg:$0x0] =	wrdreg $0xFFFFFFFF;
	(pc) =	sbr.abs _section_cstart, $3  }
0xc0: {  	[dreg:$0x1] =	wrdreg $0xFFFFFFFF  }
0xc1: {  	_ =	task.clear_ibuf [dreg:s6], $0x2FFFF;
	_ =	strace $0x9FFFFFFF  }
0xc2: {  	(tm) =	ssettm $0x7FFFFFFF  }
0xc3: {  	_ =	shalt  }
tec
execute0_lowered:
.L_overlay_start_1:
0x0: {  	(tag) =	ssettag $0x1  }
0x1: {  	s0 =	rddreg [dreg:$0x0]  }
0x2: {  	s2 =	rddreg [dreg:$0x1];
	s3 =	simm.s32 $0x0  }
0x3: {  	s9 =	stileid.u32;
	s1 =	srdreg.scid;
	s13 =	simm.s32 $0xD  }
0x4: {  	s15 =	simm.s32 $0x80;
	s16 =	simm.s32 $0x4F00;
	s17 =	simm.s32 $0x6F00  }
0x5: {  	s28 =	simm.s32 $0x2;
	s29 =	simm.s32 $0x3;
	s30 =	simm.s32 $0x4  }
0x6: {  	s31 =	simm.s32 $0x5;
	s14 =	simm.s32 $0x7;
	s18 =	simm.s32 $0x9  }
0x7: {  	[smem:$0x7FF] =	sst s3;
	s1 =	sand.u32 $0x1, s1;
	s4 =	smul.u32 $0x13C00, s9  }
0x8: {  	s6 =	smul.u32 $0x9E00, s9;
	s8 =	sadd.s32 $0x3400, s0;
	_ =	strace $0x8000004A  }
0x9: {  	s5 =	sshll.u32 s1, $0x6;
	s7 =	sshll.u32 s1, $0x4;
	s1 =	ssub.s32 $0x2, s1  }
0xa: {  	s4 =	sor.u32 s5, s4;
	s7 =	sor.u32 s9, s7;
	s19 =	sshrl.u32 s6, $0x3  }
0xb: {  	s23 =	sshrl.u32 s1, $0x1;
	s6 =	sadd.s32 s6, s2;
	s20 =	sshrl.u32 s4, $0x3  }
0xc: {  	s10 =	smul.u32 $0x2700, s7;
	s4 =	sadd.s32 $0x16E00, s0;
	s11 =	sadd.s32 s19, s0  }
0xd: {  	s22 =	sshll.u32 s7, $0x4;
	s1 =	ssub.s32 s1, s23;
	[dreg:$0x6] =	wrdreg s6  }
0xe: {  	p0 =	slt.u32 s7, $0x1C;
	s19 =	simm.s32 $0x8F00;
	s23 =	simm.s32 $0xCF00  }
0xf: {  	s6 =	simm.s32 $0x0;
	s0 =	sadd.s32 s20, s0;
	s26 =	sadd.s32 $0x2A800, s11  }
0x10: {  	s12 =	smax.u32 s1, $0x1;
	s1 =	simm.s32 $0x8;
	s20 =	simm.s32 $0xA  }
0x11: {  	s21 =	sshrl.u32 s10, $0x3;
	[dreg:$0x7] =	wrdreg s26;
	s0 =	sadd.s32 $0x3E400, s0  }
0x12: {  	s26 =	simm.s32 $0x1;
	s5 =	sadd.s32 s8, s21;
	s8 =	sadd.s32 s8, s22  }
0x13: {  	[dreg:$0x8] =	wrdreg s0;
	s21 =	simm.s32 $0xAF00;
	s24 =	sadd.s32 $0x9C40, s5  }
0x14: {  	s0 =	simm.s32 $0x6;
	s25 =	sadd.s32 $0x9A40, s8;
	[dreg:$0x3] =	wrdreg s24  }
0x15: {  	s22 =	simm.s32 $0xB;
	s8 =	sadd.s32 $0x13680, s8;
	[dreg:$0x4] =	wrdreg s25  }
0x16: {  	[dreg:$0x5] =	wrdreg s8;
	s25 =	simm.s32 $0xEF00;
	s24 =	simm.s32 $0xC  }
.LBB2_1:
0x17: {  	[tilespmem:s3], [sflag:$0xD] =	stream.linear.gather [hbm4b:s5+s3], $0x2700, $0x38;
	[tilespmem:$0x1AD00] =	vst v63  }
0x18: {  	_ =	swait.ge [sflag:s13], $0x2700  }
0x19: {  	[sflag:s13] =	ssyncset.done $0x0  }
0x1a: {  	s8 =	simm.s32 $0x2700;
	s7 =	rddreg [dreg:$0x3];
	[sflag:s13] =	ssyncadd.s32 $0xFFFFD900  }
0x1b: {  	[tilespmem:s8], [sflag:$0xD] =	stream.linear.gather [hbm4b:s7+s3], $0x2700, $0x38;
	[tilespmem:$0x1AD00] =	vst v63  }
0x1c: {  	_ =	swait.ge [sflag:s13], $0x2700  }
0x1d: {  	s7 =	simm.s32 @!p0 $0x0;
	[sflag:s13] =	ssyncset.done $0x0  }
0x1e: {  	s8 =	simm.s32 @!p0 $0x4E00;
	s9 =	rddreg [dreg:$0x4];
	[sflag:s13] =	ssyncadd.s32 $0xFFFFD900  }
0x1f: {  	[tilespmem:s8], [sflag:$0xD] =	stream.linear.gather @!p0 [hbm4b:s9+s7], $0x80, $0x38;
	[tilespmem:$0x1AD00] =	vst v63  }
0x20: {  	s8 =	simm.s32 @!p0 $0xD  }
0x21: {  	_ =	swait.ge @!p0 [sflag:s8], $0x80  }
0x22: {  	[sflag:s8] =	ssyncset.done @!p0 $0x0  }
0x23: {  	s9 =	simm.s32 @!p0 $0x4E80;
	s10 =	rddreg [dreg:$0x5];
	[sflag:s8] =	ssyncadd.s32 @!p0 $0xFFFFFF80  }
0x24: {  	[tilespmem:s9], [sflag:$0xD] =	stream.linear.gather @!p0 [hbm4b:s10+s7], $0x80, $0x38;
	[tilespmem:$0x1AD00] =	vst v63  }
0x25: {  	_ =	swait.ge @!p0 [sflag:s8], $0x80  }
0x26: {  	[sflag:s8] =	ssyncset.done @!p0 $0x0  }
0x27: {  	[sflag:s8] =	ssyncadd.s32 @!p0 $0xFFFFFF80  }
0x28: {  	[tilespmem:s16], [sflag:$0x1] =	stream.indirect.gather [hbm4b:s4+s15], $0x40, s3, s15, $0xb8;
	[tilespmem:$0x1AD00] =	vst v63  }
0x29: {  	_ = 	snop  }
0x2a: {  	[tilespmem:s17], [sflag:$0x2] =	stream.indirect.gather [hbm4b:s4+s15], $0x40, s15, s15, $0xb8;
	[tilespmem:$0x1AD00] =	vst v63  }
0x2b: {  	s8 =	simm.s32 $0x100  }
0x2c: {  	[tilespmem:s19], [sflag:$0x3] =	stream.indirect.gather [hbm4b:s4+s15], $0x40, s8, s15, $0xb8;
	[tilespmem:$0x1AD00] =	vst v63  }
0x2d: {  	s11 =	simm.s32 $0x280;
	s9 =	simm.s32 $0x180;
	s8 =	stileid.u32  }
0x2e: {  	[tilespmem:s21], [sflag:$0x4] =	stream.indirect.gather [hbm4b:s4+s15], $0x40, s9, s15, $0xb8;
	[tilespmem:$0x1AD00] =	vst v63  }
0x2f: {  	s10 =	simm.s32 $0x200;
	s7 =	sshll.u32 s8, $0x6;
	s9 =	rddreg [dreg:$0x6]  }
0x30: {  	[tilespmem:s23], [sflag:$0x5] =	stream.indirect.gather [hbm4b:s4+s15], $0x40, s10, s15, $0xb8;
	[tilespmem:$0x1AD00] =	vst v63  }
0x31: {  	s7 =	sor.u32 $0x1C0D, s7;
	s8 =	sshrl.u32 s9, $0x3;
	s10 =	rddreg [dreg:$0x7]  }
0x32: {  	[tilespmem:s25], [sflag:$0x6] =	stream.indirect.gather [hbm4b:s4+s15], $0x40, s11, s15, $0xb8;
	[tilespmem:$0x1AD00] =	vst v63  }
0x33: {  	[spmem:s8], [sflag:s7] =	dma.local [hbm:s10], $0x13C0  }
0x34: {  	_ =	swait.ge [sflag:s13], $0x13C0  }
0x35: {  	[sflag:s13] =	ssyncset.done $0x0  }
0x36: {  	[sflag:s13] =	ssyncadd.s32 $0xFFFFEC40  }
0x37: {  	[bflag:$0x0] =	sbarrier.arrive $0xFFFF  }
0x38: {  	_ =	swait.ge [sflag:s26], $0x2000  }
0x39: {  	[sflag:s26] =	ssyncset.done $0x0  }
0x3a: {  	s11 =	simm.s32 $0x2700;
	[sflag:s26] =	ssyncadd.s32 $0xFFFFE000  }
0x3b: {  	[spmem:s2] =	stream.indirect.scatter.add.f32 [tilespmem:s16], [sflag:$0x7], $0x40, s11, s15, $0xb8;
	[tilespmem:$0x1AD00] =	vst v63  }
0x3c: {  	_ =	swait.ge [sflag:s28], $0x2000  }
0x3d: {  	[sflag:s28] =	ssyncset.done $0x0  }
0x3e: {  	s10 =	simm.s32 $0x2780;
	[sflag:s28] =	ssyncadd.s32 $0xFFFFE000  }
0x3f: {  	[spmem:s2] =	stream.indirect.scatter.add.f32 [tilespmem:s17], [sflag:$0x8], $0x40, s10, s15, $0xb8;
	[tilespmem:$0x1AD00] =	vst v63  }
0x40: {  	_ =	swait.ge [sflag:s29], $0x2000  }
0x41: {  	[sflag:s29] =	ssyncset.done $0x0  }
0x42: {  	s11 =	simm.s32 $0x2800;
	[sflag:s29] =	ssyncadd.s32 $0xFFFFE000  }
0x43: {  	[spmem:s2] =	stream.indirect.scatter.add.f32 [tilespmem:s19], [sflag:$0x9], $0x40, s11, s15, $0xb8;
	[tilespmem:$0x1AD00] =	vst v63  }
0x44: {  	_ =	swait.ge [sflag:s30], $0x2000  }
0x45: {  	[sflag:s30] =	ssyncset.done $0x0  }
0x46: {  	s10 =	simm.s32 $0x2880;
	[sflag:s30] =	ssyncadd.s32 $0xFFFFE000  }
0x47: {  	[spmem:s2] =	stream.indirect.scatter.add.f32 [tilespmem:s21], [sflag:$0xA], $0x40, s10, s15, $0xb8;
	[tilespmem:$0x1AD00] =	vst v63  }
0x48: {  	_ =	swait.ge [sflag:s31], $0x2000  }
0x49: {  	[sflag:s31] =	ssyncset.done $0x0  }
0x4a: {  	s11 =	simm.s32 $0x2900;
	[sflag:s31] =	ssyncadd.s32 $0xFFFFE000  }
0x4b: {  	[spmem:s2] =	stream.indirect.scatter.add.f32 [tilespmem:s23], [sflag:$0xB], $0x40, s11, s15, $0xb8;
	[tilespmem:$0x1AD00] =	vst v63  }
0x4c: {  	_ =	swait.ge [sflag:s0], $0x2000  }
0x4d: {  	[sflag:s0] =	ssyncset.done $0x0  }
0x4e: {  	s10 =	simm.s32 $0x2980;
	[sflag:s0] =	ssyncadd.s32 $0xFFFFE000  }
0x4f: {  	[spmem:s2] =	stream.indirect.scatter.add.f32 [tilespmem:s25], [sflag:$0xC], $0x40, s10, s15, $0xb8;
	[tilespmem:$0x1AD00] =	vst v63  }
0x50: {  	_ =	swait.ge [sflag:s14], $0x2000  }
0x51: {  	[sflag:s14] =	ssyncset.done $0x0  }
0x52: {  	s11 =	simm.s32 $0x300;
	[sflag:s14] =	ssyncadd.s32 $0xFFFFE000  }
0x53: {  	[tilespmem:s16], [sflag:$0x1] =	stream.indirect.gather [hbm4b:s4+s15], $0x40, s11, s15, $0xb8;
	[tilespmem:$0x1AD00] =	vst v63  }
0x54: {  	_ =	swait.ge [sflag:s1], $0x2000  }
0x55: {  	[sflag:s1] =	ssyncset.done $0x0  }
0x56: {  	s10 =	simm.s32 $0x380;
	[sflag:s1] =	ssyncadd.s32 $0xFFFFE000  }
0x57: {  	[tilespmem:s17], [sflag:$0x2] =	stream.indirect.gather [hbm4b:s4+s15], $0x40, s10, s15, $0xb8;
	[tilespmem:$0x1AD00] =	vst v63  }
0x58: {  	_ =	swait.ge [sflag:s18], $0x2000  }
0x59: {  	[sflag:s18] =	ssyncset.done $0x0  }
0x5a: {  	s11 =	simm.s32 $0x400;
	[sflag:s18] =	ssyncadd.s32 $0xFFFFE000  }
0x5b: {  	[tilespmem:s19], [sflag:$0x3] =	stream.indirect.gather [hbm4b:s4+s15], $0x40, s11, s15, $0xb8;
	[tilespmem:$0x1AD00] =	vst v63  }
0x5c: {  	_ =	swait.ge [sflag:s20], $0x2000  }
0x5d: {  	[sflag:s20] =	ssyncset.done $0x0  }
0x5e: {  	s10 =	simm.s32 $0x480;
	[sflag:s20] =	ssyncadd.s32 $0xFFFFE000  }
0x5f: {  	[tilespmem:s21], [sflag:$0x4] =	stream.indirect.gather [hbm4b:s4+s15], $0x40, s10, s15, $0xb8;
	[tilespmem:$0x1AD00] =	vst v63  }
0x60: {  	_ =	swait.ge [sflag:s22], $0x2000  }
0x61: {  	[sflag:s22] =	ssyncset.done $0x0  }
0x62: {  	s11 =	simm.s32 $0x500;
	[sflag:s22] =	ssyncadd.s32 $0xFFFFE000  }
0x63: {  	[tilespmem:s23], [sflag:$0x5] =	stream.indirect.gather [hbm4b:s4+s15], $0x40, s11, s15, $0xb8;
	[tilespmem:$0x1AD00] =	vst v63  }
0x64: {  	_ =	swait.ge [sflag:s24], $0x2000  }
0x65: {  	[sflag:s24] =	ssyncset.done $0x0  }
0x66: {  	s9 =	simm.s32 $0xC00;
	s10 =	simm.s32 $0x580;
	[sflag:s24] =	ssyncadd.s32 $0xFFFFE000  }
.LBB2_2:
0x67: {  	[tilespmem:s25], [sflag:$0x6] =	stream.indirect.gather [hbm4b:s4+s15], $0x40, s10, s15, $0xb8;
	[tilespmem:$0x1AD00] =	vst v63  }
0x68: {  	s10 =	smov.u32 s9  }
0x69: {  	p1 =	sne.s32 s9, $0x8400;
	s9 =	sadd.s32 $0xC00, s9;
	_ =	swait.ge [sflag:s26], $0x2000  }
0x6a: {  	s10 =	sshra.s32 s10, $0x2;
	[sflag:s26] =	ssyncset.done $0x0  }
0x6b: {  	s11 =	sadd.s32 $0x2700, s10;
	[sflag:s26] =	ssyncadd.s32 $0xFFFFE000  }
0x6c: {  	[spmem:s2] =	stream.indirect.scatter.add.f32 [tilespmem:s16], [sflag:$0x7], $0x40, s11, s15, $0xb8;
	[tilespmem:$0x1AD00] =	vst v63  }
0x6d: {  	_ =	swait.ge [sflag:s28], $0x2000  }
0x6e: {  	[sflag:s28] =	ssyncset.done $0x0  }
0x6f: {  	s11 =	sadd.s32 $0x2780, s10;
	[sflag:s28] =	ssyncadd.s32 $0xFFFFE000  }
0x70: {  	[spmem:s2] =	stream.indirect.scatter.add.f32 [tilespmem:s17], [sflag:$0x8], $0x40, s11, s15, $0xb8;
	[tilespmem:$0x1AD00] =	vst v63  }
0x71: {  	_ =	swait.ge [sflag:s29], $0x2000  }
0x72: {  	[sflag:s29] =	ssyncset.done $0x0  }
0x73: {  	s11 =	sadd.s32 $0x2800, s10;
	[sflag:s29] =	ssyncadd.s32 $0xFFFFE000  }
0x74: {  	[spmem:s2] =	stream.indirect.scatter.add.f32 [tilespmem:s19], [sflag:$0x9], $0x40, s11, s15, $0xb8;
	[tilespmem:$0x1AD00] =	vst v63  }
0x75: {  	_ =	swait.ge [sflag:s30], $0x2000  }
0x76: {  	[sflag:s30] =	ssyncset.done $0x0  }
0x77: {  	s11 =	sadd.s32 $0x2880, s10;
	[sflag:s30] =	ssyncadd.s32 $0xFFFFE000  }
0x78: {  	[spmem:s2] =	stream.indirect.scatter.add.f32 [tilespmem:s21], [sflag:$0xA], $0x40, s11, s15, $0xb8;
	[tilespmem:$0x1AD00] =	vst v63  }
0x79: {  	_ =	swait.ge [sflag:s31], $0x2000  }
0x7a: {  	[sflag:s31] =	ssyncset.done $0x0  }
0x7b: {  	s11 =	sadd.s32 $0x2900, s10;
	[sflag:s31] =	ssyncadd.s32 $0xFFFFE000  }
0x7c: {  	[spmem:s2] =	stream.indirect.scatter.add.f32 [tilespmem:s23], [sflag:$0xB], $0x40, s11, s15, $0xb8;
	[tilespmem:$0x1AD00] =	vst v63  }
0x7d: {  	_ =	swait.ge [sflag:s0], $0x2000  }
0x7e: {  	[sflag:s0] =	ssyncset.done $0x0  }
0x7f: {  	s11 =	sadd.s32 $0x2980, s10;
	[sflag:s0] =	ssyncadd.s32 $0xFFFFE000  }
0x80: {  	[spmem:s2] =	stream.indirect.scatter.add.f32 [tilespmem:s25], [sflag:$0xC], $0x40, s11, s15, $0xb8;
	[tilespmem:$0x1AD00] =	vst v63  }
0x81: {  	_ =	swait.ge [sflag:s14], $0x2000  }
0x82: {  	[sflag:s14] =	ssyncset.done $0x0  }
0x83: {  	s11 =	sadd.s32 $0x300, s10;
	[sflag:s14] =	ssyncadd.s32 $0xFFFFE000  }
0x84: {  	[tilespmem:s16], [sflag:$0x1] =	stream.indirect.gather [hbm4b:s4+s15], $0x40, s11, s15, $0xb8;
	[tilespmem:$0x1AD00] =	vst v63  }
0x85: {  	_ =	swait.ge [sflag:s1], $0x2000  }
0x86: {  	[sflag:s1] =	ssyncset.done $0x0  }
0x87: {  	s11 =	sadd.s32 $0x380, s10;
	[sflag:s1] =	ssyncadd.s32 $0xFFFFE000  }
0x88: {  	[tilespmem:s17], [sflag:$0x2] =	stream.indirect.gather [hbm4b:s4+s15], $0x40, s11, s15, $0xb8;
	[tilespmem:$0x1AD00] =	vst v63  }
0x89: {  	_ =	swait.ge [sflag:s18], $0x2000  }
0x8a: {  	[sflag:s18] =	ssyncset.done $0x0  }
0x8b: {  	s11 =	sadd.s32 $0x400, s10;
	[sflag:s18] =	ssyncadd.s32 $0xFFFFE000  }
0x8c: {  	[tilespmem:s19], [sflag:$0x3] =	stream.indirect.gather [hbm4b:s4+s15], $0x40, s11, s15, $0xb8;
	[tilespmem:$0x1AD00] =	vst v63  }
0x8d: {  	_ =	swait.ge [sflag:s20], $0x2000  }
0x8e: {  	[sflag:s20] =	ssyncset.done $0x0  }
0x8f: {  	s11 =	sadd.s32 $0x480, s10;
	[sflag:s20] =	ssyncadd.s32 $0xFFFFE000  }
0x90: {  	[tilespmem:s21], [sflag:$0x4] =	stream.indirect.gather [hbm4b:s4+s15], $0x40, s11, s15, $0xb8;
	[tilespmem:$0x1AD00] =	vst v63  }
0x91: {  	_ =	swait.ge [sflag:s22], $0x2000  }
0x92: {  	[sflag:s22] =	ssyncset.done $0x0  }
.Ltmp0:
0x93: {  	s11 =	sadd.s32 $0x500, s10;
	[sflag:s22] =	ssyncadd.s32 $0xFFFFE000;
	(pc) =	sbr.rel @p1 .LBB2_2-.Ltmp0, $4  }
0x94: {  	[tilespmem:s23], [sflag:$0x5] =	stream.indirect.gather [hbm4b:s4+s15], $0x40, s11, s15, $0xb8;
	[tilespmem:$0x1AD00] =	vst v63  }
0x95: {  	_ =	swait.ge [sflag:s24], $0x2000  }
0x96: {  	[sflag:s24] =	ssyncset.done $0x0  }
0x97: {  	s10 =	sadd.s32 $0x580, s10;
	[sflag:s24] =	ssyncadd.s32 $0xFFFFE000  }
0x98: {  	[tilespmem:s25], [sflag:$0x6] =	stream.indirect.gather [hbm4b:s4+s15], $0x40, s10, s15, $0xb8;
	[tilespmem:$0x1AD00] =	vst v63  }
0x99: {  	_ =	swait.ge [sflag:s26], $0x2000  }
0x9a: {  	[sflag:s26] =	ssyncset.done $0x0  }
0x9b: {  	s9 =	simm.s32 $0x4B00;
	[sflag:s26] =	ssyncadd.s32 $0xFFFFE000  }
0x9c: {  	[spmem:s2] =	stream.indirect.scatter.add.f32 [tilespmem:s16], [sflag:$0x7], $0x40, s9, s15, $0xb8;
	[tilespmem:$0x1AD00] =	vst v63  }
0x9d: {  	_ =	swait.ge [sflag:s28], $0x2000  }
0x9e: {  	[sflag:s28] =	ssyncset.done $0x0  }
0x9f: {  	s11 =	simm.s32 $0x4B80;
	[sflag:s28] =	ssyncadd.s32 $0xFFFFE000  }
0xa0: {  	[spmem:s2] =	stream.indirect.scatter.add.f32 [tilespmem:s17], [sflag:$0x8], $0x40, s11, s15, $0xb8;
	[tilespmem:$0x1AD00] =	vst v63  }
0xa1: {  	_ =	swait.ge [sflag:s29], $0x2000  }
0xa2: {  	[sflag:s29] =	ssyncset.done $0x0  }
0xa3: {  	s10 =	simm.s32 $0x4C00;
	[sflag:s29] =	ssyncadd.s32 $0xFFFFE000  }
0xa4: {  	[spmem:s2] =	stream.indirect.scatter.add.f32 [tilespmem:s19], [sflag:$0x9], $0x40, s10, s15, $0xb8;
	[tilespmem:$0x1AD00] =	vst v63  }
0xa5: {  	_ =	swait.ge [sflag:s30], $0x2000  }
0xa6: {  	[sflag:s30] =	ssyncset.done $0x0  }
0xa7: {  	s11 =	simm.s32 $0x4C80;
	[sflag:s30] =	ssyncadd.s32 $0xFFFFE000  }
0xa8: {  	[spmem:s2] =	stream.indirect.scatter.add.f32 [tilespmem:s21], [sflag:$0xA], $0x40, s11, s15, $0xb8;
	[tilespmem:$0x1AD00] =	vst v63  }
0xa9: {  	_ =	swait.ge [sflag:s31], $0x2000  }
0xaa: {  	[sflag:s31] =	ssyncset.done $0x0  }
0xab: {  	s10 =	simm.s32 $0x4D00;
	[sflag:s31] =	ssyncadd.s32 $0xFFFFE000  }
0xac: {  	[spmem:s2] =	stream.indirect.scatter.add.f32 [tilespmem:s23], [sflag:$0xB], $0x40, s10, s15, $0xb8;
	[tilespmem:$0x1AD00] =	vst v63  }
0xad: {  	_ =	swait.ge [sflag:s0], $0x2000  }
0xae: {  	[sflag:s0] =	ssyncset.done $0x0  }
0xaf: {  	s11 =	simm.s32 $0x4D80;
	[sflag:s0] =	ssyncadd.s32 $0xFFFFE000  }
0xb0: {  	[spmem:s2] =	stream.indirect.scatter.add.f32 [tilespmem:s25], [sflag:$0xC], $0x40, s11, s15, $0xb8;
	[tilespmem:$0x1AD00] =	vst v63  }
0xb1: {  	_ =	swait.ge [sflag:s14], $0x2000  }
0xb2: {  	[sflag:s14] =	ssyncset.done $0x0  }
0xb3: {  	[sflag:s14] =	ssyncadd.s32 $0xFFFFE000  }
0xb4: {  	_ =	swait.ge [sflag:s1], $0x2000  }
0xb5: {  	[sflag:s1] =	ssyncset.done $0x0  }
0xb6: {  	[sflag:s1] =	ssyncadd.s32 $0xFFFFE000  }
0xb7: {  	_ =	swait.ge [sflag:s18], $0x2000  }
0xb8: {  	[sflag:s18] =	ssyncset.done $0x0  }
0xb9: {  	[sflag:s18] =	ssyncadd.s32 $0xFFFFE000  }
0xba: {  	_ =	swait.ge [sflag:s20], $0x2000  }
0xbb: {  	[sflag:s20] =	ssyncset.done $0x0  }
0xbc: {  	[sflag:s20] =	ssyncadd.s32 $0xFFFFE000  }
0xbd: {  	_ =	swait.ge [sflag:s22], $0x2000  }
0xbe: {  	[sflag:s22] =	ssyncset.done $0x0  }
0xbf: {  	[sflag:s22] =	ssyncadd.s32 $0xFFFFE000  }
0xc0: {  	_ =	swait.ge [sflag:s24], $0x2000  }
0xc1: {  	s9 =	simm.s32 @!p0 $0x80;
	[sflag:s24] =	ssyncset.done $0x0  }
0xc2: {  	s10 =	simm.s32 @!p0 $0x4E00;
	s11 =	simm.s32 @!p0 $0x4F00;
	[sflag:s24] =	ssyncadd.s32 $0xFFFFE000  }
0xc3: {  	[tilespmem:s11], [sflag:$0x1] =	stream.indirect.gather @!p0 [hbm4b:s4+s9], $0x40, s10, s9, $0xb8;
	[tilespmem:$0x1AD00] =	vst v63  }
0xc4: {  	s10 =	simm.s32 @!p0 $0x1  }
0xc5: {  	_ =	swait.ge @!p0 [sflag:s10], $0x2000  }
0xc6: {  	[sflag:s10] =	ssyncset.done @!p0 $0x0  }
0xc7: {  	[sflag:s10] =	ssyncadd.s32 @!p0 $0xFFFFE000;
	s10 =	simm.s32 @!p0 $0x4E80  }
0xc8: {  	[spmem:s2] =	stream.indirect.scatter.add.f32 @!p0 [tilespmem:s11], [sflag:$0xD], $0x40, s10, s9, $0xb8;
	[tilespmem:$0x1AD00] =	vst v63  }
0xc9: {  	s9 =	simm.s32 @!p0 $0xD  }
0xca: {  	_ =	swait.ge @!p0 [sflag:s9], $0x2000  }
0xcb: {  	[sflag:s9] =	ssyncset.done @!p0 $0x0  }
0xcc: {  	s6 =	sadd.s32 $0x1, s6;
	[sflag:s9] =	ssyncadd.s32 @!p0 $0xFFFFE000  }
0xcd: {  	p1 =	sne.s32 s6, s12;
	[bflag:$0x0] =	sbarrier.arrive $0xFFFF  }
.Ltmp1:
0xce: {  	s11 =	simm.s32 $0x10;
	s10 =	rddreg [dreg:$0x8];
	(pc) =	sbr.rel @p1 .LBB2_1-.Ltmp1, $4  }
0xcf: {  	[hbm:s10@s11], [sflag:s7] =	dma.strided [spmem:s8@s1], $0x13C0, s26, $0x8   }
0xd0: {  	_ =	swait.ge [sflag:s13], $0x13C0  }
0xd1: {  	[sflag:s13] =	ssyncset.done $0x0  }
0xd2: {  	[sflag:s13] =	ssyncadd.s32 $0xFFFFEC40  }
0xd3: {  	_ =	sfence.sel $0x180000  }
0xd4: {  	[bflag:$0x0] =	sbarrier.arrive $0xFFFF  }
0xd5: {  	_ =	strace $0x9000004A  }
0xd6: {  	s0 =	stileid.u32;
	[bflag:$0x2] =	sbarrier.arrive $0xFFFF  }
0xd7: {  	p0 =	sne.s32 s0, $0x0;
	s0 =	rddreg [dreg:$0x2]  }
0xd8: {  	s0 =	sadd.s32 @!p0 $0x100000, s0  }
0xd9: {  	[sflag:s0] =	ssyncadd.tile.s32 @!p0 $0x1;
	_ =	shalt  }
.Lfunc_end2:
_tile_overlayer_lowered:
.L_overlay_start_2:
0xda: {  	(tag) =	ssettag $0x2  }
0xdb: {  	s0 =	rddreg [dreg:$0x0];
	s2 =	stileid.u32  }
0xdc: {  	s1 =	rddreg [dreg:$0x1];
	p0 =	sne.s32 s2, $0x0  }
0xdd: {  	s3 =	rddreg [dreg:$0x2];
	[bflag:$0x3] =	sbarrier.arrive $0xFFFF;
	s2 =	simm.s32 @!p0 $0x1C0D  }
0xde: {  	[timem:s3], [sflag:s2] =	dma.local @!p0 [hbm:s0], s1  }
0xdf: {  	s0 =	simm.s32 @!p0 $0xD  }
0xe0: {  	_ =	swait.ge @!p0 [sflag:s0], s1  }
0xe1: {  	s1 =	ssub.s32 @!p0 $0x0, s1;
	[sflag:s0] =	ssyncset.done @!p0 $0x0  }
0xe2: {  	[sflag:s0] =	ssyncadd.s32 @!p0 s1  }
0xe3: {  	[bflag:$0x3] =	sbarrier.arrive $0xFFFF  }
0xe4: {  	_ =	shalt  }

// kernel: kernel.14.cloned.1.call-start
scs
__scs_entry_jumppad:
0x0: {  	(pc) =	sbr.rel $0x88, $3  }
0x1: {  	(tag) =	ssettag $0x0;
	lr =	simm.s32 $0x1  }
0x2: {  	[smem:$0x3F92] =	sst lr;
	_ =	strace $0xD0000000  }
0x3: {  	_ = 	snop  }
0x4: {  	_ = 	snop  }
0x5: {  	_ = 	snop  }
0x6: {  	_ = 	snop  }
0x7: {  	_ = 	snop  }
__scs_overlays_trampoline_lowered:
0x8: {  	[smem:$0x3FA1] =	sst s0  }
0x9: {  	[smem:$0x3FA2] =	sst s1  }
0xa: {  	[smem:$0x3FA3] =	sst s2  }
0xb: {  	[smem:$0x3FA4] =	sst s3  }
0xc: {  	[smem:$0x3FA5] =	sst s4  }
0xd: {  	[smem:$0x3FA6] =	sst s5  }
0xe: {  	[smem:$0x3FA7] =	sst s6  }
0xf: {  	[smem:$0x3FA8] =	sst s7  }
0x10: {  	[smem:$0x3FA9] =	sst s8  }
0x11: {  	[smem:$0x3FAA] =	sst s9;
	s0 =	simm.s32 @!p0 $0x0  }
0x12: {  	s1 =	sld [smem:$0x3F90];
	s0 =	simm.s32 @p0 $0x1  }
0x13: {  	[smem:$0x3FAB] =	sst s0;
	s0 =	simm.s32 @!p1 $0x0  }
0x14: {  	s2 =	sld [smem:$0x3F8F];
	s0 =	simm.s32 @p1 $0x1  }
0x15: {  	[smem:$0x3FAC] =	sst s0;
	s0 =	simm.s32 @!p2 $0x0  }
0x16: {  	s3 =	sld [smem:$0x3FDB];
	s0 =	simm.s32 @p2 $0x1  }
0x17: {  	s4 =	simm.s32 $0x1BF5;
	[smem:$0x3FAE] =	sst s0  }
0x18: {  	s0 =	sld [smem:$0x3F91];
	_ =	swait.ge [sflag:s4], $0x0  }
0x19: {  	s7 =	sld [smem:$0x3F92]  }
0x1a: {  	s8 =	sadd.s32 $0xFFFFE003, lr  }
0x1b: {  	s9 =	sadd.s32 $0xFFFFFEF7, lr;
	s5 =	simm.s32 $0xFFFFFFFF;
	p2 =	slt.u32 s8, $0xFFFFF086  }
0x1c: {  	p1 =	slt.u32 s9, $0xF7A;
	s5 =	simm.s32 @!p2 $0x0  }
0x1d: {  	s5 =	simm.s32 @p1 $0x1;
	p0 =	seq.s32 s7, s2  }
0x1e: {  	s7 =	smul.u32 @!p0 $0xF7A, s2;
	p2 =	seq.s32 @!p0 s5, $0x0  }
0x1f: {  	s9 =	smul.u32 $0xF7A, s1;
	s8 =	simm.s32 @!p0 $0x1BF5;
	p2 =	por !p2, p0  }
0x20: {  	[sflag:s8] =	ssyncset.s32 @!p0 $0xFFFFF086;
	s6 =	sadd.s32 @!p0 s3, s7;
	s7 =	simm.s32 @!p0 $0x108  }
0x21: {  	s3 =	sadd.s32 s3, s9;
	s6 =	sadd.s32 @!p0 $0x88, s6;
	s7 =	simm.s32 @p2 $0x1082  }
0x22: {  	[simem:s7], [sflag:s8] =	dma.local @!p0 [hbm:s6], $0xF7A  }
0x23: {  	s9 =	sor.u32 $0xD0000000, s2;
	s6 =	simm.s32 $0x108;
	_ =	swait.ge @!p0 [sflag:s8], $0x0  }
0x24: {  	s3 =	sadd.s32 $0x88, s3;
	s6 =	simm.s32 @!p1 $0x1082;
	[sflag:s4] =	ssyncset.s32 $0xFFFFF086  }
0x25: {  	[simem:s6], [sflag:s4] =	dma.local [hbm:s3], $0xF7A  }
0x26: {  	[smem:$0x3F92] =	sst s1;
	(tag) =	ssettag s2;
	_ =	strace s9  }
0x27: {  	s1 =	sld [smem:$0x3FA2]  }
0x28: {  	s2 =	sld [smem:$0x3FA3]  }
0x29: {  	s4 =	sld [smem:$0x3FA5]  }
0x2a: {  	p0 =	seq.s32 s5, $0x0;
	s5 =	sld [smem:$0x3FA6]  }
0x2b: {  	s6 =	sld [smem:$0x3FA7]  }
0x2c: {  	s7 =	sld [smem:$0x3FA8]  }
0x2d: {  	s3 =	simm.s32 $0x108;
	s8 =	sld [smem:$0x3FA9]  }
0x2e: {  	s3 =	simm.s32 @!p0 $0x1082;
	s9 =	sld [smem:$0x3FAA]  }
0x2f: {  	lr =	sadd.s32 s0, s3;
	s0 =	sld [smem:$0x3FA1]  }
0x30: {  	s3 =	sld [smem:$0x3FA4]  }
0x31: {  	[smem:$0x3FAD] =	sst s10  }
0x32: {  	s10 =	sld [smem:$0x3FAB];
	_ =	sdelay $0x3  }
0x33: {  	p0 =	seq.s32 s10, $0x1;
	s10 =	sld [smem:$0x3FAD];
	_ =	sdelay $0x3  }
0x34: {  	[smem:$0x3FAD] =	sst s10  }
0x35: {  	s10 =	sld [smem:$0x3FAC];
	_ =	sdelay $0x3  }
0x36: {  	p1 =	seq.s32 s10, $0x1;
	s10 =	sld [smem:$0x3FAD];
	_ =	sdelay $0x3  }
0x37: {  	[smem:$0x3FAD] =	sst s10  }
0x38: {  	s10 =	sld [smem:$0x3FAE]  }
0x39: {  	_ = 	snop;
	(pc) =	sbr.ind lr, $3  }
0x3a: {  	_ = 	snop  }
0x3b: {  	_ = 	snop  }
0x3c: {  	p2 =	seq.s32 s10, $0x1;
	s10 =	sld [smem:$0x3FAD]  }
0x3d: {  	_ =	shalt  }
0x3e: {  	_ =	shalt  }
0x3f: {  	_ =	shalt  }
0x40: {  	_ =	shalt  }
0x41: {  	_ =	shalt  }
0x42: {  	_ =	shalt  }
0x43: {  	_ =	shalt  }
0x44: {  	_ =	shalt  }
0x45: {  	_ =	shalt  }
0x46: {  	_ =	shalt  }
0x47: {  	_ =	shalt  }
0x48: {  	_ =	shalt  }
0x49: {  	_ =	shalt  }
0x4a: {  	_ =	shalt  }
0x4b: {  	_ =	shalt  }
0x4c: {  	_ =	shalt  }
0x4d: {  	_ =	shalt  }
0x4e: {  	_ =	shalt  }
0x4f: {  	_ =	shalt  }
0x50: {  	_ =	shalt  }
0x51: {  	_ =	shalt  }
0x52: {  	_ =	shalt  }
0x53: {  	_ =	shalt  }
0x54: {  	_ =	shalt  }
0x55: {  	_ =	shalt  }
0x56: {  	_ =	shalt  }
0x57: {  	_ =	shalt  }
0x58: {  	_ =	shalt  }
0x59: {  	_ =	shalt  }
0x5a: {  	_ =	shalt  }
0x5b: {  	_ =	shalt  }
0x5c: {  	_ =	shalt  }
0x5d: {  	_ =	shalt  }
0x5e: {  	_ =	shalt  }
0x5f: {  	_ =	shalt  }
0x60: {  	_ =	shalt  }
0x61: {  	_ =	shalt  }
0x62: {  	_ =	shalt  }
0x63: {  	_ =	shalt  }
0x64: {  	_ =	shalt  }
0x65: {  	_ =	shalt  }
0x66: {  	_ =	shalt  }
0x67: {  	_ =	shalt  }
0x68: {  	_ =	shalt  }
0x69: {  	_ =	shalt  }
0x6a: {  	_ =	shalt  }
0x6b: {  	_ =	shalt  }
0x6c: {  	_ =	shalt  }
0x6d: {  	_ =	shalt  }
0x6e: {  	_ =	shalt  }
0x6f: {  	_ =	shalt  }
0x70: {  	_ =	shalt  }
0x71: {  	_ =	shalt  }
0x72: {  	_ =	shalt  }
0x73: {  	_ =	shalt  }
0x74: {  	_ =	shalt  }
0x75: {  	_ =	shalt  }
0x76: {  	_ =	shalt  }
0x77: {  	_ =	shalt  }
0x78: {  	_ =	shalt  }
0x79: {  	_ =	shalt  }
0x7a: {  	_ =	shalt  }
0x7b: {  	_ =	shalt  }
0x7c: {  	_ =	shalt  }
0x7d: {  	_ =	shalt  }
0x7e: {  	_ =	shalt  }
0x7f: {  	_ =	shalt  }
0x80: {  	_ =	shalt  }
0x81: {  	_ =	shalt  }
0x82: {  	_ =	shalt  }
0x83: {  	_ =	shalt  }
0x84: {  	_ =	shalt  }
0x85: {  	_ =	shalt  }
0x86: {  	_ =	shalt  }
0x87: {  	_ =	shalt  }
.Lfunc_end0:
.L_simem_size_0:
called_computation.2_lowered:
.L_overlay_start_0:
0x88: {  	s2 =	sld [smem:$0x3FD9]  }
0x89: {  	s3 =	sld [smem:$0x3FFE];
	_ =	sdelay $0x1  }
0x8a: {  	s1 =	srdreg.scid  }
0x8b: {  	s0 =	sand.u32 $0x1, s1  }
0x8c: {  	s16 =	sshll.u32 s0, $0xA;
	s2 =	sadd.s32 s3, s2  }
0x8d: {  	s2 =	sadd.s32 s2, s16  }
0x8e: {  	[smem:$0x3FB9] =	sst s2  }
0x8f: {  	_ = 	snop  }
0x90: {  	(tm) =	ssettm $0x1  }
0x91: {  	s17 =	sld [smem:$0x3FFB];
	_ =	sdelay $0x3  }
0x92: {  	_ =	strace s17  }
0x93: {  	s2 =	sld [smem:$0x3FFC];
	_ =	sdelay $0x3  }
0x94: {  	_ =	strace s2  }
0x95: {  	s2 =	sld [smem:$0x3FFD];
	_ =	sdelay $0x3  }
0x96: {  	_ =	strace s2  }
0x97: {  	_ =	strace $0x8FFFFFFF  }
0x98: {  	s18 =	sld [smem:$0x3FDB];
	_ =	sdelay $0x1  }
0x99: {  	s19 =	simm.s32 $_scs_section_size  }
0x9a: {  	s4 =	simm.s32 $_size__tile_overlayer_lowered;
	s5 =	simm.s32 $_tile_overlayer_lowered  }
0x9b: {  	s22 =	simm.s32 $0x1BFF;
	s21 =	sshll.u32 s5, $0x1;
	s2 =	sadd.s32 s19, s18  }
0x9c: {  	s6 =	simm.s32 $0x0;
	s20 =	sshll.u32 s4, $0x1;
	s4 =	sadd.s32 s21, s2  }
0x9d: {  	[timem:s6], [sflag:s22] =	dma.local [hbm:s4], s20  }
0x9e: {  	_ =	swait.ge [sflag:s22], s20  }
0x9f: {  	s3 =	ssub.s32 $0x0, s20;
	[sflag:s22] =	ssyncset.done $0x0  }
0xa0: {  	[sflag:s22] =	ssyncadd.s32 s3;
	_ =	sdelay $0x1  }
0xa1: {  	s23 =	simm.s32 $0x1B8B  }
0xa2: {  	_ =	swait.ge [sflag:s23], $0x1  }
0xa3: {  	[sflag:s23] =	ssyncset.done $0x0  }
0xa4: {  	s25 =	simm.s32 $0x1B8E;
	s24 =	sld [smem:$0x3FFE];
	[sflag:s23] =	ssyncadd.s32 $0xFFFFFFFF  }
0xa5: {  	s26 =	simm.s32 $execute0_lowered;
	[smem:$0x3FD2] =	sst s25  }
0xa6: {  	s4 =	sshll.u32 s26, $0x1;
	_ =	strace $0x8000004C;
	[dreg:$0x1] =	wrdreg $0xFFFFFFFF  }
0xa7: {  	s28 =	simm.s32 $_size_execute0_lowered;
	s2 =	sadd.s32 s2, s4;
	[dreg:$0x0] =	wrdreg $0x0  }
0xa8: {  	s4 =	sshll.u32 s28, $0x1;
	[dreg:$0x2] =	wrdreg s2  }
0xa9: {  	[dreg:$0x3] =	wrdreg s4  }
0xaa: {  	[dreg:$0x4] =	wrdreg $0xC0  }
0xab: {  	_ =	task [dreg:s6], $0x5FFFF  }
0xac: {  	[dreg:$0x1] =	wrdreg $0xFFFFFFFF  }
0xad: {  	[dreg:$0x0] =	wrdreg $0x60  }
0xae: {  	[dreg:$0x2] =	wrdreg s24  }
0xaf: {  	[dreg:$0x3] =	wrdreg $0xAF000  }
0xb0: {  	[dreg:$0x4] =	wrdreg $0x9  }
0xb1: {  	_ =	task.clear_ibuf [dreg:s6], $0x5FFFF;
	_ =	strace $0x9000004C  }
0xb2: {  	s29 =	simm.s32 $0x9;
	_ =	strace $0x8000004E  }
0xb3: {  	_ =	swait.ge [sflag:s29], $0x1  }
0xb4: {  	[sflag:s29] =	ssyncadd.s32 $0xFFFFFFFF  }
0xb5: {  	_ =	strace $0x9000004E  }
0xb6: {  	_ =	sfence  }
0xb7: {  	s30 =	sld [smem:$0x0];
	_ =	sdelay $0x2  }
0xb8: {  	s31 =	sshll.u32 s1, $0xD;
	s1 =	sshrl.u32 s1, $0x2  }
0xb9: {  	s3 =	sand.u32 $0x4000, s31;
	s1 =	sadd.s32 s1, s30  }
0xba: {  	s0 =	sor.u32 s3, s0;
	s1 =	sshll.u32 s1, $0x11  }
0xbb: {  	s0 =	sor.u32 s1, s0  }
0xbc: {  	s0 =	sadd.s32 $0x8F2B, s0  }
0xbd: {  	[sflag:s0] =	ssyncadd.remote.s32 $0x1  }
0xbe: {  	_ =	sfence.sel $0xFFFF  }
0xbf: {  	[dreg:$0x0] =	wrdreg $0xFFFFFFFF;
	(pc) =	sbr.abs _section_cstart, $3  }
0xc0: {  	[dreg:$0x1] =	wrdreg $0xFFFFFFFF  }
0xc1: {  	_ =	task.clear_ibuf [dreg:s6], $0x2FFFF;
	_ =	strace $0x9FFFFFFF  }
0xc2: {  	(tm) =	ssettm $0x7FFFFFFF  }
0xc3: {  	_ =	shalt  }
tec
execute0_lowered:
.L_overlay_start_1:
0x0: {  	(tag) =	ssettag $0x1  }
0x1: {  	s0 =	rddreg [dreg:$0x0]  }
0x2: {  	s2 =	rddreg [dreg:$0x1];
	s3 =	simm.s32 $0x0  }
0x3: {  	s9 =	stileid.u32;
	s1 =	srdreg.scid;
	s13 =	simm.s32 $0xD  }
0x4: {  	s15 =	simm.s32 $0x80;
	s16 =	simm.s32 $0x4F00;
	s17 =	simm.s32 $0x5F00  }
0x5: {  	s28 =	simm.s32 $0x2;
	s29 =	simm.s32 $0x3;
	s30 =	simm.s32 $0x4  }
0x6: {  	s31 =	simm.s32 $0x5;
	s14 =	simm.s32 $0x7;
	s18 =	simm.s32 $0x9  }
0x7: {  	[smem:$0x7FF] =	sst s3;
	s1 =	sand.u32 $0x1, s1;
	s4 =	smul.u32 $0x13C00, s9  }
0x8: {  	s6 =	smul.u32 $0x4F00, s9;
	s8 =	sadd.s32 $0x3400, s0;
	_ =	strace $0x8000004D  }
0x9: {  	s5 =	sshll.u32 s1, $0x5;
	s7 =	sshll.u32 s1, $0x4;
	s1 =	ssub.s32 $0x2, s1  }
0xa: {  	s4 =	sor.u32 s5, s4;
	s7 =	sor.u32 s9, s7;
	s19 =	sshrl.u32 s6, $0x3  }
0xb: {  	s23 =	sshrl.u32 s1, $0x1;
	s6 =	sadd.s32 s6, s2;
	s20 =	sshrl.u32 s4, $0x3  }
0xc: {  	s10 =	smul.u32 $0x2700, s7;
	s4 =	sadd.s32 $0x16E00, s0;
	s11 =	sadd.s32 s19, s0  }
0xd: {  	s22 =	sshll.u32 s7, $0x4;
	s1 =	ssub.s32 s1, s23;
	[dreg:$0x6] =	wrdreg s6  }
0xe: {  	p0 =	slt.u32 s7, $0x1C;
	s19 =	simm.s32 $0x6F00;
	s23 =	simm.s32 $0x8F00  }
0xf: {  	s6 =	simm.s32 $0x0;
	s0 =	sadd.s32 s20, s0;
	s26 =	sadd.s32 $0x20C00, s11  }
0x10: {  	s12 =	smax.u32 s1, $0x1;
	s1 =	simm.s32 $0x8;
	s20 =	simm.s32 $0xA  }
0x11: {  	s21 =	sshrl.u32 s10, $0x3;
	[dreg:$0x7] =	wrdreg s26;
	s0 =	sadd.s32 $0x2AA00, s0  }
0x12: {  	s26 =	simm.s32 $0x1;
	s5 =	sadd.s32 s8, s21;
	s8 =	sadd.s32 s8, s22  }
0x13: {  	[dreg:$0x8] =	wrdreg s0;
	s21 =	simm.s32 $0x7F00;
	s24 =	sadd.s32 $0x9C40, s5  }
0x14: {  	s0 =	simm.s32 $0x6;
	s25 =	sadd.s32 $0x9A40, s8;
	[dreg:$0x3] =	wrdreg s24  }
0x15: {  	s22 =	simm.s32 $0xB;
	s8 =	sadd.s32 $0x13680, s8;
	[dreg:$0x4] =	wrdreg s25  }
0x16: {  	[dreg:$0x5] =	wrdreg s8;
	s25 =	simm.s32 $0x9F00;
	s24 =	simm.s32 $0xC  }
.LBB2_1:
0x17: {  	[tilespmem:s3], [sflag:$0xD] =	stream.linear.gather [hbm4b:s5+s3], $0x2700, $0x38;
	[tilespmem:$0xFE00] =	vst v63  }
0x18: {  	_ =	swait.ge [sflag:s13], $0x2700  }
0x19: {  	[sflag:s13] =	ssyncset.done $0x0  }
0x1a: {  	s8 =	simm.s32 $0x2700;
	s7 =	rddreg [dreg:$0x3];
	[sflag:s13] =	ssyncadd.s32 $0xFFFFD900  }
0x1b: {  	[tilespmem:s8], [sflag:$0xD] =	stream.linear.gather [hbm4b:s7+s3], $0x2700, $0x38;
	[tilespmem:$0xFE00] =	vst v63  }
0x1c: {  	_ =	swait.ge [sflag:s13], $0x2700  }
0x1d: {  	s7 =	simm.s32 @!p0 $0x0;
	[sflag:s13] =	ssyncset.done $0x0  }
0x1e: {  	s8 =	simm.s32 @!p0 $0x4E00;
	s9 =	rddreg [dreg:$0x4];
	[sflag:s13] =	ssyncadd.s32 $0xFFFFD900  }
0x1f: {  	[tilespmem:s8], [sflag:$0xD] =	stream.linear.gather @!p0 [hbm4b:s9+s7], $0x80, $0x38;
	[tilespmem:$0xFE00] =	vst v63  }
0x20: {  	s8 =	simm.s32 @!p0 $0xD  }
0x21: {  	_ =	swait.ge @!p0 [sflag:s8], $0x80  }
0x22: {  	[sflag:s8] =	ssyncset.done @!p0 $0x0  }
0x23: {  	s9 =	simm.s32 @!p0 $0x4E80;
	s10 =	rddreg [dreg:$0x5];
	[sflag:s8] =	ssyncadd.s32 @!p0 $0xFFFFFF80  }
0x24: {  	[tilespmem:s9], [sflag:$0xD] =	stream.linear.gather @!p0 [hbm4b:s10+s7], $0x80, $0x38;
	[tilespmem:$0xFE00] =	vst v63  }
0x25: {  	_ =	swait.ge @!p0 [sflag:s8], $0x80  }
0x26: {  	[sflag:s8] =	ssyncset.done @!p0 $0x0  }
0x27: {  	[sflag:s8] =	ssyncadd.s32 @!p0 $0xFFFFFF80  }
0x28: {  	[tilespmem:s16], [sflag:$0x1] =	stream.indirect.gather [hbm4b:s4+s15], $0x20, s3, s15, $0xb8;
	[tilespmem:$0xFE00] =	vst v63  }
0x29: {  	_ = 	snop  }
0x2a: {  	[tilespmem:s17], [sflag:$0x2] =	stream.indirect.gather [hbm4b:s4+s15], $0x20, s15, s15, $0xb8;
	[tilespmem:$0xFE00] =	vst v63  }
0x2b: {  	s8 =	simm.s32 $0x100  }
0x2c: {  	[tilespmem:s19], [sflag:$0x3] =	stream.indirect.gather [hbm4b:s4+s15], $0x20, s8, s15, $0xb8;
	[tilespmem:$0xFE00] =	vst v63  }
0x2d: {  	s11 =	simm.s32 $0x280;
	s9 =	simm.s32 $0x180;
	s8 =	stileid.u32  }
0x2e: {  	[tilespmem:s21], [sflag:$0x4] =	stream.indirect.gather [hbm4b:s4+s15], $0x20, s9, s15, $0xb8;
	[tilespmem:$0xFE00] =	vst v63  }
0x2f: {  	s10 =	simm.s32 $0x200;
	s7 =	sshll.u32 s8, $0x6;
	s9 =	rddreg [dreg:$0x6]  }
0x30: {  	[tilespmem:s23], [sflag:$0x5] =	stream.indirect.gather [hbm4b:s4+s15], $0x20, s10, s15, $0xb8;
	[tilespmem:$0xFE00] =	vst v63  }
0x31: {  	s7 =	sor.u32 $0x1C0D, s7;
	s8 =	sshrl.u32 s9, $0x3;
	s10 =	rddreg [dreg:$0x7]  }
0x32: {  	[tilespmem:s25], [sflag:$0x6] =	stream.indirect.gather [hbm4b:s4+s15], $0x20, s11, s15, $0xb8;
	[tilespmem:$0xFE00] =	vst v63  }
0x33: {  	[spmem:s8], [sflag:s7] =	dma.local [hbm:s10], $0x9E0  }
0x34: {  	_ =	swait.ge [sflag:s13], $0x9E0  }
0x35: {  	[sflag:s13] =	ssyncset.done $0x0  }
0x36: {  	[sflag:s13] =	ssyncadd.s32 $0xFFFFF620  }
0x37: {  	[bflag:$0x0] =	sbarrier.arrive $0xFFFF  }
0x38: {  	_ =	swait.ge [sflag:s26], $0x1000  }
0x39: {  	[sflag:s26] =	ssyncset.done $0x0  }
0x3a: {  	s11 =	simm.s32 $0x2700;
	[sflag:s26] =	ssyncadd.s32 $0xFFFFF000  }
0x3b: {  	[spmem:s2] =	stream.indirect.scatter.add.f32 [tilespmem:s16], [sflag:$0x7], $0x20, s11, s15, $0xb8;
	[tilespmem:$0xFE00] =	vst v63  }
0x3c: {  	_ =	swait.ge [sflag:s28], $0x1000  }
0x3d: {  	[sflag:s28] =	ssyncset.done $0x0  }
0x3e: {  	s10 =	simm.s32 $0x2780;
	[sflag:s28] =	ssyncadd.s32 $0xFFFFF000  }
0x3f: {  	[spmem:s2] =	stream.indirect.scatter.add.f32 [tilespmem:s17], [sflag:$0x8], $0x20, s10, s15, $0xb8;
	[tilespmem:$0xFE00] =	vst v63  }
0x40: {  	_ =	swait.ge [sflag:s29], $0x1000  }
0x41: {  	[sflag:s29] =	ssyncset.done $0x0  }
0x42: {  	s11 =	simm.s32 $0x2800;
	[sflag:s29] =	ssyncadd.s32 $0xFFFFF000  }
0x43: {  	[spmem:s2] =	stream.indirect.scatter.add.f32 [tilespmem:s19], [sflag:$0x9], $0x20, s11, s15, $0xb8;
	[tilespmem:$0xFE00] =	vst v63  }
0x44: {  	_ =	swait.ge [sflag:s30], $0x1000  }
0x45: {  	[sflag:s30] =	ssyncset.done $0x0  }
0x46: {  	s10 =	simm.s32 $0x2880;
	[sflag:s30] =	ssyncadd.s32 $0xFFFFF000  }
0x47: {  	[spmem:s2] =	stream.indirect.scatter.add.f32 [tilespmem:s21], [sflag:$0xA], $0x20, s10, s15, $0xb8;
	[tilespmem:$0xFE00] =	vst v63  }
0x48: {  	_ =	swait.ge [sflag:s31], $0x1000  }
0x49: {  	[sflag:s31] =	ssyncset.done $0x0  }
0x4a: {  	s11 =	simm.s32 $0x2900;
	[sflag:s31] =	ssyncadd.s32 $0xFFFFF000  }
0x4b: {  	[spmem:s2] =	stream.indirect.scatter.add.f32 [tilespmem:s23], [sflag:$0xB], $0x20, s11, s15, $0xb8;
	[tilespmem:$0xFE00] =	vst v63  }
0x4c: {  	_ =	swait.ge [sflag:s0], $0x1000  }
0x4d: {  	[sflag:s0] =	ssyncset.done $0x0  }
0x4e: {  	s10 =	simm.s32 $0x2980;
	[sflag:s0] =	ssyncadd.s32 $0xFFFFF000  }
0x4f: {  	[spmem:s2] =	stream.indirect.scatter.add.f32 [tilespmem:s25], [sflag:$0xC], $0x20, s10, s15, $0xb8;
	[tilespmem:$0xFE00] =	vst v63  }
0x50: {  	_ =	swait.ge [sflag:s14], $0x1000  }
0x51: {  	[sflag:s14] =	ssyncset.done $0x0  }
0x52: {  	s11 =	simm.s32 $0x300;
	[sflag:s14] =	ssyncadd.s32 $0xFFFFF000  }
0x53: {  	[tilespmem:s16], [sflag:$0x1] =	stream.indirect.gather [hbm4b:s4+s15], $0x20, s11, s15, $0xb8;
	[tilespmem:$0xFE00] =	vst v63  }
0x54: {  	_ =	swait.ge [sflag:s1], $0x1000  }
0x55: {  	[sflag:s1] =	ssyncset.done $0x0  }
0x56: {  	s10 =	simm.s32 $0x380;
	[sflag:s1] =	ssyncadd.s32 $0xFFFFF000  }
0x57: {  	[tilespmem:s17], [sflag:$0x2] =	stream.indirect.gather [hbm4b:s4+s15], $0x20, s10, s15, $0xb8;
	[tilespmem:$0xFE00] =	vst v63  }
0x58: {  	_ =	swait.ge [sflag:s18], $0x1000  }
0x59: {  	[sflag:s18] =	ssyncset.done $0x0  }
0x5a: {  	s11 =	simm.s32 $0x400;
	[sflag:s18] =	ssyncadd.s32 $0xFFFFF000  }
0x5b: {  	[tilespmem:s19], [sflag:$0x3] =	stream.indirect.gather [hbm4b:s4+s15], $0x20, s11, s15, $0xb8;
	[tilespmem:$0xFE00] =	vst v63  }
0x5c: {  	_ =	swait.ge [sflag:s20], $0x1000  }
0x5d: {  	[sflag:s20] =	ssyncset.done $0x0  }
0x5e: {  	s10 =	simm.s32 $0x480;
	[sflag:s20] =	ssyncadd.s32 $0xFFFFF000  }
0x5f: {  	[tilespmem:s21], [sflag:$0x4] =	stream.indirect.gather [hbm4b:s4+s15], $0x20, s10, s15, $0xb8;
	[tilespmem:$0xFE00] =	vst v63  }
0x60: {  	_ =	swait.ge [sflag:s22], $0x1000  }
0x61: {  	[sflag:s22] =	ssyncset.done $0x0  }
0x62: {  	s11 =	simm.s32 $0x500;
	[sflag:s22] =	ssyncadd.s32 $0xFFFFF000  }
0x63: {  	[tilespmem:s23], [sflag:$0x5] =	stream.indirect.gather [hbm4b:s4+s15], $0x20, s11, s15, $0xb8;
	[tilespmem:$0xFE00] =	vst v63  }
0x64: {  	_ =	swait.ge [sflag:s24], $0x1000  }
0x65: {  	[sflag:s24] =	ssyncset.done $0x0  }
0x66: {  	s9 =	simm.s32 $0xC00;
	s10 =	simm.s32 $0x580;
	[sflag:s24] =	ssyncadd.s32 $0xFFFFF000  }
.LBB2_2:
0x67: {  	[tilespmem:s25], [sflag:$0x6] =	stream.indirect.gather [hbm4b:s4+s15], $0x20, s10, s15, $0xb8;
	[tilespmem:$0xFE00] =	vst v63  }
0x68: {  	s10 =	smov.u32 s9  }
0x69: {  	p1 =	sne.s32 s9, $0x8400;
	s9 =	sadd.s32 $0xC00, s9;
	_ =	swait.ge [sflag:s26], $0x1000  }
0x6a: {  	s10 =	sshra.s32 s10, $0x2;
	[sflag:s26] =	ssyncset.done $0x0  }
0x6b: {  	s11 =	sadd.s32 $0x2700, s10;
	[sflag:s26] =	ssyncadd.s32 $0xFFFFF000  }
0x6c: {  	[spmem:s2] =	stream.indirect.scatter.add.f32 [tilespmem:s16], [sflag:$0x7], $0x20, s11, s15, $0xb8;
	[tilespmem:$0xFE00] =	vst v63  }
0x6d: {  	_ =	swait.ge [sflag:s28], $0x1000  }
0x6e: {  	[sflag:s28] =	ssyncset.done $0x0  }
0x6f: {  	s11 =	sadd.s32 $0x2780, s10;
	[sflag:s28] =	ssyncadd.s32 $0xFFFFF000  }
0x70: {  	[spmem:s2] =	stream.indirect.scatter.add.f32 [tilespmem:s17], [sflag:$0x8], $0x20, s11, s15, $0xb8;
	[tilespmem:$0xFE00] =	vst v63  }
0x71: {  	_ =	swait.ge [sflag:s29], $0x1000  }
0x72: {  	[sflag:s29] =	ssyncset.done $0x0  }
0x73: {  	s11 =	sadd.s32 $0x2800, s10;
	[sflag:s29] =	ssyncadd.s32 $0xFFFFF000  }
0x74: {  	[spmem:s2] =	stream.indirect.scatter.add.f32 [tilespmem:s19], [sflag:$0x9], $0x20, s11, s15, $0xb8;
	[tilespmem:$0xFE00] =	vst v63  }
0x75: {  	_ =	swait.ge [sflag:s30], $0x1000  }
0x76: {  	[sflag:s30] =	ssyncset.done $0x0  }
0x77: {  	s11 =	sadd.s32 $0x2880, s10;
	[sflag:s30] =	ssyncadd.s32 $0xFFFFF000  }
0x78: {  	[spmem:s2] =	stream.indirect.scatter.add.f32 [tilespmem:s21], [sflag:$0xA], $0x20, s11, s15, $0xb8;
	[tilespmem:$0xFE00] =	vst v63  }
0x79: {  	_ =	swait.ge [sflag:s31], $0x1000  }
0x7a: {  	[sflag:s31] =	ssyncset.done $0x0  }
0x7b: {  	s11 =	sadd.s32 $0x2900, s10;
	[sflag:s31] =	ssyncadd.s32 $0xFFFFF000  }
0x7c: {  	[spmem:s2] =	stream.indirect.scatter.add.f32 [tilespmem:s23], [sflag:$0xB], $0x20, s11, s15, $0xb8;
	[tilespmem:$0xFE00] =	vst v63  }
0x7d: {  	_ =	swait.ge [sflag:s0], $0x1000  }
0x7e: {  	[sflag:s0] =	ssyncset.done $0x0  }
0x7f: {  	s11 =	sadd.s32 $0x2980, s10;
	[sflag:s0] =	ssyncadd.s32 $0xFFFFF000  }
0x80: {  	[spmem:s2] =	stream.indirect.scatter.add.f32 [tilespmem:s25], [sflag:$0xC], $0x20, s11, s15, $0xb8;
	[tilespmem:$0xFE00] =	vst v63  }
0x81: {  	_ =	swait.ge [sflag:s14], $0x1000  }
0x82: {  	[sflag:s14] =	ssyncset.done $0x0  }
0x83: {  	s11 =	sadd.s32 $0x300, s10;
	[sflag:s14] =	ssyncadd.s32 $0xFFFFF000  }
0x84: {  	[tilespmem:s16], [sflag:$0x1] =	stream.indirect.gather [hbm4b:s4+s15], $0x20, s11, s15, $0xb8;
	[tilespmem:$0xFE00] =	vst v63  }
0x85: {  	_ =	swait.ge [sflag:s1], $0x1000  }
0x86: {  	[sflag:s1] =	ssyncset.done $0x0  }
0x87: {  	s11 =	sadd.s32 $0x380, s10;
	[sflag:s1] =	ssyncadd.s32 $0xFFFFF000  }
0x88: {  	[tilespmem:s17], [sflag:$0x2] =	stream.indirect.gather [hbm4b:s4+s15], $0x20, s11, s15, $0xb8;
	[tilespmem:$0xFE00] =	vst v63  }
0x89: {  	_ =	swait.ge [sflag:s18], $0x1000  }
0x8a: {  	[sflag:s18] =	ssyncset.done $0x0  }
0x8b: {  	s11 =	sadd.s32 $0x400, s10;
	[sflag:s18] =	ssyncadd.s32 $0xFFFFF000  }
0x8c: {  	[tilespmem:s19], [sflag:$0x3] =	stream.indirect.gather [hbm4b:s4+s15], $0x20, s11, s15, $0xb8;
	[tilespmem:$0xFE00] =	vst v63  }
0x8d: {  	_ =	swait.ge [sflag:s20], $0x1000  }
0x8e: {  	[sflag:s20] =	ssyncset.done $0x0  }
0x8f: {  	s11 =	sadd.s32 $0x480, s10;
	[sflag:s20] =	ssyncadd.s32 $0xFFFFF000  }
0x90: {  	[tilespmem:s21], [sflag:$0x4] =	stream.indirect.gather [hbm4b:s4+s15], $0x20, s11, s15, $0xb8;
	[tilespmem:$0xFE00] =	vst v63  }
0x91: {  	_ =	swait.ge [sflag:s22], $0x1000  }
0x92: {  	[sflag:s22] =	ssyncset.done $0x0  }
.Ltmp0:
0x93: {  	s11 =	sadd.s32 $0x500, s10;
	[sflag:s22] =	ssyncadd.s32 $0xFFFFF000;
	(pc) =	sbr.rel @p1 .LBB2_2-.Ltmp0, $4  }
0x94: {  	[tilespmem:s23], [sflag:$0x5] =	stream.indirect.gather [hbm4b:s4+s15], $0x20, s11, s15, $0xb8;
	[tilespmem:$0xFE00] =	vst v63  }
0x95: {  	_ =	swait.ge [sflag:s24], $0x1000  }
0x96: {  	[sflag:s24] =	ssyncset.done $0x0  }
0x97: {  	s10 =	sadd.s32 $0x580, s10;
	[sflag:s24] =	ssyncadd.s32 $0xFFFFF000  }
0x98: {  	[tilespmem:s25], [sflag:$0x6] =	stream.indirect.gather [hbm4b:s4+s15], $0x20, s10, s15, $0xb8;
	[tilespmem:$0xFE00] =	vst v63  }
0x99: {  	_ =	swait.ge [sflag:s26], $0x1000  }
0x9a: {  	[sflag:s26] =	ssyncset.done $0x0  }
0x9b: {  	s9 =	simm.s32 $0x4B00;
	[sflag:s26] =	ssyncadd.s32 $0xFFFFF000  }
0x9c: {  	[spmem:s2] =	stream.indirect.scatter.add.f32 [tilespmem:s16], [sflag:$0x7], $0x20, s9, s15, $0xb8;
	[tilespmem:$0xFE00] =	vst v63  }
0x9d: {  	_ =	swait.ge [sflag:s28], $0x1000  }
0x9e: {  	[sflag:s28] =	ssyncset.done $0x0  }
0x9f: {  	s11 =	simm.s32 $0x4B80;
	[sflag:s28] =	ssyncadd.s32 $0xFFFFF000  }
0xa0: {  	[spmem:s2] =	stream.indirect.scatter.add.f32 [tilespmem:s17], [sflag:$0x8], $0x20, s11, s15, $0xb8;
	[tilespmem:$0xFE00] =	vst v63  }
0xa1: {  	_ =	swait.ge [sflag:s29], $0x1000  }
0xa2: {  	[sflag:s29] =	ssyncset.done $0x0  }
0xa3: {  	s10 =	simm.s32 $0x4C00;
	[sflag:s29] =	ssyncadd.s32 $0xFFFFF000  }
0xa4: {  	[spmem:s2] =	stream.indirect.scatter.add.f32 [tilespmem:s19], [sflag:$0x9], $0x20, s10, s15, $0xb8;
	[tilespmem:$0xFE00] =	vst v63  }
0xa5: {  	_ =	swait.ge [sflag:s30], $0x1000  }
0xa6: {  	[sflag:s30] =	ssyncset.done $0x0  }
0xa7: {  	s11 =	simm.s32 $0x4C80;
	[sflag:s30] =	ssyncadd.s32 $0xFFFFF000  }
0xa8: {  	[spmem:s2] =	stream.indirect.scatter.add.f32 [tilespmem:s21], [sflag:$0xA], $0x20, s11, s15, $0xb8;
	[tilespmem:$0xFE00] =	vst v63  }
0xa9: {  	_ =	swait.ge [sflag:s31], $0x1000  }
0xaa: {  	[sflag:s31] =	ssyncset.done $0x0  }
0xab: {  	s10 =	simm.s32 $0x4D00;
	[sflag:s31] =	ssyncadd.s32 $0xFFFFF000  }
0xac: {  	[spmem:s2] =	stream.indirect.scatter.add.f32 [tilespmem:s23], [sflag:$0xB], $0x20, s10, s15, $0xb8;
	[tilespmem:$0xFE00] =	vst v63  }
0xad: {  	_ =	swait.ge [sflag:s0], $0x1000  }
0xae: {  	[sflag:s0] =	ssyncset.done $0x0  }
0xaf: {  	s11 =	simm.s32 $0x4D80;
	[sflag:s0] =	ssyncadd.s32 $0xFFFFF000  }
0xb0: {  	[spmem:s2] =	stream.indirect.scatter.add.f32 [tilespmem:s25], [sflag:$0xC], $0x20, s11, s15, $0xb8;
	[tilespmem:$0xFE00] =	vst v63  }
0xb1: {  	_ =	swait.ge [sflag:s14], $0x1000  }
0xb2: {  	[sflag:s14] =	ssyncset.done $0x0  }
0xb3: {  	[sflag:s14] =	ssyncadd.s32 $0xFFFFF000  }
0xb4: {  	_ =	swait.ge [sflag:s1], $0x1000  }
0xb5: {  	[sflag:s1] =	ssyncset.done $0x0  }
0xb6: {  	[sflag:s1] =	ssyncadd.s32 $0xFFFFF000  }
0xb7: {  	_ =	swait.ge [sflag:s18], $0x1000  }
0xb8: {  	[sflag:s18] =	ssyncset.done $0x0  }
0xb9: {  	[sflag:s18] =	ssyncadd.s32 $0xFFFFF000  }
0xba: {  	_ =	swait.ge [sflag:s20], $0x1000  }
0xbb: {  	[sflag:s20] =	ssyncset.done $0x0  }
0xbc: {  	[sflag:s20] =	ssyncadd.s32 $0xFFFFF000  }
0xbd: {  	_ =	swait.ge [sflag:s22], $0x1000  }
0xbe: {  	[sflag:s22] =	ssyncset.done $0x0  }
0xbf: {  	[sflag:s22] =	ssyncadd.s32 $0xFFFFF000  }
0xc0: {  	_ =	swait.ge [sflag:s24], $0x1000  }
0xc1: {  	s9 =	simm.s32 @!p0 $0x80;
	[sflag:s24] =	ssyncset.done $0x0  }
0xc2: {  	s10 =	simm.s32 @!p0 $0x4E00;
	s11 =	simm.s32 @!p0 $0x4F00;
	[sflag:s24] =	ssyncadd.s32 $0xFFFFF000  }
0xc3: {  	[tilespmem:s11], [sflag:$0x1] =	stream.indirect.gather @!p0 [hbm4b:s4+s9], $0x20, s10, s9, $0xb8;
	[tilespmem:$0xFE00] =	vst v63  }
0xc4: {  	s10 =	simm.s32 @!p0 $0x1  }
0xc5: {  	_ =	swait.ge @!p0 [sflag:s10], $0x1000  }
0xc6: {  	[sflag:s10] =	ssyncset.done @!p0 $0x0  }
0xc7: {  	[sflag:s10] =	ssyncadd.s32 @!p0 $0xFFFFF000;
	s10 =	simm.s32 @!p0 $0x4E80  }
0xc8: {  	[spmem:s2] =	stream.indirect.scatter.add.f32 @!p0 [tilespmem:s11], [sflag:$0xD], $0x20, s10, s9, $0xb8;
	[tilespmem:$0xFE00] =	vst v63  }
0xc9: {  	s9 =	simm.s32 @!p0 $0xD  }
0xca: {  	_ =	swait.ge @!p0 [sflag:s9], $0x1000  }
0xcb: {  	[sflag:s9] =	ssyncset.done @!p0 $0x0  }
0xcc: {  	s6 =	sadd.s32 $0x1, s6;
	[sflag:s9] =	ssyncadd.s32 @!p0 $0xFFFFF000  }
0xcd: {  	p1 =	sne.s32 s6, s12;
	[bflag:$0x0] =	sbarrier.arrive $0xFFFF  }
.Ltmp1:
0xce: {  	s11 =	simm.s32 $0x10;
	s10 =	rddreg [dreg:$0x8];
	(pc) =	sbr.rel @p1 .LBB2_1-.Ltmp1, $4  }
0xcf: {  	[hbm:s10@s11], [sflag:s7] =	dma.strided [spmem:s8@s30], $0x9E0, s26, $0x4   }
0xd0: {  	_ =	swait.ge [sflag:s13], $0x9E0  }
0xd1: {  	[sflag:s13] =	ssyncset.done $0x0  }
0xd2: {  	[sflag:s13] =	ssyncadd.s32 $0xFFFFF620  }
0xd3: {  	_ =	sfence.sel $0x180000  }
0xd4: {  	[bflag:$0x0] =	sbarrier.arrive $0xFFFF  }
0xd5: {  	_ =	strace $0x9000004D  }
0xd6: {  	s0 =	stileid.u32;
	[bflag:$0x2] =	sbarrier.arrive $0xFFFF  }
0xd7: {  	p0 =	sne.s32 s0, $0x0;
	s0 =	rddreg [dreg:$0x2]  }
0xd8: {  	s0 =	sadd.s32 @!p0 $0x100000, s0  }
0xd9: {  	[sflag:s0] =	ssyncadd.tile.s32 @!p0 $0x1;
	_ =	shalt  }
.Lfunc_end2:
_tile_overlayer_lowered:
.L_overlay_start_2:
0xda: {  	(tag) =	ssettag $0x2  }
0xdb: {  	s0 =	rddreg [dreg:$0x0];
	s2 =	stileid.u32  }
0xdc: {  	s1 =	rddreg [dreg:$0x1];
	p0 =	sne.s32 s2, $0x0  }
0xdd: {  	s3 =	rddreg [dreg:$0x2];
	[bflag:$0x3] =	sbarrier.arrive $0xFFFF;
	s2 =	simm.s32 @!p0 $0x1C0D  }
0xde: {  	[timem:s3], [sflag:s2] =	dma.local @!p0 [hbm:s0], s1  }
0xdf: {  	s0 =	simm.s32 @!p0 $0xD  }
0xe0: {  	_ =	swait.ge @!p0 [sflag:s0], s1  }
0xe1: {  	s1 =	ssub.s32 @!p0 $0x0, s1;
	[sflag:s0] =	ssyncset.done @!p0 $0x0  }
0xe2: {  	[sflag:s0] =	ssyncadd.s32 @!p0 s1  }
0xe3: {  	[bflag:$0x3] =	sbarrier.arrive $0xFFFF  }
0xe4: {  	_ =	shalt  }

// kernel: kernel.8.cloned.1.call-start
scs
__scs_entry_jumppad:
0x0: {  	(pc) =	sbr.rel $0x88, $3  }
0x1: {  	(tag) =	ssettag $0x0;
	lr =	simm.s32 $0x1  }
0x2: {  	[smem:$0x3F92] =	sst lr;
	_ =	strace $0xD0000000  }
0x3: {  	_ = 	snop  }
0x4: {  	_ = 	snop  }
0x5: {  	_ = 	snop  }
0x6: {  	_ = 	snop  }
0x7: {  	_ = 	snop  }
__scs_overlays_trampoline_lowered:
0x8: {  	[smem:$0x3FA1] =	sst s0  }
0x9: {  	[smem:$0x3FA2] =	sst s1  }
0xa: {  	[smem:$0x3FA3] =	sst s2  }
0xb: {  	[smem:$0x3FA4] =	sst s3  }
0xc: {  	[smem:$0x3FA5] =	sst s4  }
0xd: {  	[smem:$0x3FA6] =	sst s5  }
0xe: {  	[smem:$0x3FA7] =	sst s6  }
0xf: {  	[smem:$0x3FA8] =	sst s7  }
0x10: {  	[smem:$0x3FA9] =	sst s8  }
0x11: {  	[smem:$0x3FAA] =	sst s9;
	s0 =	simm.s32 @!p0 $0x0  }
0x12: {  	s1 =	sld [smem:$0x3F90];
	s0 =	simm.s32 @p0 $0x1  }
0x13: {  	[smem:$0x3FAB] =	sst s0;
	s0 =	simm.s32 @!p1 $0x0  }
0x14: {  	s2 =	sld [smem:$0x3F8F];
	s0 =	simm.s32 @p1 $0x1  }
0x15: {  	[smem:$0x3FAC] =	sst s0;
	s0 =	simm.s32 @!p2 $0x0  }
0x16: {  	s3 =	sld [smem:$0x3FDB];
	s0 =	simm.s32 @p2 $0x1  }
0x17: {  	s4 =	simm.s32 $0x1BF5;
	[smem:$0x3FAE] =	sst s0  }
0x18: {  	s0 =	sld [smem:$0x3F91];
	_ =	swait.ge [sflag:s4], $0x0  }
0x19: {  	s7 =	sld [smem:$0x3F92]  }
0x1a: {  	s8 =	sadd.s32 $0xFFFFE003, lr  }
0x1b: {  	s9 =	sadd.s32 $0xFFFFFEF7, lr;
	s5 =	simm.s32 $0xFFFFFFFF;
	p2 =	slt.u32 s8, $0xFFFFF086  }
0x1c: {  	p1 =	slt.u32 s9, $0xF7A;
	s5 =	simm.s32 @!p2 $0x0  }
0x1d: {  	s5 =	simm.s32 @p1 $0x1;
	p0 =	seq.s32 s7, s2  }
0x1e: {  	s7 =	smul.u32 @!p0 $0xF7A, s2;
	p2 =	seq.s32 @!p0 s5, $0x0  }
0x1f: {  	s9 =	smul.u32 $0xF7A, s1;
	s8 =	simm.s32 @!p0 $0x1BF5;
	p2 =	por !p2, p0  }
0x20: {  	[sflag:s8] =	ssyncset.s32 @!p0 $0xFFFFF086;
	s6 =	sadd.s32 @!p0 s3, s7;
	s7 =	simm.s32 @!p0 $0x108  }
0x21: {  	s3 =	sadd.s32 s3, s9;
	s6 =	sadd.s32 @!p0 $0x88, s6;
	s7 =	simm.s32 @p2 $0x1082  }
0x22: {  	[simem:s7], [sflag:s8] =	dma.local @!p0 [hbm:s6], $0xF7A  }
0x23: {  	s9 =	sor.u32 $0xD0000000, s2;
	s6 =	simm.s32 $0x108;
	_ =	swait.ge @!p0 [sflag:s8], $0x0  }
0x24: {  	s3 =	sadd.s32 $0x88, s3;
	s6 =	simm.s32 @!p1 $0x1082;
	[sflag:s4] =	ssyncset.s32 $0xFFFFF086  }
0x25: {  	[simem:s6], [sflag:s4] =	dma.local [hbm:s3], $0xF7A  }
0x26: {  	[smem:$0x3F92] =	sst s1;
	(tag) =	ssettag s2;
	_ =	strace s9  }
0x27: {  	s1 =	sld [smem:$0x3FA2]  }
0x28: {  	s2 =	sld [smem:$0x3FA3]  }
0x29: {  	s4 =	sld [smem:$0x3FA5]  }
0x2a: {  	p0 =	seq.s32 s5, $0x0;
	s5 =	sld [smem:$0x3FA6]  }
0x2b: {  	s6 =	sld [smem:$0x3FA7]  }
0x2c: {  	s7 =	sld [smem:$0x3FA8]  }
0x2d: {  	s3 =	simm.s32 $0x108;
	s8 =	sld [smem:$0x3FA9]  }
0x2e: {  	s3 =	simm.s32 @!p0 $0x1082;
	s9 =	sld [smem:$0x3FAA]  }
0x2f: {  	lr =	sadd.s32 s0, s3;
	s0 =	sld [smem:$0x3FA1]  }
0x30: {  	s3 =	sld [smem:$0x3FA4]  }
0x31: {  	[smem:$0x3FAD] =	sst s10  }
0x32: {  	s10 =	sld [smem:$0x3FAB];
	_ =	sdelay $0x3  }
0x33: {  	p0 =	seq.s32 s10, $0x1;
	s10 =	sld [smem:$0x3FAD];
	_ =	sdelay $0x3  }
0x34: {  	[smem:$0x3FAD] =	sst s10  }
0x35: {  	s10 =	sld [smem:$0x3FAC];
	_ =	sdelay $0x3  }
0x36: {  	p1 =	seq.s32 s10, $0x1;
	s10 =	sld [smem:$0x3FAD];
	_ =	sdelay $0x3  }
0x37: {  	[smem:$0x3FAD] =	sst s10  }
0x38: {  	s10 =	sld [smem:$0x3FAE]  }
0x39: {  	_ = 	snop;
	(pc) =	sbr.ind lr, $3  }
0x3a: {  	_ = 	snop  }
0x3b: {  	_ = 	snop  }
0x3c: {  	p2 =	seq.s32 s10, $0x1;
	s10 =	sld [smem:$0x3FAD]  }
0x3d: {  	_ =	shalt  }
0x3e: {  	_ =	shalt  }
0x3f: {  	_ =	shalt  }
0x40: {  	_ =	shalt  }
0x41: {  	_ =	shalt  }
0x42: {  	_ =	shalt  }
0x43: {  	_ =	shalt  }
0x44: {  	_ =	shalt  }
0x45: {  	_ =	shalt  }
0x46: {  	_ =	shalt  }
0x47: {  	_ =	shalt  }
0x48: {  	_ =	shalt  }
0x49: {  	_ =	shalt  }
0x4a: {  	_ =	shalt  }
0x4b: {  	_ =	shalt  }
0x4c: {  	_ =	shalt  }
0x4d: {  	_ =	shalt  }
0x4e: {  	_ =	shalt  }
0x4f: {  	_ =	shalt  }
0x50: {  	_ =	shalt  }
0x51: {  	_ =	shalt  }
0x52: {  	_ =	shalt  }
0x53: {  	_ =	shalt  }
0x54: {  	_ =	shalt  }
0x55: {  	_ =	shalt  }
0x56: {  	_ =	shalt  }
0x57: {  	_ =	shalt  }
0x58: {  	_ =	shalt  }
0x59: {  	_ =	shalt  }
0x5a: {  	_ =	shalt  }
0x5b: {  	_ =	shalt  }
0x5c: {  	_ =	shalt  }
0x5d: {  	_ =	shalt  }
0x5e: {  	_ =	shalt  }
0x5f: {  	_ =	shalt  }
0x60: {  	_ =	shalt  }
0x61: {  	_ =	shalt  }
0x62: {  	_ =	shalt  }
0x63: {  	_ =	shalt  }
0x64: {  	_ =	shalt  }
0x65: {  	_ =	shalt  }
0x66: {  	_ =	shalt  }
0x67: {  	_ =	shalt  }
0x68: {  	_ =	shalt  }
0x69: {  	_ =	shalt  }
0x6a: {  	_ =	shalt  }
0x6b: {  	_ =	shalt  }
0x6c: {  	_ =	shalt  }
0x6d: {  	_ =	shalt  }
0x6e: {  	_ =	shalt  }
0x6f: {  	_ =	shalt  }
0x70: {  	_ =	shalt  }
0x71: {  	_ =	shalt  }
0x72: {  	_ =	shalt  }
0x73: {  	_ =	shalt  }
0x74: {  	_ =	shalt  }
0x75: {  	_ =	shalt  }
0x76: {  	_ =	shalt  }
0x77: {  	_ =	shalt  }
0x78: {  	_ =	shalt  }
0x79: {  	_ =	shalt  }
0x7a: {  	_ =	shalt  }
0x7b: {  	_ =	shalt  }
0x7c: {  	_ =	shalt  }
0x7d: {  	_ =	shalt  }
0x7e: {  	_ =	shalt  }
0x7f: {  	_ =	shalt  }
0x80: {  	_ =	shalt  }
0x81: {  	_ =	shalt  }
0x82: {  	_ =	shalt  }
0x83: {  	_ =	shalt  }
0x84: {  	_ =	shalt  }
0x85: {  	_ =	shalt  }
0x86: {  	_ =	shalt  }
0x87: {  	_ =	shalt  }
.Lfunc_end0:
.L_simem_size_0:
called_computation_lowered:
.L_overlay_start_0:
0x88: {  	s2 =	sld [smem:$0x3FD9]  }
0x89: {  	s3 =	sld [smem:$0x3FFE];
	_ =	sdelay $0x1  }
0x8a: {  	s1 =	srdreg.scid  }
0x8b: {  	s0 =	sand.u32 $0x1, s1  }
0x8c: {  	s16 =	sshll.u32 s0, $0xA;
	s2 =	sadd.s32 s3, s2  }
0x8d: {  	s2 =	sadd.s32 s2, s16  }
0x8e: {  	[smem:$0x3FB9] =	sst s2  }
0x8f: {  	_ = 	snop  }
0x90: {  	(tm) =	ssettm $0x1  }
0x91: {  	s17 =	sld [smem:$0x3FFB];
	_ =	sdelay $0x3  }
0x92: {  	_ =	strace s17  }
0x93: {  	s2 =	sld [smem:$0x3FFC];
	_ =	sdelay $0x3  }
0x94: {  	_ =	strace s2  }
0x95: {  	s2 =	sld [smem:$0x3FFD];
	_ =	sdelay $0x3  }
0x96: {  	_ =	strace s2  }
0x97: {  	_ =	strace $0x8FFFFFFF  }
0x98: {  	s18 =	sld [smem:$0x3FDB];
	_ =	sdelay $0x1  }
0x99: {  	s19 =	simm.s32 $_scs_section_size  }
0x9a: {  	s4 =	simm.s32 $_size__tile_overlayer_lowered;
	s5 =	simm.s32 $_tile_overlayer_lowered  }
0x9b: {  	s22 =	simm.s32 $0x1BFF;
	s21 =	sshll.u32 s5, $0x1;
	s2 =	sadd.s32 s19, s18  }
0x9c: {  	s6 =	simm.s32 $0x0;
	s20 =	sshll.u32 s4, $0x1;
	s4 =	sadd.s32 s21, s2  }
0x9d: {  	[timem:s6], [sflag:s22] =	dma.local [hbm:s4], s20  }
0x9e: {  	_ =	swait.ge [sflag:s22], s20  }
0x9f: {  	s3 =	ssub.s32 $0x0, s20;
	[sflag:s22] =	ssyncset.done $0x0  }
0xa0: {  	[sflag:s22] =	ssyncadd.s32 s3;
	_ =	sdelay $0x1  }
0xa1: {  	s23 =	simm.s32 $0x1B8B  }
0xa2: {  	_ =	swait.ge [sflag:s23], $0x1  }
0xa3: {  	[sflag:s23] =	ssyncset.done $0x0  }
0xa4: {  	s25 =	simm.s32 $0x1B8E;
	s24 =	sld [smem:$0x3FFE];
	[sflag:s23] =	ssyncadd.s32 $0xFFFFFFFF  }
0xa5: {  	s26 =	simm.s32 $execute0_lowered;
	[smem:$0x3FD2] =	sst s25  }
0xa6: {  	s4 =	sshll.u32 s26, $0x1;
	_ =	strace $0x80000046;
	[dreg:$0x1] =	wrdreg $0xFFFFFFFF  }
0xa7: {  	s28 =	simm.s32 $_size_execute0_lowered;
	s2 =	sadd.s32 s2, s4;
	[dreg:$0x0] =	wrdreg $0x0  }
0xa8: {  	s4 =	sshll.u32 s28, $0x1;
	[dreg:$0x2] =	wrdreg s2  }
0xa9: {  	[dreg:$0x3] =	wrdreg s4  }
0xaa: {  	[dreg:$0x4] =	wrdreg $0xC0  }
0xab: {  	_ =	task [dreg:s6], $0x5FFFF  }
0xac: {  	[dreg:$0x1] =	wrdreg $0xFFFFFFFF  }
0xad: {  	[dreg:$0x0] =	wrdreg $0x60  }
0xae: {  	[dreg:$0x2] =	wrdreg s24  }
0xaf: {  	[dreg:$0x3] =	wrdreg $0x2F800  }
0xb0: {  	[dreg:$0x4] =	wrdreg $0x9  }
0xb1: {  	_ =	task.clear_ibuf [dreg:s6], $0x5FFFF;
	_ =	strace $0x90000046  }
0xb2: {  	s29 =	simm.s32 $0x9;
	_ =	strace $0x80000048  }
0xb3: {  	_ =	swait.ge [sflag:s29], $0x1  }
0xb4: {  	[sflag:s29] =	ssyncadd.s32 $0xFFFFFFFF  }
0xb5: {  	_ =	strace $0x90000048  }
0xb6: {  	_ =	sfence  }
0xb7: {  	s30 =	sld [smem:$0x0];
	_ =	sdelay $0x2  }
0xb8: {  	s31 =	sshll.u32 s1, $0xD;
	s1 =	sshrl.u32 s1, $0x2  }
0xb9: {  	s3 =	sand.u32 $0x4000, s31;
	s1 =	sadd.s32 s1, s30  }
0xba: {  	s0 =	sor.u32 s3, s0;
	s1 =	sshll.u32 s1, $0x11  }
0xbb: {  	s0 =	sor.u32 s1, s0  }
0xbc: {  	s0 =	sadd.s32 $0x8F2B, s0  }
0xbd: {  	[sflag:s0] =	ssyncadd.remote.s32 $0x1  }
0xbe: {  	_ =	sfence.sel $0xFFFF  }
0xbf: {  	[dreg:$0x0] =	wrdreg $0xFFFFFFFF;
	(pc) =	sbr.abs _section_cstart, $3  }
0xc0: {  	[dreg:$0x1] =	wrdreg $0xFFFFFFFF  }
0xc1: {  	_ =	task.clear_ibuf [dreg:s6], $0x2FFFF;
	_ =	strace $0x9FFFFFFF  }
0xc2: {  	(tm) =	ssettm $0x7FFFFFFF  }
0xc3: {  	_ =	shalt  }
tec
execute0_lowered:
.L_overlay_start_1:
0x0: {  	(tag) =	ssettag $0x1  }
0x1: {  	s5 =	rddreg [dreg:$0x0]  }
0x2: {  	s2 =	rddreg [dreg:$0x1]  }
0x3: {  	s0 =	rddreg [dreg:$0x2]  }
0x4: {  	s1 =	stileid.u32;
	s4 =	srdreg.scid  }
0x5: {  	s3 =	simm.s32 $0x0;
	s14 =	simm.s32 $0x80;
	s15 =	simm.s32 $0x1  }
0x6: {  	s16 =	simm.s32 $0x10;
	s17 =	simm.s32 $0x0;
	s7 =	smul.u32 $0x2780, s1  }
0x7: {  	s6 =	sand.u32 $0x1, s4;
	[smem:$0x7FF] =	sst s3;
	s8 =	smul.u32 $0x13C00, s1  }
0x8: {  	s9 =	sadd.s32 $0x3400, s5;
	s31 =	sshll.u32 s1, $0x6;
	s4 =	sshll.u32 s6, $0x4  }
0x9: {  	_ =	strace $0x80000047;
	s25 =	ssub.s32 $0x2, s6;
	s10 =	sor.u32 s1, s4  }
0xa: {  	s11 =	sshrl.u32 s7, $0x3;
	s8 =	sor.u32 s4, s8;
	s4 =	sadd.s32 $0x1BE00, s5  }
0xb: {  	s28 =	sshrl.u32 s25, $0x1;
	s30 =	sadd.s32 s7, s2;
	s12 =	smul.u32 $0x2700, s10  }
0xc: {  	s11 =	sadd.s32 s11, s5;
	s8 =	sshrl.u32 s8, $0x3;
	s13 =	sshll.u32 s10, $0x4  }
0xd: {  	p0 =	slt.u32 s10, $0x1C;
	s10 =	simm.s32 $0x2;
	s8 =	sadd.s32 s8, s5  }
0xe: {  	s29 =	sadd.s32 s13, s9;
	s7 =	sadd.s32 $0x16E00, s11;
	s11 =	simm.s32 $0x2780  }
0xf: {  	s13 =	sshrl.u32 s30, $0x3;
	s26 =	sshrl.u32 s12, $0x3;
	s12 =	ssub.s32 s25, s28  }
0x10: {  	s8 =	sadd.s32 $0x1C000, s8;
	s6 =	sadd.s32 s9, s26;
	s9 =	smax.u32 s12, $0x1  }
0x11: {  	s12 =	sor.u32 $0x1C02, s31;
	s5 =	sadd.s32 $0x9C40, s6;
	s6 =	sadd.s32 $0x13680, s29  }
.LBB2_1:
0x12: {  	[tilespmem:s3], [sflag:$0x2] =	stream.linear.gather [hbm4b:s5+s3], $0x2700, $0x38;
	[tilespmem:$0x5700] =	vst v63  }
0x13: {  	_ =	swait.ge [sflag:s10], $0x2700  }
0x14: {  	[sflag:s10] =	ssyncset.done $0x0  }
0x15: {  	s18 =	simm.s32 @!p0 $0x0;
	s19 =	simm.s32 @!p0 $0x2700;
	[sflag:s10] =	ssyncadd.s32 $0xFFFFD900  }
0x16: {  	[tilespmem:s19], [sflag:$0x2] =	stream.linear.gather @!p0 [hbm4b:s6+s18], $0x80, $0x38;
	[tilespmem:$0x5700] =	vst v63  }
0x17: {  	s18 =	simm.s32 @!p0 $0x2  }
0x18: {  	_ =	swait.ge @!p0 [sflag:s18], $0x80  }
0x19: {  	[sflag:s18] =	ssyncset.done @!p0 $0x0  }
0x1a: {  	[sflag:s18] =	ssyncadd.s32 @!p0 $0xFFFFFF80  }
0x1b: {  	[tilespmem:s11], [sflag:$0x2] =	stream.linear.gather [hbm4b:s4+s3], $0x800, $0x38;
	[tilespmem:$0x5700] =	vst v63  }
0x1c: {  	_ =	swait.ge [sflag:s10], $0x800  }
0x1d: {  	[sflag:s10] =	ssyncset.done $0x0  }
0x1e: {  	[sflag:s10] =	ssyncadd.s32 $0xFFFFF800  }
0x1f: {  	[spmem:s13], [sflag:s12] =	dma.local [hbm:s7], $0x4F0  }
0x20: {  	_ =	swait.ge [sflag:s10], $0x4F0  }
0x21: {  	[sflag:s10] =	ssyncset.done $0x0  }
0x22: {  	[sflag:s10] =	ssyncadd.s32 $0xFFFFFB10  }
0x23: {  	s19 =	simm.s32 $0x0;
	s18 =	simm.s32 $0x200;
	[bflag:$0x0] =	sbarrier.arrive $0xFFFF  }
.LBB2_2:
0x24: {  	[spmem:s2] =	stream.indirect.scatter.add.f32 [tilespmem:s11], [sflag:$0x1], $0x10, s19, s14, $0xb8;
	[tilespmem:$0x5700] =	vst v63  }
0x25: {  	s19 =	smov.u32 s18;
	p1 =	sne.s32 s18, $0x9A00  }
.Ltmp0:
0x26: {  	s18 =	sadd.s32 $0x200, s18;
	(pc) =	sbr.rel @p1 .LBB2_2-.Ltmp0, $2  }
0x27: {  	_ =	sdelay $0x2  }
0x28: {  	s19 =	sshra.s32 s19, $0x2  }
0x29: {  	[spmem:s2] =	stream.indirect.scatter.add.f32 [tilespmem:s11], [sflag:$0x1], $0x10, s19, s14, $0xb8;
	[tilespmem:$0x5700] =	vst v63  }
0x2a: {  	s18 =	simm.s32 @!p0 $0x80;
	s19 =	simm.s32 @!p0 $0x2700;
	s20 =	simm.s32 @!p0 $0x2780  }
0x2b: {  	[spmem:s2] =	stream.indirect.scatter.add.f32 @!p0 [tilespmem:s20], [sflag:$0x1], $0x10, s19, s18, $0xb8;
	[tilespmem:$0x5700] =	vst v63  }
0x2c: {  	_ =	swait.ge [sflag:s15], $0x800  }
0x2d: {  	s18 =	simm.s32 $0x4D;
	[sflag:s15] =	ssyncset.done $0x0  }
.LBB2_4:
0x2e: {  	p1 =	sne.s32 s18, $0x1;
	s18 =	sadd.s32 $0xFFFFFFFF, s18;
	[sflag:s15] =	ssyncadd.s32 $0xFFFFF800  }
.Ltmp1:
0x2f: {  	(pc) =	sbr.rel @p1 .LBB2_4-.Ltmp1, $3  }
0x30: {  	_ =	sdelay $0x1  }
0x31: {  	_ =	swait.ge [sflag:s15], $0x800  }
0x32: {  	[sflag:s15] =	ssyncset.done $0x0  }
0x33: {  	[sflag:s15] =	ssyncadd.s32 $0xFFFFF800;
	s18 =	simm.s32 @!p0 $0x1  }
0x34: {  	_ =	swait.ge @!p0 [sflag:s18], $0x800  }
0x35: {  	s17 =	sadd.s32 $0x1, s17;
	[sflag:s18] =	ssyncset.done @!p0 $0x0  }
0x36: {  	p1 =	sne.s32 s17, s9;
	[sflag:s18] =	ssyncadd.s32 @!p0 $0xFFFFF800  }
.Ltmp2:
0x37: {  	[bflag:$0x0] =	sbarrier.arrive $0xFFFF;
	(pc) =	sbr.rel @p1 .LBB2_1-.Ltmp2, $4  }
0x38: {  	[hbm:s8@s16], [sflag:s12] =	dma.strided [spmem:s13@s10], $0x4F0, s15, $0x2   }
0x39: {  	_ =	swait.ge [sflag:s10], $0x4F0  }
0x3a: {  	[sflag:s10] =	ssyncset.done $0x0  }
0x3b: {  	[sflag:s10] =	ssyncadd.s32 $0xFFFFFB10  }
0x3c: {  	_ =	sfence.sel $0x180000  }
0x3d: {  	[bflag:$0x0] =	sbarrier.arrive $0xFFFF  }
0x3e: {  	p0 =	sne.s32 s1, $0x0;
	_ =	strace $0x90000047  }
0x3f: {  	s0 =	sadd.s32 @!p0 $0x100000, s0;
	[bflag:$0x2] =	sbarrier.arrive $0xFFFF  }
0x40: {  	[sflag:s0] =	ssyncadd.tile.s32 @!p0 $0x1;
	_ =	shalt  }
.Lfunc_end2:
_tile_overlayer_lowered:
.L_overlay_start_2:
0x41: {  	(tag) =	ssettag $0x2  }
0x42: {  	s0 =	rddreg [dreg:$0x0];
	s2 =	stileid.u32  }
0x43: {  	s1 =	rddreg [dreg:$0x1];
	p0 =	sne.s32 s2, $0x0  }
0x44: {  	s3 =	rddreg [dreg:$0x2];
	[bflag:$0x3] =	sbarrier.arrive $0xFFFF;
	s2 =	simm.s32 @!p0 $0x1C02  }
0x45: {  	[timem:s3], [sflag:s2] =	dma.local @!p0 [hbm:s0], s1  }
0x46: {  	s0 =	simm.s32 @!p0 $0x2  }
0x47: {  	_ =	swait.ge @!p0 [sflag:s0], s1  }
0x48: {  	s1 =	ssub.s32 @!p0 $0x0, s1;
	[sflag:s0] =	ssyncset.done @!p0 $0x0  }
0x49: {  	[sflag:s0] =	ssyncadd.s32 @!p0 s1  }
0x4a: {  	[bflag:$0x3] =	sbarrier.arrive $0xFFFF  }
0x4b: {  	_ =	shalt  }

</sc_bundles>
